<compile_context>
chip_gen: v7x
topology: tpu7x:2x2x1
jax: 0.10.2.dev20260603
libtpu: 0.0.44.dev20260713+nightly
codegen_flags: <defaults>
</compile_context>

<pallas_src>
import functools

import jax
import jax.numpy as jnp
import numpy as np
from jax import lax
from jax.experimental import pallas as pl
from jax.experimental.pallas import tpu as pltpu
from jax.experimental.pallas import tpu_sc as plsc

N, D, E, MID, OUT = 10000, 128, 320000, 128, 128

NC, NS, L = 2, 16, 16
H = MID // NC
EPW = E // NS
K = 80
NCHUNK = EPW // K
NBUF = 5
NBLK = N // K
BPT = -(-NBLK // NS)

ROW_BLK = 1000
GRID = N // ROW_BLK

def _mm3_body(x_ref, w1_ref, b1_ref, w2_ref, b2_ref, wr_ref, br_ref,
              m1_ref, m2_ref, h1_ref):
    x = x_ref[...]
    m1 = jnp.dot(x, w1_ref[...], preferred_element_type=jnp.float32) + b1_ref[...]
    m2 = jnp.dot(x, w2_ref[...], preferred_element_type=jnp.float32) + b2_ref[...]
    m1_ref[0] = m1[:, :H]
    m1_ref[1] = m1[:, H:]
    m2_ref[0] = m2[:, :H]
    m2_ref[1] = m2[:, H:]
    h1_ref[...] = jnp.dot(x, wr_ref[...], preferred_element_type=jnp.float32) + br_ref[...]


def _mm3(x, w1, b1, w2, b2, wr, br):
    blk = pl.BlockSpec((ROW_BLK, D), lambda i: (i, 0))
    hblk = pl.BlockSpec((NC, ROW_BLK, H), lambda i: (0, i, 0))
    wspec = pl.BlockSpec((D, MID), lambda i: (0, 0))
    bspec = pl.BlockSpec((1, MID), lambda i: (0, 0))
    return pl.pallas_call(
        _mm3_body,
        grid=(GRID,),
        in_specs=[blk, wspec, bspec, wspec, bspec, wspec, bspec],
        out_specs=[hblk, hblk, blk],
        out_shape=[
            jax.ShapeDtypeStruct((NC, N, H), jnp.float32),
            jax.ShapeDtypeStruct((NC, N, H), jnp.float32),
            jax.ShapeDtypeStruct((N, MID), jnp.float32),
        ],
    )(x, w1, b1, w2, b2, wr, br)


def _final_body(h1_ref, m_ref, wo_ref, bo_ref, out_ref):
    msgs = jnp.concatenate([m_ref[0], m_ref[1]], axis=-1)
    h2 = jnp.dot(msgs, wo_ref[...], preferred_element_type=jnp.float32) + bo_ref[...]
    out_ref[...] = jnp.maximum(h1_ref[...] + h2, 0.0)


def _final(h1, msgs_halves, wo, bo):
    blk = pl.BlockSpec((ROW_BLK, D), lambda i: (i, 0))
    return pl.pallas_call(
        _final_body,
        grid=(GRID,),
        in_specs=[
            blk,
            pl.BlockSpec((NC, ROW_BLK, H), lambda i: (0, i, 0)),
            pl.BlockSpec((MID, OUT), lambda i: (0, 0)),
            pl.BlockSpec((1, OUT), lambda i: (0, 0)),
        ],
        out_specs=blk,
        out_shape=jax.ShapeDtypeStruct((N, OUT), jnp.float32),
    )(h1, msgs_halves, wo, bo)


def _edge_body(m1_hbm, m2_hbm, rows_hbm, cols_hbm, out_hbm,
               ridx, cidx, g1, g2, sf, acc, semi, semr, semc, sems):
    c = lax.axis_index("c")
    s = lax.axis_index("s")

    zeros = jnp.zeros((L,), jnp.float32)

    def _zero_row(r, _):
        for j in range(H // L):
            sf[0, r, pl.ds(j * L, L)] = zeros
        return 0

    lax.fori_loop(0, K, _zero_row, 0)

    for jb in range(BPT):
        b = s + jb * NS

        @pl.when(b < NBLK)
        def _():
            pltpu.sync_copy(sf.at[0], acc.at[pl.ds(b * K, K)])

    plsc.subcore_barrier()

    m1h = m1_hbm.at[c]
    m2h = m2_hbm.at[c]

    def _group(r, _):
        for b in range(NBUF):
            base = (r * NBUF + b) * K + s * EPW

            @pl.when(r > 0)
            def _():
                pltpu.make_async_copy(sf.at[b], acc.at[ridx.at[b]], sems.at[b]).wait()

            pltpu.async_copy(rows_hbm.at[pl.ds(base, K)], ridx.at[b], semi.at[b])
            pltpu.async_copy(cols_hbm.at[pl.ds(base, K)], cidx.at[b], semi.at[b])
        for b in range(NBUF):
            base = (r * NBUF + b) * K + s * EPW
            pltpu.make_async_copy(rows_hbm.at[pl.ds(base, K)], ridx.at[b], semi.at[b]).wait()
            pltpu.make_async_copy(cols_hbm.at[pl.ds(base, K)], cidx.at[b], semi.at[b]).wait()
            pltpu.async_copy(m1h.at[ridx.at[b]], g1.at[b], semr.at[b])
            pltpu.async_copy(m2h.at[cidx.at[b]], g2.at[b], semc.at[b])
        for b in range(NBUF):
            pltpu.make_async_copy(m1h.at[ridx.at[b]], g1.at[b], semr.at[b]).wait()
            pltpu.make_async_copy(m2h.at[cidx.at[b]], g2.at[b], semc.at[b]).wait()

            def _row(rr, _):
                for j in range(H // L):
                    sl = pl.ds(j * L, L)
                    sf[b, rr, sl] = jnp.maximum(g1[b, rr, sl] + g2[b, rr, sl], 0.0)
                return 0

            lax.fori_loop(0, K, _row, 0)
            pltpu.async_copy(sf.at[b], acc.at[ridx.at[b]], sems.at[b], add=True)
        return 0

    lax.fori_loop(0, NCHUNK // NBUF, _group, 0)
    for b in range(NBUF):
        pltpu.make_async_copy(sf.at[b], acc.at[ridx.at[b]], sems.at[b]).wait()
    plsc.subcore_barrier()

    for jb in range(BPT):
        b = s + jb * NS

        @pl.when(b < NBLK)
        def _():
            pltpu.sync_copy(acc.at[pl.ds(b * K, K)],
                            out_hbm.at[c, pl.ds(b * K, K)])


@functools.partial(
    pl.kernel,
    out_type=jax.ShapeDtypeStruct((NC, N, H), jnp.float32),
    mesh=plsc.VectorSubcoreMesh(core_axis_name="c", subcore_axis_name="s"),
    compiler_params=pltpu.CompilerParams(use_tc_tiling_on_sc=False,
                                         needs_layout_passes=False),
    scratch_types=[
        pltpu.VMEM((NBUF, K), jnp.int32),
        pltpu.VMEM((NBUF, K), jnp.int32),
        pltpu.VMEM((NBUF, K, H), jnp.float32),
        pltpu.VMEM((NBUF, K, H), jnp.float32),
        pltpu.VMEM((NBUF, K, H), jnp.float32),
        pltpu.VMEM_SHARED((N, H), jnp.float32),
        pltpu.SemaphoreType.DMA((NBUF,)),
        pltpu.SemaphoreType.DMA((NBUF,)),
        pltpu.SemaphoreType.DMA((NBUF,)),
        pltpu.SemaphoreType.DMA((NBUF,)),
    ],
)
def _edge_sc(m1_hbm, m2_hbm, rows_hbm, cols_hbm, out_hbm,
             ridx, cidx, g1, g2, sf, acc, semi, semr, semc, sems):
    _edge_body(m1_hbm, m2_hbm, rows_hbm, cols_hbm, out_hbm,
               ridx, cidx, g1, g2, sf, acc, semi, semr, semc, sems)


def kernel(features, rows, cols, W1, b1, W2, b2, Wo, bo, Wr, br):
    m1s, m2s, h1 = _mm3(features, W1, b1.reshape(1, MID),
                        W2, b2.reshape(1, MID), Wr, br.reshape(1, OUT))
    msgs_halves = _edge_sc(m1s, m2s, rows, cols)
    return _final(h1, msgs_halves, Wo, bo.reshape(1, OUT))

# --- scband reference (transcript-rebuilt; emitter-appended) ---
"""Pipeline reference for scband-mpnn-4217657884679 (READ-ONLY COPY).

The authoritative reference and input builder live on the scoring server;
editing this copy changes nothing except your own understanding.
"""

import jax, jax.numpy as jnp
import numpy as np

N, D, E, MID, OUT = 10000, 128, 320000, 128, 128


def setup_inputs(seed: int = 0) -> dict:
    key = jax.random.key(seed)
    ks = jax.random.split(key, 12)
    features = jax.random.normal(ks[0], (N, D), dtype=jnp.float32)
    rows = jax.random.randint(ks[1], (E,), 0, N, dtype=jnp.int32)
    cols = jax.random.randint(ks[2], (E,), 0, N, dtype=jnp.int32)
    s = 1.0 / np.sqrt(D)
    W1 = jax.random.normal(ks[3], (D, MID), dtype=jnp.float32) * s
    b1 = jnp.zeros((MID,), dtype=jnp.float32)
    W2 = jax.random.normal(ks[4], (D, MID), dtype=jnp.float32) * s
    b2 = jnp.zeros((MID,), dtype=jnp.float32)
    Wo = jax.random.normal(ks[5], (MID, OUT), dtype=jnp.float32) * (1.0 / np.sqrt(MID))
    bo = jnp.zeros((OUT,), dtype=jnp.float32)
    Wr = jax.random.normal(ks[6], (D, OUT), dtype=jnp.float32) * s
    br = jnp.zeros((OUT,), dtype=jnp.float32)
    return {"features": features, "rows": rows, "cols": cols,
            "W1": W1, "b1": b1, "W2": W2, "b2": b2,
            "Wo": Wo, "bo": bo, "Wr": Wr, "br": br}


def reference(features, rows, cols, W1, b1, W2, b2, Wo, bo, Wr, br):
    # direction=FORWARD, reduction=SUM, residual=True, message_relu=True, activation=relu
    msg_1_1 = features @ W1 + b1
    msg_2_1 = features @ W2 + b2
    # jax_coo_sum: gather on rows/cols, relu, scatter-add into rows
    msg_vect = jax.nn.relu(msg_1_1[rows] + msg_2_1[cols])
    msgs = jnp.zeros_like(msg_2_1).at[rows].add(msg_vect)
    h_2 = msgs @ Wo + bo
    h_1 = features @ Wr + br
    network_output = h_1 + h_2
    return jax.nn.relu(network_output)

if __name__ == "__main__":
    import jax
    _d = setup_inputs()
    print(jax.jit(kernel)(*tuple(_d.values())))

</pallas_src>

<mosaic_0001>
#map = affine_map<(d0, d1) -> (0, 0, 0)>
#map1 = affine_map<(d0, d1) -> (0)>
module attributes {stable_mosaic.version = 14 : i64} {
  func.func @_edge_sc(%arg0: i32, %arg1: i32, %arg2: memref<2x10000x64xf32, #tpu.memory_space<hbm>>, %arg3: memref<2x10000x64xf32, #tpu.memory_space<hbm>>, %arg4: memref<320000xi32, #tpu.memory_space<hbm>>, %arg5: memref<320000xi32, #tpu.memory_space<hbm>>, %arg6: memref<2x10000x64xf32, #tpu.memory_space<hbm>>, %arg7: memref<5x80xi32, #tpu.memory_space<vmem>>, %arg8: memref<5x80xi32, #tpu.memory_space<vmem>>, %arg9: memref<5x80x64xf32, #tpu.memory_space<vmem>>, %arg10: memref<5x80x64xf32, #tpu.memory_space<vmem>>, %arg11: memref<5x80x64xf32, #tpu.memory_space<vmem>>, %arg12: memref<10000x64xf32, #tpu.memory_space<vmem_shared>>, %arg13: memref<5x!tpu.dma_semaphore, #tpu.memory_space<semaphore_mem>>, %arg14: memref<5x!tpu.dma_semaphore, #tpu.memory_space<semaphore_mem>>, %arg15: memref<5x!tpu.dma_semaphore, #tpu.memory_space<semaphore_mem>>, %arg16: memref<5x!tpu.dma_semaphore, #tpu.memory_space<semaphore_mem>>) attributes {dimension_semantics = [#tpu.dimension_semantics<core_parallel>, #tpu.dimension_semantics<subcore_parallel>], iteration_bounds = array<i64: 2, 16>, scalar_prefetch = 0 : i64, scratch_operands = 10 : i64, tpu.core_type = #tpu.core_type<sc_vector_subcore>, window_params = [{transform_indices = #map}, {transform_indices = #map}, {transform_indices = #map1}, {transform_indices = #map1}, {transform_indices = #map}]} {
    %broadcast_in_dim3A = arith.constant 0.000000e+00 : f32
    %broadcast_in_dim3A_0 = vector.broadcast %broadcast_in_dim3A : f32 to vector<16xf32>
    %scan3A = arith.constant 0 : i32
    %scan3A_1 = arith.constant 0 : i32
    %scan3A_2 = arith.constant 80 : i32
    %scan3A_3 = arith.addi %scan3A_1, %scan3A_2 : i32
    %scan3A_4 = arith.constant 1 : i32
    %scan3A_5 = scf.for %scan3A_197 = %scan3A_1 to %scan3A_3 step %scan3A_4 iter_args(%scan3A_198 = %scan3A) -> (i32)  : i32 {
      %swap3A = arith.constant 0 : i32
      %swap3A_199 = arith.index_cast %swap3A : i32 to index
      %swap3A_200 = arith.index_cast %scan3A_197 : i32 to index
      %swap3A_201 = arith.constant 0 : index
      %swap3A_202 = tpu.vector_load %arg11[%swap3A_199, %swap3A_200, %swap3A_201] {strides = array<i32>} : memref<5x80x64xf32, #tpu.memory_space<vmem>>, vector<16xf32>,
      tpu.vector_store %arg11[%swap3A_199, %swap3A_200, %swap3A_201], %broadcast_in_dim3A_0 {strides = array<i32>} : memref<5x80x64xf32, #tpu.memory_space<vmem>>, vector<16xf32>,
      %swap3A_203 = arith.constant 0 : i32
      %swap3A_204 = arith.index_cast %swap3A_203 : i32 to index
      %swap3A_205 = arith.index_cast %scan3A_197 : i32 to index
      %swap3A_206 = arith.constant 16 : index
      %swap3A_207 = tpu.vector_load %arg11[%swap3A_204, %swap3A_205, %swap3A_206] {strides = array<i32>} : memref<5x80x64xf32, #tpu.memory_space<vmem>>, vector<16xf32>,
      tpu.vector_store %arg11[%swap3A_204, %swap3A_205, %swap3A_206], %broadcast_in_dim3A_0 {strides = array<i32>} : memref<5x80x64xf32, #tpu.memory_space<vmem>>, vector<16xf32>,
      %swap3A_208 = arith.constant 0 : i32
      %swap3A_209 = arith.index_cast %swap3A_208 : i32 to index
      %swap3A_210 = arith.index_cast %scan3A_197 : i32 to index
      %swap3A_211 = arith.constant 32 : index
      %swap3A_212 = tpu.vector_load %arg11[%swap3A_209, %swap3A_210, %swap3A_211] {strides = array<i32>} : memref<5x80x64xf32, #tpu.memory_space<vmem>>, vector<16xf32>,
      tpu.vector_store %arg11[%swap3A_209, %swap3A_210, %swap3A_211], %broadcast_in_dim3A_0 {strides = array<i32>} : memref<5x80x64xf32, #tpu.memory_space<vmem>>, vector<16xf32>,
      %swap3A_213 = arith.constant 0 : i32
      %swap3A_214 = arith.index_cast %swap3A_213 : i32 to index
      %swap3A_215 = arith.index_cast %scan3A_197 : i32 to index
      %swap3A_216 = arith.constant 48 : index
      %swap3A_217 = tpu.vector_load %arg11[%swap3A_214, %swap3A_215, %swap3A_216] {strides = array<i32>} : memref<5x80x64xf32, #tpu.memory_space<vmem>>, vector<16xf32>,
      tpu.vector_store %arg11[%swap3A_214, %swap3A_215, %swap3A_216], %broadcast_in_dim3A_0 {strides = array<i32>} : memref<5x80x64xf32, #tpu.memory_space<vmem>>, vector<16xf32>,
      %scan3A_218 = arith.constant 0 : i32
      scf.yield %scan3A_218 : i32
    }
    %scan3A_6 = arith.constant 80 : i32
    %add3A = arith.constant 0 : i32
    %add3A_7 = arith.addi %arg1, %add3A : i32
    %lt3A = arith.constant 125 : i32
    %lt3A_8 = arith.cmpi slt, %add3A_7, %lt3A : i32
    %convert_element_type3A = arith.extui %lt3A_8 : i1 to i32
    %cond3A = arith.constant 0 : i32
    %cond3A_9 = arith.cmpi ne, %convert_element_type3A, %cond3A : i32
    scf.if %cond3A_9 {
      %mul3A = arith.constant 80 : i32
      %mul3A_197 = arith.muli %add3A_7, %mul3A : i32
      %run_scoped3A = arith.constant 0 : i32
      "tpu.region"() ({
        %run_scoped3A_198 = tpu.sem_alloc : memref<!tpu.dma_semaphore, #tpu.memory_space<semaphore_mem>>
        %dma_start3A = arith.constant 0 : i32
        %dma_start3A_199 = arith.constant 0 : i32
        %dma_start3A_200 = tpu.memref_slice %arg11[%run_scoped3A, %dma_start3A, %dma_start3A_199] : memref<5x80x64xf32, #tpu.memory_space<vmem>> -> memref<1x80x64xf32, #tpu.memory_space<vmem>>
        %dma_start3A_201 = tpu.memref_squeeze %dma_start3A_200 : memref<1x80x64xf32, #tpu.memory_space<vmem>> -> memref<80x64xf32, #tpu.memory_space<vmem>>
        %dma_start3A_202 = arith.constant 0 : i32
        %dma_start3A_203 = tpu.memref_slice %arg12[%mul3A_197, %dma_start3A_202] : memref<10000x64xf32, #tpu.memory_space<vmem_shared>> -> memref<80x64xf32, #tpu.memory_space<vmem_shared>>
        %dma_start3A_204 = arith.constant 0 : i32
        %dma_start3A_205 = tpu.memref_slice %arg12[%mul3A_197, %dma_start3A_204] : memref<10000x64xf32, #tpu.memory_space<vmem_shared>> -> memref<80x64xf32, #tpu.memory_space<vmem_shared>>
        %dma_start3A_206 = arith.constant 0 : i32
        %dma_start3A_207 = arith.constant 0 : i32
        %dma_start3A_208 = tpu.memref_slice %arg11[%run_scoped3A, %dma_start3A_206, %dma_start3A_207] : memref<5x80x64xf32, #tpu.memory_space<vmem>> -> memref<1x80x64xf32, #tpu.memory_space<vmem>>
        %dma_start3A_209 = tpu.memref_squeeze %dma_start3A_208 : memref<1x80x64xf32, #tpu.memory_space<vmem>> -> memref<80x64xf32, #tpu.memory_space<vmem>>
        tpu.enqueue_dma source(%dma_start3A_209 : memref<80x64xf32, #tpu.memory_space<vmem>>) target(%dma_start3A_205 : memref<80x64xf32, #tpu.memory_space<vmem_shared>>) target_semaphore(%run_scoped3A_198 : memref<!tpu.dma_semaphore, #tpu.memory_space<semaphore_mem>>)
        %dma_wait3A_210 = arith.constant 0 : i32
        %dma_wait3A_211 = arith.constant 0 : i32
        %dma_wait3A_212 = tpu.memref_slice %arg11[%run_scoped3A, %dma_wait3A_210, %dma_wait3A_211] : memref<5x80x64xf32, #tpu.memory_space<vmem>> -> memref<1x80x64xf32, #tpu.memory_space<vmem>>
        %dma_wait3A_213 = tpu.memref_squeeze %dma_wait3A_212 : memref<1x80x64xf32, #tpu.memory_space<vmem>> -> memref<80x64xf32, #tpu.memory_space<vmem>>
        %dma_wait3A_214 = arith.constant 0 : i32
        %dma_wait3A_215 = tpu.memref_slice %arg12[%mul3A_197, %dma_wait3A_214] : memref<10000x64xf32, #tpu.memory_space<vmem_shared>> -> memref<80x64xf32, #tpu.memory_space<vmem_shared>>
        %dma_wait3A_216 = arith.constant 0 : i32
        %dma_wait3A_217 = tpu.memref_slice %arg12[%mul3A_197, %dma_wait3A_216] : memref<10000x64xf32, #tpu.memory_space<vmem_shared>> -> memref<80x64xf32, #tpu.memory_space<vmem_shared>>
        %dma_wait3A_218 = arith.constant 0 : i32
        %dma_wait3A_219 = arith.constant 0 : i32
        %dma_wait3A_220 = tpu.memref_slice %arg11[%run_scoped3A, %dma_wait3A_218, %dma_wait3A_219] : memref<5x80x64xf32, #tpu.memory_space<vmem>> -> memref<1x80x64xf32, #tpu.memory_space<vmem>>
        %dma_wait3A_221 = tpu.memref_squeeze %dma_wait3A_220 : memref<1x80x64xf32, #tpu.memory_space<vmem>> -> memref<80x64xf32, #tpu.memory_space<vmem>>
        tpu.wait_dma2 semaphore(%run_scoped3A_198 : memref<!tpu.dma_semaphore, #tpu.memory_space<semaphore_mem>>) src(%dma_wait3A_221 : memref<80x64xf32, #tpu.memory_space<vmem>>) dst(%dma_wait3A_217 : memref<80x64xf32, #tpu.memory_space<vmem_shared>>)
        tpu.yield
      }) : () -> ()
    } else {
    }
    %add3A_10 = arith.constant 16 : i32
    %add3A_11 = arith.addi %arg1, %add3A_10 : i32
    %lt3A_12 = arith.constant 125 : i32
    %lt3A_13 = arith.cmpi slt, %add3A_11, %lt3A_12 : i32
    %convert_element_type3A_14 = arith.extui %lt3A_13 : i1 to i32
    %cond3A_15 = arith.constant 0 : i32
    %cond3A_16 = arith.cmpi ne, %convert_element_type3A_14, %cond3A_15 : i32
    scf.if %cond3A_16 {
      %mul3A = arith.constant 80 : i32
      %mul3A_197 = arith.muli %add3A_11, %mul3A : i32
      %run_scoped3A = arith.constant 0 : i32
      "tpu.region"() ({
        %run_scoped3A_198 = tpu.sem_alloc : memref<!tpu.dma_semaphore, #tpu.memory_space<semaphore_mem>>
        %dma_start3A = arith.constant 0 : i32
        %dma_start3A_199 = arith.constant 0 : i32
        %dma_start3A_200 = tpu.memref_slice %arg11[%run_scoped3A, %dma_start3A, %dma_start3A_199] : memref<5x80x64xf32, #tpu.memory_space<vmem>> -> memref<1x80x64xf32, #tpu.memory_space<vmem>>
        %dma_start3A_201 = tpu.memref_squeeze %dma_start3A_200 : memref<1x80x64xf32, #tpu.memory_space<vmem>> -> memref<80x64xf32, #tpu.memory_space<vmem>>
        %dma_start3A_202 = arith.constant 0 : i32
        %dma_start3A_203 = tpu.memref_slice %arg12[%mul3A_197, %dma_start3A_202] : memref<10000x64xf32, #tpu.memory_space<vmem_shared>> -> memref<80x64xf32, #tpu.memory_space<vmem_shared>>
        %dma_start3A_204 = arith.constant 0 : i32
        %dma_start3A_205 = tpu.memref_slice %arg12[%mul3A_197, %dma_start3A_204] : memref<10000x64xf32, #tpu.memory_space<vmem_shared>> -> memref<80x64xf32, #tpu.memory_space<vmem_shared>>
        %dma_start3A_206 = arith.constant 0 : i32
        %dma_start3A_207 = arith.constant 0 : i32
        %dma_start3A_208 = tpu.memref_slice %arg11[%run_scoped3A, %dma_start3A_206, %dma_start3A_207] : memref<5x80x64xf32, #tpu.memory_space<vmem>> -> memref<1x80x64xf32, #tpu.memory_space<vmem>>
        %dma_start3A_209 = tpu.memref_squeeze %dma_start3A_208 : memref<1x80x64xf32, #tpu.memory_space<vmem>> -> memref<80x64xf32, #tpu.memory_space<vmem>>
        tpu.enqueue_dma source(%dma_start3A_209 : memref<80x64xf32, #tpu.memory_space<vmem>>) target(%dma_start3A_205 : memref<80x64xf32, #tpu.memory_space<vmem_shared>>) target_semaphore(%run_scoped3A_198 : memref<!tpu.dma_semaphore, #tpu.memory_space<semaphore_mem>>)
        %dma_wait3A_210 = arith.constant 0 : i32
        %dma_wait3A_211 = arith.constant 0 : i32
        %dma_wait3A_212 = tpu.memref_slice %arg11[%run_scoped3A, %dma_wait3A_210, %dma_wait3A_211] : memref<5x80x64xf32, #tpu.memory_space<vmem>> -> memref<1x80x64xf32, #tpu.memory_space<vmem>>
        %dma_wait3A_213 = tpu.memref_squeeze %dma_wait3A_212 : memref<1x80x64xf32, #tpu.memory_space<vmem>> -> memref<80x64xf32, #tpu.memory_space<vmem>>
        %dma_wait3A_214 = arith.constant 0 : i32
        %dma_wait3A_215 = tpu.memref_slice %arg12[%mul3A_197, %dma_wait3A_214] : memref<10000x64xf32, #tpu.memory_space<vmem_shared>> -> memref<80x64xf32, #tpu.memory_space<vmem_shared>>
        %dma_wait3A_216 = arith.constant 0 : i32
        %dma_wait3A_217 = tpu.memref_slice %arg12[%mul3A_197, %dma_wait3A_216] : memref<10000x64xf32, #tpu.memory_space<vmem_shared>> -> memref<80x64xf32, #tpu.memory_space<vmem_shared>>
        %dma_wait3A_218 = arith.constant 0 : i32
        %dma_wait3A_219 = arith.constant 0 : i32
        %dma_wait3A_220 = tpu.memref_slice %arg11[%run_scoped3A, %dma_wait3A_218, %dma_wait3A_219] : memref<5x80x64xf32, #tpu.memory_space<vmem>> -> memref<1x80x64xf32, #tpu.memory_space<vmem>>
        %dma_wait3A_221 = tpu.memref_squeeze %dma_wait3A_220 : memref<1x80x64xf32, #tpu.memory_space<vmem>> -> memref<80x64xf32, #tpu.memory_space<vmem>>
        tpu.wait_dma2 semaphore(%run_scoped3A_198 : memref<!tpu.dma_semaphore, #tpu.memory_space<semaphore_mem>>) src(%dma_wait3A_221 : memref<80x64xf32, #tpu.memory_space<vmem>>) dst(%dma_wait3A_217 : memref<80x64xf32, #tpu.memory_space<vmem_shared>>)
        tpu.yield
      }) : () -> ()
    } else {
    }
    %add3A_17 = arith.constant 32 : i32
    %add3A_18 = arith.addi %arg1, %add3A_17 : i32
    %lt3A_19 = arith.constant 125 : i32
    %lt3A_20 = arith.cmpi slt, %add3A_18, %lt3A_19 : i32
    %convert_element_type3A_21 = arith.extui %lt3A_20 : i1 to i32
    %cond3A_22 = arith.constant 0 : i32
    %cond3A_23 = arith.cmpi ne, %convert_element_type3A_21, %cond3A_22 : i32
    scf.if %cond3A_23 {
      %mul3A = arith.constant 80 : i32
      %mul3A_197 = arith.muli %add3A_18, %mul3A : i32
      %run_scoped3A = arith.constant 0 : i32
      "tpu.region"() ({
        %run_scoped3A_198 = tpu.sem_alloc : memref<!tpu.dma_semaphore, #tpu.memory_space<semaphore_mem>>
        %dma_start3A = arith.constant 0 : i32
        %dma_start3A_199 = arith.constant 0 : i32
        %dma_start3A_200 = tpu.memref_slice %arg11[%run_scoped3A, %dma_start3A, %dma_start3A_199] : memref<5x80x64xf32, #tpu.memory_space<vmem>> -> memref<1x80x64xf32, #tpu.memory_space<vmem>>
        %dma_start3A_201 = tpu.memref_squeeze %dma_start3A_200 : memref<1x80x64xf32, #tpu.memory_space<vmem>> -> memref<80x64xf32, #tpu.memory_space<vmem>>
        %dma_start3A_202 = arith.constant 0 : i32
        %dma_start3A_203 = tpu.memref_slice %arg12[%mul3A_197, %dma_start3A_202] : memref<10000x64xf32, #tpu.memory_space<vmem_shared>> -> memref<80x64xf32, #tpu.memory_space<vmem_shared>>
        %dma_start3A_204 = arith.constant 0 : i32
        %dma_start3A_205 = tpu.memref_slice %arg12[%mul3A_197, %dma_start3A_204] : memref<10000x64xf32, #tpu.memory_space<vmem_shared>> -> memref<80x64xf32, #tpu.memory_space<vmem_shared>>
        %dma_start3A_206 = arith.constant 0 : i32
        %dma_start3A_207 = arith.constant 0 : i32
        %dma_start3A_208 = tpu.memref_slice %arg11[%run_scoped3A, %dma_start3A_206, %dma_start3A_207] : memref<5x80x64xf32, #tpu.memory_space<vmem>> -> memref<1x80x64xf32, #tpu.memory_space<vmem>>
        %dma_start3A_209 = tpu.memref_squeeze %dma_start3A_208 : memref<1x80x64xf32, #tpu.memory_space<vmem>> -> memref<80x64xf32, #tpu.memory_space<vmem>>
        tpu.enqueue_dma source(%dma_start3A_209 : memref<80x64xf32, #tpu.memory_space<vmem>>) target(%dma_start3A_205 : memref<80x64xf32, #tpu.memory_space<vmem_shared>>) target_semaphore(%run_scoped3A_198 : memref<!tpu.dma_semaphore, #tpu.memory_space<semaphore_mem>>)
        %dma_wait3A_210 = arith.constant 0 : i32
        %dma_wait3A_211 = arith.constant 0 : i32
        %dma_wait3A_212 = tpu.memref_slice %arg11[%run_scoped3A, %dma_wait3A_210, %dma_wait3A_211] : memref<5x80x64xf32, #tpu.memory_space<vmem>> -> memref<1x80x64xf32, #tpu.memory_space<vmem>>
        %dma_wait3A_213 = tpu.memref_squeeze %dma_wait3A_212 : memref<1x80x64xf32, #tpu.memory_space<vmem>> -> memref<80x64xf32, #tpu.memory_space<vmem>>
        %dma_wait3A_214 = arith.constant 0 : i32
        %dma_wait3A_215 = tpu.memref_slice %arg12[%mul3A_197, %dma_wait3A_214] : memref<10000x64xf32, #tpu.memory_space<vmem_shared>> -> memref<80x64xf32, #tpu.memory_space<vmem_shared>>
        %dma_wait3A_216 = arith.constant 0 : i32
        %dma_wait3A_217 = tpu.memref_slice %arg12[%mul3A_197, %dma_wait3A_216] : memref<10000x64xf32, #tpu.memory_space<vmem_shared>> -> memref<80x64xf32, #tpu.memory_space<vmem_shared>>
        %dma_wait3A_218 = arith.constant 0 : i32
        %dma_wait3A_219 = arith.constant 0 : i32
        %dma_wait3A_220 = tpu.memref_slice %arg11[%run_scoped3A, %dma_wait3A_218, %dma_wait3A_219] : memref<5x80x64xf32, #tpu.memory_space<vmem>> -> memref<1x80x64xf32, #tpu.memory_space<vmem>>
        %dma_wait3A_221 = tpu.memref_squeeze %dma_wait3A_220 : memref<1x80x64xf32, #tpu.memory_space<vmem>> -> memref<80x64xf32, #tpu.memory_space<vmem>>
        tpu.wait_dma2 semaphore(%run_scoped3A_198 : memref<!tpu.dma_semaphore, #tpu.memory_space<semaphore_mem>>) src(%dma_wait3A_221 : memref<80x64xf32, #tpu.memory_space<vmem>>) dst(%dma_wait3A_217 : memref<80x64xf32, #tpu.memory_space<vmem_shared>>)
        tpu.yield
      }) : () -> ()
    } else {
    }
    %add3A_24 = arith.constant 48 : i32
    %add3A_25 = arith.addi %arg1, %add3A_24 : i32
    %lt3A_26 = arith.constant 125 : i32
    %lt3A_27 = arith.cmpi slt, %add3A_25, %lt3A_26 : i32
    %convert_element_type3A_28 = arith.extui %lt3A_27 : i1 to i32
    %cond3A_29 = arith.constant 0 : i32
    %cond3A_30 = arith.cmpi ne, %convert_element_type3A_28, %cond3A_29 : i32
    scf.if %cond3A_30 {
      %mul3A = arith.constant 80 : i32
      %mul3A_197 = arith.muli %add3A_25, %mul3A : i32
      %run_scoped3A = arith.constant 0 : i32
      "tpu.region"() ({
        %run_scoped3A_198 = tpu.sem_alloc : memref<!tpu.dma_semaphore, #tpu.memory_space<semaphore_mem>>
        %dma_start3A = arith.constant 0 : i32
        %dma_start3A_199 = arith.constant 0 : i32
        %dma_start3A_200 = tpu.memref_slice %arg11[%run_scoped3A, %dma_start3A, %dma_start3A_199] : memref<5x80x64xf32, #tpu.memory_space<vmem>> -> memref<1x80x64xf32, #tpu.memory_space<vmem>>
        %dma_start3A_201 = tpu.memref_squeeze %dma_start3A_200 : memref<1x80x64xf32, #tpu.memory_space<vmem>> -> memref<80x64xf32, #tpu.memory_space<vmem>>
        %dma_start3A_202 = arith.constant 0 : i32
        %dma_start3A_203 = tpu.memref_slice %arg12[%mul3A_197, %dma_start3A_202] : memref<10000x64xf32, #tpu.memory_space<vmem_shared>> -> memref<80x64xf32, #tpu.memory_space<vmem_shared>>
        %dma_start3A_204 = arith.constant 0 : i32
        %dma_start3A_205 = tpu.memref_slice %arg12[%mul3A_197, %dma_start3A_204] : memref<10000x64xf32, #tpu.memory_space<vmem_shared>> -> memref<80x64xf32, #tpu.memory_space<vmem_shared>>
        %dma_start3A_206 = arith.constant 0 : i32
        %dma_start3A_207 = arith.constant 0 : i32
        %dma_start3A_208 = tpu.memref_slice %arg11[%run_scoped3A, %dma_start3A_206, %dma_start3A_207] : memref<5x80x64xf32, #tpu.memory_space<vmem>> -> memref<1x80x64xf32, #tpu.memory_space<vmem>>
        %dma_start3A_209 = tpu.memref_squeeze %dma_start3A_208 : memref<1x80x64xf32, #tpu.memory_space<vmem>> -> memref<80x64xf32, #tpu.memory_space<vmem>>
        tpu.enqueue_dma source(%dma_start3A_209 : memref<80x64xf32, #tpu.memory_space<vmem>>) target(%dma_start3A_205 : memref<80x64xf32, #tpu.memory_space<vmem_shared>>) target_semaphore(%run_scoped3A_198 : memref<!tpu.dma_semaphore, #tpu.memory_space<semaphore_mem>>)
        %dma_wait3A_210 = arith.constant 0 : i32
        %dma_wait3A_211 = arith.constant 0 : i32
        %dma_wait3A_212 = tpu.memref_slice %arg11[%run_scoped3A, %dma_wait3A_210, %dma_wait3A_211] : memref<5x80x64xf32, #tpu.memory_space<vmem>> -> memref<1x80x64xf32, #tpu.memory_space<vmem>>
        %dma_wait3A_213 = tpu.memref_squeeze %dma_wait3A_212 : memref<1x80x64xf32, #tpu.memory_space<vmem>> -> memref<80x64xf32, #tpu.memory_space<vmem>>
        %dma_wait3A_214 = arith.constant 0 : i32
        %dma_wait3A_215 = tpu.memref_slice %arg12[%mul3A_197, %dma_wait3A_214] : memref<10000x64xf32, #tpu.memory_space<vmem_shared>> -> memref<80x64xf32, #tpu.memory_space<vmem_shared>>
        %dma_wait3A_216 = arith.constant 0 : i32
        %dma_wait3A_217 = tpu.memref_slice %arg12[%mul3A_197, %dma_wait3A_216] : memref<10000x64xf32, #tpu.memory_space<vmem_shared>> -> memref<80x64xf32, #tpu.memory_space<vmem_shared>>
        %dma_wait3A_218 = arith.constant 0 : i32
        %dma_wait3A_219 = arith.constant 0 : i32
        %dma_wait3A_220 = tpu.memref_slice %arg11[%run_scoped3A, %dma_wait3A_218, %dma_wait3A_219] : memref<5x80x64xf32, #tpu.memory_space<vmem>> -> memref<1x80x64xf32, #tpu.memory_space<vmem>>
        %dma_wait3A_221 = tpu.memref_squeeze %dma_wait3A_220 : memref<1x80x64xf32, #tpu.memory_space<vmem>> -> memref<80x64xf32, #tpu.memory_space<vmem>>
        tpu.wait_dma2 semaphore(%run_scoped3A_198 : memref<!tpu.dma_semaphore, #tpu.memory_space<semaphore_mem>>) src(%dma_wait3A_221 : memref<80x64xf32, #tpu.memory_space<vmem>>) dst(%dma_wait3A_217 : memref<80x64xf32, #tpu.memory_space<vmem_shared>>)
        tpu.yield
      }) : () -> ()
    } else {
    }
    %add3A_31 = arith.constant 64 : i32
    %add3A_32 = arith.addi %arg1, %add3A_31 : i32
    %lt3A_33 = arith.constant 125 : i32
    %lt3A_34 = arith.cmpi slt, %add3A_32, %lt3A_33 : i32
    %convert_element_type3A_35 = arith.extui %lt3A_34 : i1 to i32
    %cond3A_36 = arith.constant 0 : i32
    %cond3A_37 = arith.cmpi ne, %convert_element_type3A_35, %cond3A_36 : i32
    scf.if %cond3A_37 {
      %mul3A = arith.constant 80 : i32
      %mul3A_197 = arith.muli %add3A_32, %mul3A : i32
      %run_scoped3A = arith.constant 0 : i32
      "tpu.region"() ({
        %run_scoped3A_198 = tpu.sem_alloc : memref<!tpu.dma_semaphore, #tpu.memory_space<semaphore_mem>>
        %dma_start3A = arith.constant 0 : i32
        %dma_start3A_199 = arith.constant 0 : i32
        %dma_start3A_200 = tpu.memref_slice %arg11[%run_scoped3A, %dma_start3A, %dma_start3A_199] : memref<5x80x64xf32, #tpu.memory_space<vmem>> -> memref<1x80x64xf32, #tpu.memory_space<vmem>>
        %dma_start3A_201 = tpu.memref_squeeze %dma_start3A_200 : memref<1x80x64xf32, #tpu.memory_space<vmem>> -> memref<80x64xf32, #tpu.memory_space<vmem>>
        %dma_start3A_202 = arith.constant 0 : i32
        %dma_start3A_203 = tpu.memref_slice %arg12[%mul3A_197, %dma_start3A_202] : memref<10000x64xf32, #tpu.memory_space<vmem_shared>> -> memref<80x64xf32, #tpu.memory_space<vmem_shared>>
        %dma_start3A_204 = arith.constant 0 : i32
        %dma_start3A_205 = tpu.memref_slice %arg12[%mul3A_197, %dma_start3A_204] : memref<10000x64xf32, #tpu.memory_space<vmem_shared>> -> memref<80x64xf32, #tpu.memory_space<vmem_shared>>
        %dma_start3A_206 = arith.constant 0 : i32
        %dma_start3A_207 = arith.constant 0 : i32
        %dma_start3A_208 = tpu.memref_slice %arg11[%run_scoped3A, %dma_start3A_206, %dma_start3A_207] : memref<5x80x64xf32, #tpu.memory_space<vmem>> -> memref<1x80x64xf32, #tpu.memory_space<vmem>>
        %dma_start3A_209 = tpu.memref_squeeze %dma_start3A_208 : memref<1x80x64xf32, #tpu.memory_space<vmem>> -> memref<80x64xf32, #tpu.memory_space<vmem>>
        tpu.enqueue_dma source(%dma_start3A_209 : memref<80x64xf32, #tpu.memory_space<vmem>>) target(%dma_start3A_205 : memref<80x64xf32, #tpu.memory_space<vmem_shared>>) target_semaphore(%run_scoped3A_198 : memref<!tpu.dma_semaphore, #tpu.memory_space<semaphore_mem>>)
        %dma_wait3A_210 = arith.constant 0 : i32
        %dma_wait3A_211 = arith.constant 0 : i32
        %dma_wait3A_212 = tpu.memref_slice %arg11[%run_scoped3A, %dma_wait3A_210, %dma_wait3A_211] : memref<5x80x64xf32, #tpu.memory_space<vmem>> -> memref<1x80x64xf32, #tpu.memory_space<vmem>>
        %dma_wait3A_213 = tpu.memref_squeeze %dma_wait3A_212 : memref<1x80x64xf32, #tpu.memory_space<vmem>> -> memref<80x64xf32, #tpu.memory_space<vmem>>
        %dma_wait3A_214 = arith.constant 0 : i32
        %dma_wait3A_215 = tpu.memref_slice %arg12[%mul3A_197, %dma_wait3A_214] : memref<10000x64xf32, #tpu.memory_space<vmem_shared>> -> memref<80x64xf32, #tpu.memory_space<vmem_shared>>
        %dma_wait3A_216 = arith.constant 0 : i32
        %dma_wait3A_217 = tpu.memref_slice %arg12[%mul3A_197, %dma_wait3A_216] : memref<10000x64xf32, #tpu.memory_space<vmem_shared>> -> memref<80x64xf32, #tpu.memory_space<vmem_shared>>
        %dma_wait3A_218 = arith.constant 0 : i32
        %dma_wait3A_219 = arith.constant 0 : i32
        %dma_wait3A_220 = tpu.memref_slice %arg11[%run_scoped3A, %dma_wait3A_218, %dma_wait3A_219] : memref<5x80x64xf32, #tpu.memory_space<vmem>> -> memref<1x80x64xf32, #tpu.memory_space<vmem>>
        %dma_wait3A_221 = tpu.memref_squeeze %dma_wait3A_220 : memref<1x80x64xf32, #tpu.memory_space<vmem>> -> memref<80x64xf32, #tpu.memory_space<vmem>>
        tpu.wait_dma2 semaphore(%run_scoped3A_198 : memref<!tpu.dma_semaphore, #tpu.memory_space<semaphore_mem>>) src(%dma_wait3A_221 : memref<80x64xf32, #tpu.memory_space<vmem>>) dst(%dma_wait3A_217 : memref<80x64xf32, #tpu.memory_space<vmem_shared>>)
        tpu.yield
      }) : () -> ()
    } else {
    }
    %add3A_38 = arith.constant 80 : i32
    %add3A_39 = arith.addi %arg1, %add3A_38 : i32
    %lt3A_40 = arith.constant 125 : i32
    %lt3A_41 = arith.cmpi slt, %add3A_39, %lt3A_40 : i32
    %convert_element_type3A_42 = arith.extui %lt3A_41 : i1 to i32
    %cond3A_43 = arith.constant 0 : i32
    %cond3A_44 = arith.cmpi ne, %convert_element_type3A_42, %cond3A_43 : i32
    scf.if %cond3A_44 {
      %mul3A = arith.constant 80 : i32
      %mul3A_197 = arith.muli %add3A_39, %mul3A : i32
      %run_scoped3A = arith.constant 0 : i32
      "tpu.region"() ({
        %run_scoped3A_198 = tpu.sem_alloc : memref<!tpu.dma_semaphore, #tpu.memory_space<semaphore_mem>>
        %dma_start3A = arith.constant 0 : i32
        %dma_start3A_199 = arith.constant 0 : i32
        %dma_start3A_200 = tpu.memref_slice %arg11[%run_scoped3A, %dma_start3A, %dma_start3A_199] : memref<5x80x64xf32, #tpu.memory_space<vmem>> -> memref<1x80x64xf32, #tpu.memory_space<vmem>>
        %dma_start3A_201 = tpu.memref_squeeze %dma_start3A_200 : memref<1x80x64xf32, #tpu.memory_space<vmem>> -> memref<80x64xf32, #tpu.memory_space<vmem>>
        %dma_start3A_202 = arith.constant 0 : i32
        %dma_start3A_203 = tpu.memref_slice %arg12[%mul3A_197, %dma_start3A_202] : memref<10000x64xf32, #tpu.memory_space<vmem_shared>> -> memref<80x64xf32, #tpu.memory_space<vmem_shared>>
        %dma_start3A_204 = arith.constant 0 : i32
        %dma_start3A_205 = tpu.memref_slice %arg12[%mul3A_197, %dma_start3A_204] : memref<10000x64xf32, #tpu.memory_space<vmem_shared>> -> memref<80x64xf32, #tpu.memory_space<vmem_shared>>
        %dma_start3A_206 = arith.constant 0 : i32
        %dma_start3A_207 = arith.constant 0 : i32
        %dma_start3A_208 = tpu.memref_slice %arg11[%run_scoped3A, %dma_start3A_206, %dma_start3A_207] : memref<5x80x64xf32, #tpu.memory_space<vmem>> -> memref<1x80x64xf32, #tpu.memory_space<vmem>>
        %dma_start3A_209 = tpu.memref_squeeze %dma_start3A_208 : memref<1x80x64xf32, #tpu.memory_space<vmem>> -> memref<80x64xf32, #tpu.memory_space<vmem>>
        tpu.enqueue_dma source(%dma_start3A_209 : memref<80x64xf32, #tpu.memory_space<vmem>>) target(%dma_start3A_205 : memref<80x64xf32, #tpu.memory_space<vmem_shared>>) target_semaphore(%run_scoped3A_198 : memref<!tpu.dma_semaphore, #tpu.memory_space<semaphore_mem>>)
        %dma_wait3A_210 = arith.constant 0 : i32
        %dma_wait3A_211 = arith.constant 0 : i32
        %dma_wait3A_212 = tpu.memref_slice %arg11[%run_scoped3A, %dma_wait3A_210, %dma_wait3A_211] : memref<5x80x64xf32, #tpu.memory_space<vmem>> -> memref<1x80x64xf32, #tpu.memory_space<vmem>>
        %dma_wait3A_213 = tpu.memref_squeeze %dma_wait3A_212 : memref<1x80x64xf32, #tpu.memory_space<vmem>> -> memref<80x64xf32, #tpu.memory_space<vmem>>
        %dma_wait3A_214 = arith.constant 0 : i32
        %dma_wait3A_215 = tpu.memref_slice %arg12[%mul3A_197, %dma_wait3A_214] : memref<10000x64xf32, #tpu.memory_space<vmem_shared>> -> memref<80x64xf32, #tpu.memory_space<vmem_shared>>
        %dma_wait3A_216 = arith.constant 0 : i32
        %dma_wait3A_217 = tpu.memref_slice %arg12[%mul3A_197, %dma_wait3A_216] : memref<10000x64xf32, #tpu.memory_space<vmem_shared>> -> memref<80x64xf32, #tpu.memory_space<vmem_shared>>
        %dma_wait3A_218 = arith.constant 0 : i32
        %dma_wait3A_219 = arith.constant 0 : i32
        %dma_wait3A_220 = tpu.memref_slice %arg11[%run_scoped3A, %dma_wait3A_218, %dma_wait3A_219] : memref<5x80x64xf32, #tpu.memory_space<vmem>> -> memref<1x80x64xf32, #tpu.memory_space<vmem>>
        %dma_wait3A_221 = tpu.memref_squeeze %dma_wait3A_220 : memref<1x80x64xf32, #tpu.memory_space<vmem>> -> memref<80x64xf32, #tpu.memory_space<vmem>>
        tpu.wait_dma2 semaphore(%run_scoped3A_198 : memref<!tpu.dma_semaphore, #tpu.memory_space<semaphore_mem>>) src(%dma_wait3A_221 : memref<80x64xf32, #tpu.memory_space<vmem>>) dst(%dma_wait3A_217 : memref<80x64xf32, #tpu.memory_space<vmem_shared>>)
        tpu.yield
      }) : () -> ()
    } else {
    }
    %add3A_45 = arith.constant 96 : i32
    %add3A_46 = arith.addi %arg1, %add3A_45 : i32
    %lt3A_47 = arith.constant 125 : i32
    %lt3A_48 = arith.cmpi slt, %add3A_46, %lt3A_47 : i32
    %convert_element_type3A_49 = arith.extui %lt3A_48 : i1 to i32
    %cond3A_50 = arith.constant 0 : i32
    %cond3A_51 = arith.cmpi ne, %convert_element_type3A_49, %cond3A_50 : i32
    scf.if %cond3A_51 {
      %mul3A = arith.constant 80 : i32
      %mul3A_197 = arith.muli %add3A_46, %mul3A : i32
      %run_scoped3A = arith.constant 0 : i32
      "tpu.region"() ({
        %run_scoped3A_198 = tpu.sem_alloc : memref<!tpu.dma_semaphore, #tpu.memory_space<semaphore_mem>>
        %dma_start3A = arith.constant 0 : i32
        %dma_start3A_199 = arith.constant 0 : i32
        %dma_start3A_200 = tpu.memref_slice %arg11[%run_scoped3A, %dma_start3A, %dma_start3A_199] : memref<5x80x64xf32, #tpu.memory_space<vmem>> -> memref<1x80x64xf32, #tpu.memory_space<vmem>>
        %dma_start3A_201 = tpu.memref_squeeze %dma_start3A_200 : memref<1x80x64xf32, #tpu.memory_space<vmem>> -> memref<80x64xf32, #tpu.memory_space<vmem>>
        %dma_start3A_202 = arith.constant 0 : i32
        %dma_start3A_203 = tpu.memref_slice %arg12[%mul3A_197, %dma_start3A_202] : memref<10000x64xf32, #tpu.memory_space<vmem_shared>> -> memref<80x64xf32, #tpu.memory_space<vmem_shared>>
        %dma_start3A_204 = arith.constant 0 : i32
        %dma_start3A_205 = tpu.memref_slice %arg12[%mul3A_197, %dma_start3A_204] : memref<10000x64xf32, #tpu.memory_space<vmem_shared>> -> memref<80x64xf32, #tpu.memory_space<vmem_shared>>
        %dma_start3A_206 = arith.constant 0 : i32
        %dma_start3A_207 = arith.constant 0 : i32
        %dma_start3A_208 = tpu.memref_slice %arg11[%run_scoped3A, %dma_start3A_206, %dma_start3A_207] : memref<5x80x64xf32, #tpu.memory_space<vmem>> -> memref<1x80x64xf32, #tpu.memory_space<vmem>>
        %dma_start3A_209 = tpu.memref_squeeze %dma_start3A_208 : memref<1x80x64xf32, #tpu.memory_space<vmem>> -> memref<80x64xf32, #tpu.memory_space<vmem>>
        tpu.enqueue_dma source(%dma_start3A_209 : memref<80x64xf32, #tpu.memory_space<vmem>>) target(%dma_start3A_205 : memref<80x64xf32, #tpu.memory_space<vmem_shared>>) target_semaphore(%run_scoped3A_198 : memref<!tpu.dma_semaphore, #tpu.memory_space<semaphore_mem>>)
        %dma_wait3A_210 = arith.constant 0 : i32
        %dma_wait3A_211 = arith.constant 0 : i32
        %dma_wait3A_212 = tpu.memref_slice %arg11[%run_scoped3A, %dma_wait3A_210, %dma_wait3A_211] : memref<5x80x64xf32, #tpu.memory_space<vmem>> -> memref<1x80x64xf32, #tpu.memory_space<vmem>>
        %dma_wait3A_213 = tpu.memref_squeeze %dma_wait3A_212 : memref<1x80x64xf32, #tpu.memory_space<vmem>> -> memref<80x64xf32, #tpu.memory_space<vmem>>
        %dma_wait3A_214 = arith.constant 0 : i32
        %dma_wait3A_215 = tpu.memref_slice %arg12[%mul3A_197, %dma_wait3A_214] : memref<10000x64xf32, #tpu.memory_space<vmem_shared>> -> memref<80x64xf32, #tpu.memory_space<vmem_shared>>
        %dma_wait3A_216 = arith.constant 0 : i32
        %dma_wait3A_217 = tpu.memref_slice %arg12[%mul3A_197, %dma_wait3A_216] : memref<10000x64xf32, #tpu.memory_space<vmem_shared>> -> memref<80x64xf32, #tpu.memory_space<vmem_shared>>
        %dma_wait3A_218 = arith.constant 0 : i32
        %dma_wait3A_219 = arith.constant 0 : i32
        %dma_wait3A_220 = tpu.memref_slice %arg11[%run_scoped3A, %dma_wait3A_218, %dma_wait3A_219] : memref<5x80x64xf32, #tpu.memory_space<vmem>> -> memref<1x80x64xf32, #tpu.memory_space<vmem>>
        %dma_wait3A_221 = tpu.memref_squeeze %dma_wait3A_220 : memref<1x80x64xf32, #tpu.memory_space<vmem>> -> memref<80x64xf32, #tpu.memory_space<vmem>>
        tpu.wait_dma2 semaphore(%run_scoped3A_198 : memref<!tpu.dma_semaphore, #tpu.memory_space<semaphore_mem>>) src(%dma_wait3A_221 : memref<80x64xf32, #tpu.memory_space<vmem>>) dst(%dma_wait3A_217 : memref<80x64xf32, #tpu.memory_space<vmem_shared>>)
        tpu.yield
      }) : () -> ()
    } else {
    }
    %add3A_52 = arith.constant 112 : i32
    %add3A_53 = arith.addi %arg1, %add3A_52 : i32
    %lt3A_54 = arith.constant 125 : i32
    %lt3A_55 = arith.cmpi slt, %add3A_53, %lt3A_54 : i32
    %convert_element_type3A_56 = arith.extui %lt3A_55 : i1 to i32
    %cond3A_57 = arith.constant 0 : i32
    %cond3A_58 = arith.cmpi ne, %convert_element_type3A_56, %cond3A_57 : i32
    scf.if %cond3A_58 {
      %mul3A = arith.constant 80 : i32
      %mul3A_197 = arith.muli %add3A_53, %mul3A : i32
      %run_scoped3A = arith.constant 0 : i32
      "tpu.region"() ({
        %run_scoped3A_198 = tpu.sem_alloc : memref<!tpu.dma_semaphore, #tpu.memory_space<semaphore_mem>>
        %dma_start3A = arith.constant 0 : i32
        %dma_start3A_199 = arith.constant 0 : i32
        %dma_start3A_200 = tpu.memref_slice %arg11[%run_scoped3A, %dma_start3A, %dma_start3A_199] : memref<5x80x64xf32, #tpu.memory_space<vmem>> -> memref<1x80x64xf32, #tpu.memory_space<vmem>>
        %dma_start3A_201 = tpu.memref_squeeze %dma_start3A_200 : memref<1x80x64xf32, #tpu.memory_space<vmem>> -> memref<80x64xf32, #tpu.memory_space<vmem>>
        %dma_start3A_202 = arith.constant 0 : i32
        %dma_start3A_203 = tpu.memref_slice %arg12[%mul3A_197, %dma_start3A_202] : memref<10000x64xf32, #tpu.memory_space<vmem_shared>> -> memref<80x64xf32, #tpu.memory_space<vmem_shared>>
        %dma_start3A_204 = arith.constant 0 : i32
        %dma_start3A_205 = tpu.memref_slice %arg12[%mul3A_197, %dma_start3A_204] : memref<10000x64xf32, #tpu.memory_space<vmem_shared>> -> memref<80x64xf32, #tpu.memory_space<vmem_shared>>
        %dma_start3A_206 = arith.constant 0 : i32
        %dma_start3A_207 = arith.constant 0 : i32
        %dma_start3A_208 = tpu.memref_slice %arg11[%run_scoped3A, %dma_start3A_206, %dma_start3A_207] : memref<5x80x64xf32, #tpu.memory_space<vmem>> -> memref<1x80x64xf32, #tpu.memory_space<vmem>>
        %dma_start3A_209 = tpu.memref_squeeze %dma_start3A_208 : memref<1x80x64xf32, #tpu.memory_space<vmem>> -> memref<80x64xf32, #tpu.memory_space<vmem>>
        tpu.enqueue_dma source(%dma_start3A_209 : memref<80x64xf32, #tpu.memory_space<vmem>>) target(%dma_start3A_205 : memref<80x64xf32, #tpu.memory_space<vmem_shared>>) target_semaphore(%run_scoped3A_198 : memref<!tpu.dma_semaphore, #tpu.memory_space<semaphore_mem>>)
        %dma_wait3A_210 = arith.constant 0 : i32
        %dma_wait3A_211 = arith.constant 0 : i32
        %dma_wait3A_212 = tpu.memref_slice %arg11[%run_scoped3A, %dma_wait3A_210, %dma_wait3A_211] : memref<5x80x64xf32, #tpu.memory_space<vmem>> -> memref<1x80x64xf32, #tpu.memory_space<vmem>>
        %dma_wait3A_213 = tpu.memref_squeeze %dma_wait3A_212 : memref<1x80x64xf32, #tpu.memory_space<vmem>> -> memref<80x64xf32, #tpu.memory_space<vmem>>
        %dma_wait3A_214 = arith.constant 0 : i32
        %dma_wait3A_215 = tpu.memref_slice %arg12[%mul3A_197, %dma_wait3A_214] : memref<10000x64xf32, #tpu.memory_space<vmem_shared>> -> memref<80x64xf32, #tpu.memory_space<vmem_shared>>
        %dma_wait3A_216 = arith.constant 0 : i32
        %dma_wait3A_217 = tpu.memref_slice %arg12[%mul3A_197, %dma_wait3A_216] : memref<10000x64xf32, #tpu.memory_space<vmem_shared>> -> memref<80x64xf32, #tpu.memory_space<vmem_shared>>
        %dma_wait3A_218 = arith.constant 0 : i32
        %dma_wait3A_219 = arith.constant 0 : i32
        %dma_wait3A_220 = tpu.memref_slice %arg11[%run_scoped3A, %dma_wait3A_218, %dma_wait3A_219] : memref<5x80x64xf32, #tpu.memory_space<vmem>> -> memref<1x80x64xf32, #tpu.memory_space<vmem>>
        %dma_wait3A_221 = tpu.memref_squeeze %dma_wait3A_220 : memref<1x80x64xf32, #tpu.memory_space<vmem>> -> memref<80x64xf32, #tpu.memory_space<vmem>>
        tpu.wait_dma2 semaphore(%run_scoped3A_198 : memref<!tpu.dma_semaphore, #tpu.memory_space<semaphore_mem>>) src(%dma_wait3A_221 : memref<80x64xf32, #tpu.memory_space<vmem>>) dst(%dma_wait3A_217 : memref<80x64xf32, #tpu.memory_space<vmem_shared>>)
        tpu.yield
      }) : () -> ()
    } else {
    }
    %barrier3A = arith.constant 0 : index
    tpu.barrier barrier_id(%barrier3A)
    %scan3A_59 = arith.constant 0 : i32
    %scan3A_60 = arith.constant 0 : i32
    %scan3A_61 = arith.constant 50 : i32
    %scan3A_62 = arith.addi %scan3A_60, %scan3A_61 : i32
    %scan3A_63 = arith.constant 1 : i32
    %scan3A_64 = scf.for %scan3A_197 = %scan3A_60 to %scan3A_62 step %scan3A_63 iter_args(%scan3A_198 = %scan3A_59) -> (i32)  : i32 {
      %mul3A = arith.constant 5 : i32
      %mul3A_199 = arith.muli %scan3A_197, %mul3A : i32
      %add3A_200 = arith.constant 0 : i32
      %add3A_201 = arith.addi %mul3A_199, %add3A_200 : i32
      %mul3A_202 = arith.constant 80 : i32
      %mul3A_203 = arith.muli %add3A_201, %mul3A_202 : i32
      %mul3A_204 = arith.constant 20000 : i32
      %mul3A_205 = arith.muli %arg1, %mul3A_204 : i32
      %add3A_206 = arith.addi %mul3A_203, %mul3A_205 : i32
      %gt3A = arith.constant 0 : i32
      %gt3A_207 = arith.cmpi sgt, %scan3A_197, %gt3A : i32
      %convert_element_type3A_208 = arith.extui %gt3A_207 : i1 to i32
      %cond3A_209 = arith.constant 0 : i32
      %cond3A_210 = arith.cmpi ne, %convert_element_type3A_208, %cond3A_209 : i32
      scf.if %cond3A_210 {
        %dma_wait3A_1042 = arith.constant 0 : i32
        %dma_wait3A_1043 = arith.constant 0 : i32
        %dma_wait3A_1044 = arith.constant 0 : i32
        %dma_wait3A_1045 = arith.constant 0 : i32
        %dma_wait3A_1046 = arith.constant 0 : i32
        %dma_wait3A_1047 = tpu.memref_slice %arg11[%dma_wait3A_1042, %dma_wait3A_1045, %dma_wait3A_1046] : memref<5x80x64xf32, #tpu.memory_space<vmem>> -> memref<1x80x64xf32, #tpu.memory_space<vmem>>
        %dma_wait3A_1048 = tpu.memref_squeeze %dma_wait3A_1047 : memref<1x80x64xf32, #tpu.memory_space<vmem>> -> memref<80x64xf32, #tpu.memory_space<vmem>>
        %dma_wait3A_1049 = arith.constant 0 : i32
        %dma_wait3A_1050 = tpu.memref_slice %arg7[%dma_wait3A_1043, %dma_wait3A_1049] : memref<5x80xi32, #tpu.memory_space<vmem>> -> memref<1x80xi32, #tpu.memory_space<vmem>>
        %dma_wait3A_1051 = tpu.memref_squeeze %dma_wait3A_1050 : memref<1x80xi32, #tpu.memory_space<vmem>> -> memref<80xi32, #tpu.memory_space<vmem>>
        %dma_wait3A_1052 = arith.constant 0 : i32
        %dma_wait3A_1053 = arith.constant 0 : i32
        %dma_wait3A_1054 = tpu.memref_slice %arg12[%dma_wait3A_1052, %dma_wait3A_1053] : memref<10000x64xf32, #tpu.memory_space<vmem_shared>> -> memref<10000x64xf32, #tpu.memory_space<vmem_shared>>
        %dma_wait3A_1055 = tpu.memref_slice %arg16[%dma_wait3A_1044] : memref<5x!tpu.dma_semaphore, #tpu.memory_space<semaphore_mem>> -> memref<1x!tpu.dma_semaphore, #tpu.memory_space<semaphore_mem>>
        %dma_wait3A_1056 = tpu.memref_squeeze %dma_wait3A_1055 : memref<1x!tpu.dma_semaphore, #tpu.memory_space<semaphore_mem>> -> memref<!tpu.dma_semaphore, #tpu.memory_space<semaphore_mem>>
        tpu.wait_indirect_dma semaphore(%dma_wait3A_1056 : memref<!tpu.dma_semaphore, #tpu.memory_space<semaphore_mem>>) src(%dma_wait3A_1048 : memref<80x64xf32, #tpu.memory_space<vmem>>) dst(%dma_wait3A_1054 : memref<10000x64xf32, #tpu.memory_space<vmem_shared>>)
      } else {
      }
      %dma_start3A = arith.constant 0 : i32
      %dma_start3A_211 = arith.constant 0 : i32
      %dma_start3A_212 = arith.constant 0 : i32
      %dma_start3A_213 = tpu.memref_slice %arg7[%dma_start3A, %dma_start3A_212] : memref<5x80xi32, #tpu.memory_space<vmem>> -> memref<1x80xi32, #tpu.memory_space<vmem>>
      %dma_start3A_214 = tpu.memref_squeeze %dma_start3A_213 : memref<1x80xi32, #tpu.memory_space<vmem>> -> memref<80xi32, #tpu.memory_space<vmem>>
      %dma_start3A_215 = tpu.memref_slice %arg4[%add3A_206] : memref<320000xi32, #tpu.memory_space<hbm>> -> memref<80xi32, #tpu.memory_space<hbm>>
      %dma_start3A_216 = tpu.memref_slice %arg13[%dma_start3A_211] : memref<5x!tpu.dma_semaphore, #tpu.memory_space<semaphore_mem>> -> memref<1x!tpu.dma_semaphore, #tpu.memory_space<semaphore_mem>>
      %dma_start3A_217 = tpu.memref_squeeze %dma_start3A_216 : memref<1x!tpu.dma_semaphore, #tpu.memory_space<semaphore_mem>> -> memref<!tpu.dma_semaphore, #tpu.memory_space<semaphore_mem>>
      %dma_start3A_218 = arith.constant 0 : i32
      %dma_start3A_219 = tpu.memref_slice %arg7[%dma_start3A, %dma_start3A_218] : memref<5x80xi32, #tpu.memory_space<vmem>> -> memref<1x80xi32, #tpu.memory_space<vmem>>
      %dma_start3A_220 = tpu.memref_squeeze %dma_start3A_219 : memref<1x80xi32, #tpu.memory_space<vmem>> -> memref<80xi32, #tpu.memory_space<vmem>>
      %dma_start3A_221 = tpu.memref_slice %arg4[%add3A_206] : memref<320000xi32, #tpu.memory_space<hbm>> -> memref<80xi32, #tpu.memory_space<hbm>>
      tpu.enqueue_dma source(%dma_start3A_221 : memref<80xi32, #tpu.memory_space<hbm>>) target(%dma_start3A_220 : memref<80xi32, #tpu.memory_space<vmem>>) target_semaphore(%dma_start3A_217 : memref<!tpu.dma_semaphore, #tpu.memory_space<semaphore_mem>>)
      %dma_start3A_222 = arith.constant 0 : i32
      %dma_start3A_223 = arith.constant 0 : i32
      %dma_start3A_224 = arith.constant 0 : i32
      %dma_start3A_225 = tpu.memref_slice %arg8[%dma_start3A_222, %dma_start3A_224] : memref<5x80xi32, #tpu.memory_space<vmem>> -> memref<1x80xi32, #tpu.memory_space<vmem>>
      %dma_start3A_226 = tpu.memref_squeeze %dma_start3A_225 : memref<1x80xi32, #tpu.memory_space<vmem>> -> memref<80xi32, #tpu.memory_space<vmem>>
      %dma_start3A_227 = tpu.memref_slice %arg5[%add3A_206] : memref<320000xi32, #tpu.memory_space<hbm>> -> memref<80xi32, #tpu.memory_space<hbm>>
      %dma_start3A_228 = tpu.memref_slice %arg13[%dma_start3A_223] : memref<5x!tpu.dma_semaphore, #tpu.memory_space<semaphore_mem>> -> memref<1x!tpu.dma_semaphore, #tpu.memory_space<semaphore_mem>>
      %dma_start3A_229 = tpu.memref_squeeze %dma_start3A_228 : memref<1x!tpu.dma_semaphore, #tpu.memory_space<semaphore_mem>> -> memref<!tpu.dma_semaphore, #tpu.memory_space<semaphore_mem>>
      %dma_start3A_230 = arith.constant 0 : i32
      %dma_start3A_231 = tpu.memref_slice %arg8[%dma_start3A_222, %dma_start3A_230] : memref<5x80xi32, #tpu.memory_space<vmem>> -> memref<1x80xi32, #tpu.memory_space<vmem>>
      %dma_start3A_232 = tpu.memref_squeeze %dma_start3A_231 : memref<1x80xi32, #tpu.memory_space<vmem>> -> memref<80xi32, #tpu.memory_space<vmem>>
      %dma_start3A_233 = tpu.memref_slice %arg5[%add3A_206] : memref<320000xi32, #tpu.memory_space<hbm>> -> memref<80xi32, #tpu.memory_space<hbm>>
      tpu.enqueue_dma source(%dma_start3A_233 : memref<80xi32, #tpu.memory_space<hbm>>) target(%dma_start3A_232 : memref<80xi32, #tpu.memory_space<vmem>>) target_semaphore(%dma_start3A_229 : memref<!tpu.dma_semaphore, #tpu.memory_space<semaphore_mem>>)
      %mul3A_234 = arith.constant 5 : i32
      %mul3A_235 = arith.muli %scan3A_197, %mul3A_234 : i32
      %add3A_236 = arith.constant 1 : i32
      %add3A_237 = arith.addi %mul3A_235, %add3A_236 : i32
      %mul3A_238 = arith.constant 80 : i32
      %mul3A_239 = arith.muli %add3A_237, %mul3A_238 : i32
      %mul3A_240 = arith.constant 20000 : i32
      %mul3A_241 = arith.muli %arg1, %mul3A_240 : i32
      %add3A_242 = arith.addi %mul3A_239, %mul3A_241 : i32
      %gt3A_243 = arith.constant 0 : i32
      %gt3A_244 = arith.cmpi sgt, %scan3A_197, %gt3A_243 : i32
      %convert_element_type3A_245 = arith.extui %gt3A_244 : i1 to i32
      %cond3A_246 = arith.constant 0 : i32
      %cond3A_247 = arith.cmpi ne, %convert_element_type3A_245, %cond3A_246 : i32
      scf.if %cond3A_247 {
        %dma_wait3A_1042 = arith.constant 1 : i32
        %dma_wait3A_1043 = arith.constant 1 : i32
        %dma_wait3A_1044 = arith.constant 1 : i32
        %dma_wait3A_1045 = arith.constant 0 : i32
        %dma_wait3A_1046 = arith.constant 0 : i32
        %dma_wait3A_1047 = tpu.memref_slice %arg11[%dma_wait3A_1042, %dma_wait3A_1045, %dma_wait3A_1046] : memref<5x80x64xf32, #tpu.memory_space<vmem>> -> memref<1x80x64xf32, #tpu.memory_space<vmem>>
        %dma_wait3A_1048 = tpu.memref_squeeze %dma_wait3A_1047 : memref<1x80x64xf32, #tpu.memory_space<vmem>> -> memref<80x64xf32, #tpu.memory_space<vmem>>
        %dma_wait3A_1049 = arith.constant 0 : i32
        %dma_wait3A_1050 = tpu.memref_slice %arg7[%dma_wait3A_1043, %dma_wait3A_1049] : memref<5x80xi32, #tpu.memory_space<vmem>> -> memref<1x80xi32, #tpu.memory_space<vmem>>
        %dma_wait3A_1051 = tpu.memref_squeeze %dma_wait3A_1050 : memref<1x80xi32, #tpu.memory_space<vmem>> -> memref<80xi32, #tpu.memory_space<vmem>>
        %dma_wait3A_1052 = arith.constant 0 : i32
        %dma_wait3A_1053 = arith.constant 0 : i32
        %dma_wait3A_1054 = tpu.memref_slice %arg12[%dma_wait3A_1052, %dma_wait3A_1053] : memref<10000x64xf32, #tpu.memory_space<vmem_shared>> -> memref<10000x64xf32, #tpu.memory_space<vmem_shared>>
        %dma_wait3A_1055 = tpu.memref_slice %arg16[%dma_wait3A_1044] : memref<5x!tpu.dma_semaphore, #tpu.memory_space<semaphore_mem>> -> memref<1x!tpu.dma_semaphore, #tpu.memory_space<semaphore_mem>>
        %dma_wait3A_1056 = tpu.memref_squeeze %dma_wait3A_1055 : memref<1x!tpu.dma_semaphore, #tpu.memory_space<semaphore_mem>> -> memref<!tpu.dma_semaphore, #tpu.memory_space<semaphore_mem>>
        tpu.wait_indirect_dma semaphore(%dma_wait3A_1056 : memref<!tpu.dma_semaphore, #tpu.memory_space<semaphore_mem>>) src(%dma_wait3A_1048 : memref<80x64xf32, #tpu.memory_space<vmem>>) dst(%dma_wait3A_1054 : memref<10000x64xf32, #tpu.memory_space<vmem_shared>>)
      } else {
      }
      %dma_start3A_248 = arith.constant 1 : i32
      %dma_start3A_249 = arith.constant 1 : i32
      %dma_start3A_250 = arith.constant 0 : i32
      %dma_start3A_251 = tpu.memref_slice %arg7[%dma_start3A_248, %dma_start3A_250] : memref<5x80xi32, #tpu.memory_space<vmem>> -> memref<1x80xi32, #tpu.memory_space<vmem>>
      %dma_start3A_252 = tpu.memref_squeeze %dma_start3A_251 : memref<1x80xi32, #tpu.memory_space<vmem>> -> memref<80xi32, #tpu.memory_space<vmem>>
      %dma_start3A_253 = tpu.memref_slice %arg4[%add3A_242] : memref<320000xi32, #tpu.memory_space<hbm>> -> memref<80xi32, #tpu.memory_space<hbm>>
      %dma_start3A_254 = tpu.memref_slice %arg13[%dma_start3A_249] : memref<5x!tpu.dma_semaphore, #tpu.memory_space<semaphore_mem>> -> memref<1x!tpu.dma_semaphore, #tpu.memory_space<semaphore_mem>>
      %dma_start3A_255 = tpu.memref_squeeze %dma_start3A_254 : memref<1x!tpu.dma_semaphore, #tpu.memory_space<semaphore_mem>> -> memref<!tpu.dma_semaphore, #tpu.memory_space<semaphore_mem>>
      %dma_start3A_256 = arith.constant 0 : i32
      %dma_start3A_257 = tpu.memref_slice %arg7[%dma_start3A_248, %dma_start3A_256] : memref<5x80xi32, #tpu.memory_space<vmem>> -> memref<1x80xi32, #tpu.memory_space<vmem>>
      %dma_start3A_258 = tpu.memref_squeeze %dma_start3A_257 : memref<1x80xi32, #tpu.memory_space<vmem>> -> memref<80xi32, #tpu.memory_space<vmem>>
      %dma_start3A_259 = tpu.memref_slice %arg4[%add3A_242] : memref<320000xi32, #tpu.memory_space<hbm>> -> memref<80xi32, #tpu.memory_space<hbm>>
      tpu.enqueue_dma source(%dma_start3A_259 : memref<80xi32, #tpu.memory_space<hbm>>) target(%dma_start3A_258 : memref<80xi32, #tpu.memory_space<vmem>>) target_semaphore(%dma_start3A_255 : memref<!tpu.dma_semaphore, #tpu.memory_space<semaphore_mem>>)
      %dma_start3A_260 = arith.constant 1 : i32
      %dma_start3A_261 = arith.constant 1 : i32
      %dma_start3A_262 = arith.constant 0 : i32
      %dma_start3A_263 = tpu.memref_slice %arg8[%dma_start3A_260, %dma_start3A_262] : memref<5x80xi32, #tpu.memory_space<vmem>> -> memref<1x80xi32, #tpu.memory_space<vmem>>
      %dma_start3A_264 = tpu.memref_squeeze %dma_start3A_263 : memref<1x80xi32, #tpu.memory_space<vmem>> -> memref<80xi32, #tpu.memory_space<vmem>>
      %dma_start3A_265 = tpu.memref_slice %arg5[%add3A_242] : memref<320000xi32, #tpu.memory_space<hbm>> -> memref<80xi32, #tpu.memory_space<hbm>>
      %dma_start3A_266 = tpu.memref_slice %arg13[%dma_start3A_261] : memref<5x!tpu.dma_semaphore, #tpu.memory_space<semaphore_mem>> -> memref<1x!tpu.dma_semaphore, #tpu.memory_space<semaphore_mem>>
      %dma_start3A_267 = tpu.memref_squeeze %dma_start3A_266 : memref<1x!tpu.dma_semaphore, #tpu.memory_space<semaphore_mem>> -> memref<!tpu.dma_semaphore, #tpu.memory_space<semaphore_mem>>
      %dma_start3A_268 = arith.constant 0 : i32
      %dma_start3A_269 = tpu.memref_slice %arg8[%dma_start3A_260, %dma_start3A_268] : memref<5x80xi32, #tpu.memory_space<vmem>> -> memref<1x80xi32, #tpu.memory_space<vmem>>
      %dma_start3A_270 = tpu.memref_squeeze %dma_start3A_269 : memref<1x80xi32, #tpu.memory_space<vmem>> -> memref<80xi32, #tpu.memory_space<vmem>>
      %dma_start3A_271 = tpu.memref_slice %arg5[%add3A_242] : memref<320000xi32, #tpu.memory_space<hbm>> -> memref<80xi32, #tpu.memory_space<hbm>>
      tpu.enqueue_dma source(%dma_start3A_271 : memref<80xi32, #tpu.memory_space<hbm>>) target(%dma_start3A_270 : memref<80xi32, #tpu.memory_space<vmem>>) target_semaphore(%dma_start3A_267 : memref<!tpu.dma_semaphore, #tpu.memory_space<semaphore_mem>>)
      %mul3A_272 = arith.constant 5 : i32
      %mul3A_273 = arith.muli %scan3A_197, %mul3A_272 : i32
      %add3A_274 = arith.constant 2 : i32
      %add3A_275 = arith.addi %mul3A_273, %add3A_274 : i32
      %mul3A_276 = arith.constant 80 : i32
      %mul3A_277 = arith.muli %add3A_275, %mul3A_276 : i32
      %mul3A_278 = arith.constant 20000 : i32
      %mul3A_279 = arith.muli %arg1, %mul3A_278 : i32
      %add3A_280 = arith.addi %mul3A_277, %mul3A_279 : i32
      %gt3A_281 = arith.constant 0 : i32
      %gt3A_282 = arith.cmpi sgt, %scan3A_197, %gt3A_281 : i32
      %convert_element_type3A_283 = arith.extui %gt3A_282 : i1 to i32
      %cond3A_284 = arith.constant 0 : i32
      %cond3A_285 = arith.cmpi ne, %convert_element_type3A_283, %cond3A_284 : i32
      scf.if %cond3A_285 {
        %dma_wait3A_1042 = arith.constant 2 : i32
        %dma_wait3A_1043 = arith.constant 2 : i32
        %dma_wait3A_1044 = arith.constant 2 : i32
        %dma_wait3A_1045 = arith.constant 0 : i32
        %dma_wait3A_1046 = arith.constant 0 : i32
        %dma_wait3A_1047 = tpu.memref_slice %arg11[%dma_wait3A_1042, %dma_wait3A_1045, %dma_wait3A_1046] : memref<5x80x64xf32, #tpu.memory_space<vmem>> -> memref<1x80x64xf32, #tpu.memory_space<vmem>>
        %dma_wait3A_1048 = tpu.memref_squeeze %dma_wait3A_1047 : memref<1x80x64xf32, #tpu.memory_space<vmem>> -> memref<80x64xf32, #tpu.memory_space<vmem>>
        %dma_wait3A_1049 = arith.constant 0 : i32
        %dma_wait3A_1050 = tpu.memref_slice %arg7[%dma_wait3A_1043, %dma_wait3A_1049] : memref<5x80xi32, #tpu.memory_space<vmem>> -> memref<1x80xi32, #tpu.memory_space<vmem>>
        %dma_wait3A_1051 = tpu.memref_squeeze %dma_wait3A_1050 : memref<1x80xi32, #tpu.memory_space<vmem>> -> memref<80xi32, #tpu.memory_space<vmem>>
        %dma_wait3A_1052 = arith.constant 0 : i32
        %dma_wait3A_1053 = arith.constant 0 : i32
        %dma_wait3A_1054 = tpu.memref_slice %arg12[%dma_wait3A_1052, %dma_wait3A_1053] : memref<10000x64xf32, #tpu.memory_space<vmem_shared>> -> memref<10000x64xf32, #tpu.memory_space<vmem_shared>>
        %dma_wait3A_1055 = tpu.memref_slice %arg16[%dma_wait3A_1044] : memref<5x!tpu.dma_semaphore, #tpu.memory_space<semaphore_mem>> -> memref<1x!tpu.dma_semaphore, #tpu.memory_space<semaphore_mem>>
        %dma_wait3A_1056 = tpu.memref_squeeze %dma_wait3A_1055 : memref<1x!tpu.dma_semaphore, #tpu.memory_space<semaphore_mem>> -> memref<!tpu.dma_semaphore, #tpu.memory_space<semaphore_mem>>
        tpu.wait_indirect_dma semaphore(%dma_wait3A_1056 : memref<!tpu.dma_semaphore, #tpu.memory_space<semaphore_mem>>) src(%dma_wait3A_1048 : memref<80x64xf32, #tpu.memory_space<vmem>>) dst(%dma_wait3A_1054 : memref<10000x64xf32, #tpu.memory_space<vmem_shared>>)
      } else {
      }
      %dma_start3A_286 = arith.constant 2 : i32
      %dma_start3A_287 = arith.constant 2 : i32
      %dma_start3A_288 = arith.constant 0 : i32
      %dma_start3A_289 = tpu.memref_slice %arg7[%dma_start3A_286, %dma_start3A_288] : memref<5x80xi32, #tpu.memory_space<vmem>> -> memref<1x80xi32, #tpu.memory_space<vmem>>
      %dma_start3A_290 = tpu.memref_squeeze %dma_start3A_289 : memref<1x80xi32, #tpu.memory_space<vmem>> -> memref<80xi32, #tpu.memory_space<vmem>>
      %dma_start3A_291 = tpu.memref_slice %arg4[%add3A_280] : memref<320000xi32, #tpu.memory_space<hbm>> -> memref<80xi32, #tpu.memory_space<hbm>>
      %dma_start3A_292 = tpu.memref_slice %arg13[%dma_start3A_287] : memref<5x!tpu.dma_semaphore, #tpu.memory_space<semaphore_mem>> -> memref<1x!tpu.dma_semaphore, #tpu.memory_space<semaphore_mem>>
      %dma_start3A_293 = tpu.memref_squeeze %dma_start3A_292 : memref<1x!tpu.dma_semaphore, #tpu.memory_space<semaphore_mem>> -> memref<!tpu.dma_semaphore, #tpu.memory_space<semaphore_mem>>
      %dma_start3A_294 = arith.constant 0 : i32
      %dma_start3A_295 = tpu.memref_slice %arg7[%dma_start3A_286, %dma_start3A_294] : memref<5x80xi32, #tpu.memory_space<vmem>> -> memref<1x80xi32, #tpu.memory_space<vmem>>
      %dma_start3A_296 = tpu.memref_squeeze %dma_start3A_295 : memref<1x80xi32, #tpu.memory_space<vmem>> -> memref<80xi32, #tpu.memory_space<vmem>>
      %dma_start3A_297 = tpu.memref_slice %arg4[%add3A_280] : memref<320000xi32, #tpu.memory_space<hbm>> -> memref<80xi32, #tpu.memory_space<hbm>>
      tpu.enqueue_dma source(%dma_start3A_297 : memref<80xi32, #tpu.memory_space<hbm>>) target(%dma_start3A_296 : memref<80xi32, #tpu.memory_space<vmem>>) target_semaphore(%dma_start3A_293 : memref<!tpu.dma_semaphore, #tpu.memory_space<semaphore_mem>>)
      %dma_start3A_298 = arith.constant 2 : i32
      %dma_start3A_299 = arith.constant 2 : i32
      %dma_start3A_300 = arith.constant 0 : i32
      %dma_start3A_301 = tpu.memref_slice %arg8[%dma_start3A_298, %dma_start3A_300] : memref<5x80xi32, #tpu.memory_space<vmem>> -> memref<1x80xi32, #tpu.memory_space<vmem>>
      %dma_start3A_302 = tpu.memref_squeeze %dma_start3A_301 : memref<1x80xi32, #tpu.memory_space<vmem>> -> memref<80xi32, #tpu.memory_space<vmem>>
      %dma_start3A_303 = tpu.memref_slice %arg5[%add3A_280] : memref<320000xi32, #tpu.memory_space<hbm>> -> memref<80xi32, #tpu.memory_space<hbm>>
      %dma_start3A_304 = tpu.memref_slice %arg13[%dma_start3A_299] : memref<5x!tpu.dma_semaphore, #tpu.memory_space<semaphore_mem>> -> memref<1x!tpu.dma_semaphore, #tpu.memory_space<semaphore_mem>>
      %dma_start3A_305 = tpu.memref_squeeze %dma_start3A_304 : memref<1x!tpu.dma_semaphore, #tpu.memory_space<semaphore_mem>> -> memref<!tpu.dma_semaphore, #tpu.memory_space<semaphore_mem>>
      %dma_start3A_306 = arith.constant 0 : i32
      %dma_start3A_307 = tpu.memref_slice %arg8[%dma_start3A_298, %dma_start3A_306] : memref<5x80xi32, #tpu.memory_space<vmem>> -> memref<1x80xi32, #tpu.memory_space<vmem>>
      %dma_start3A_308 = tpu.memref_squeeze %dma_start3A_307 : memref<1x80xi32, #tpu.memory_space<vmem>> -> memref<80xi32, #tpu.memory_space<vmem>>
      %dma_start3A_309 = tpu.memref_slice %arg5[%add3A_280] : memref<320000xi32, #tpu.memory_space<hbm>> -> memref<80xi32, #tpu.memory_space<hbm>>
      tpu.enqueue_dma source(%dma_start3A_309 : memref<80xi32, #tpu.memory_space<hbm>>) target(%dma_start3A_308 : memref<80xi32, #tpu.memory_space<vmem>>) target_semaphore(%dma_start3A_305 : memref<!tpu.dma_semaphore, #tpu.memory_space<semaphore_mem>>)
      %mul3A_310 = arith.constant 5 : i32
      %mul3A_311 = arith.muli %scan3A_197, %mul3A_310 : i32
      %add3A_312 = arith.constant 3 : i32
      %add3A_313 = arith.addi %mul3A_311, %add3A_312 : i32
      %mul3A_314 = arith.constant 80 : i32
      %mul3A_315 = arith.muli %add3A_313, %mul3A_314 : i32
      %mul3A_316 = arith.constant 20000 : i32
      %mul3A_317 = arith.muli %arg1, %mul3A_316 : i32
      %add3A_318 = arith.addi %mul3A_315, %mul3A_317 : i32
      %gt3A_319 = arith.constant 0 : i32
      %gt3A_320 = arith.cmpi sgt, %scan3A_197, %gt3A_319 : i32
      %convert_element_type3A_321 = arith.extui %gt3A_320 : i1 to i32
      %cond3A_322 = arith.constant 0 : i32
      %cond3A_323 = arith.cmpi ne, %convert_element_type3A_321, %cond3A_322 : i32
      scf.if %cond3A_323 {
        %dma_wait3A_1042 = arith.constant 3 : i32
        %dma_wait3A_1043 = arith.constant 3 : i32
        %dma_wait3A_1044 = arith.constant 3 : i32
        %dma_wait3A_1045 = arith.constant 0 : i32
        %dma_wait3A_1046 = arith.constant 0 : i32
        %dma_wait3A_1047 = tpu.memref_slice %arg11[%dma_wait3A_1042, %dma_wait3A_1045, %dma_wait3A_1046] : memref<5x80x64xf32, #tpu.memory_space<vmem>> -> memref<1x80x64xf32, #tpu.memory_space<vmem>>
        %dma_wait3A_1048 = tpu.memref_squeeze %dma_wait3A_1047 : memref<1x80x64xf32, #tpu.memory_space<vmem>> -> memref<80x64xf32, #tpu.memory_space<vmem>>
        %dma_wait3A_1049 = arith.constant 0 : i32
        %dma_wait3A_1050 = tpu.memref_slice %arg7[%dma_wait3A_1043, %dma_wait3A_1049] : memref<5x80xi32, #tpu.memory_space<vmem>> -> memref<1x80xi32, #tpu.memory_space<vmem>>
        %dma_wait3A_1051 = tpu.memref_squeeze %dma_wait3A_1050 : memref<1x80xi32, #tpu.memory_space<vmem>> -> memref<80xi32, #tpu.memory_space<vmem>>
        %dma_wait3A_1052 = arith.constant 0 : i32
        %dma_wait3A_1053 = arith.constant 0 : i32
        %dma_wait3A_1054 = tpu.memref_slice %arg12[%dma_wait3A_1052, %dma_wait3A_1053] : memref<10000x64xf32, #tpu.memory_space<vmem_shared>> -> memref<10000x64xf32, #tpu.memory_space<vmem_shared>>
        %dma_wait3A_1055 = tpu.memref_slice %arg16[%dma_wait3A_1044] : memref<5x!tpu.dma_semaphore, #tpu.memory_space<semaphore_mem>> -> memref<1x!tpu.dma_semaphore, #tpu.memory_space<semaphore_mem>>
        %dma_wait3A_1056 = tpu.memref_squeeze %dma_wait3A_1055 : memref<1x!tpu.dma_semaphore, #tpu.memory_space<semaphore_mem>> -> memref<!tpu.dma_semaphore, #tpu.memory_space<semaphore_mem>>
        tpu.wait_indirect_dma semaphore(%dma_wait3A_1056 : memref<!tpu.dma_semaphore, #tpu.memory_space<semaphore_mem>>) src(%dma_wait3A_1048 : memref<80x64xf32, #tpu.memory_space<vmem>>) dst(%dma_wait3A_1054 : memref<10000x64xf32, #tpu.memory_space<vmem_shared>>)
      } else {
      }
      %dma_start3A_324 = arith.constant 3 : i32
      %dma_start3A_325 = arith.constant 3 : i32
      %dma_start3A_326 = arith.constant 0 : i32
      %dma_start3A_327 = tpu.memref_slice %arg7[%dma_start3A_324, %dma_start3A_326] : memref<5x80xi32, #tpu.memory_space<vmem>> -> memref<1x80xi32, #tpu.memory_space<vmem>>
      %dma_start3A_328 = tpu.memref_squeeze %dma_start3A_327 : memref<1x80xi32, #tpu.memory_space<vmem>> -> memref<80xi32, #tpu.memory_space<vmem>>
      %dma_start3A_329 = tpu.memref_slice %arg4[%add3A_318] : memref<320000xi32, #tpu.memory_space<hbm>> -> memref<80xi32, #tpu.memory_space<hbm>>
      %dma_start3A_330 = tpu.memref_slice %arg13[%dma_start3A_325] : memref<5x!tpu.dma_semaphore, #tpu.memory_space<semaphore_mem>> -> memref<1x!tpu.dma_semaphore, #tpu.memory_space<semaphore_mem>>
      %dma_start3A_331 = tpu.memref_squeeze %dma_start3A_330 : memref<1x!tpu.dma_semaphore, #tpu.memory_space<semaphore_mem>> -> memref<!tpu.dma_semaphore, #tpu.memory_space<semaphore_mem>>
      %dma_start3A_332 = arith.constant 0 : i32
      %dma_start3A_333 = tpu.memref_slice %arg7[%dma_start3A_324, %dma_start3A_332] : memref<5x80xi32, #tpu.memory_space<vmem>> -> memref<1x80xi32, #tpu.memory_space<vmem>>
      %dma_start3A_334 = tpu.memref_squeeze %dma_start3A_333 : memref<1x80xi32, #tpu.memory_space<vmem>> -> memref<80xi32, #tpu.memory_space<vmem>>
      %dma_start3A_335 = tpu.memref_slice %arg4[%add3A_318] : memref<320000xi32, #tpu.memory_space<hbm>> -> memref<80xi32, #tpu.memory_space<hbm>>
      tpu.enqueue_dma source(%dma_start3A_335 : memref<80xi32, #tpu.memory_space<hbm>>) target(%dma_start3A_334 : memref<80xi32, #tpu.memory_space<vmem>>) target_semaphore(%dma_start3A_331 : memref<!tpu.dma_semaphore, #tpu.memory_space<semaphore_mem>>)
      %dma_start3A_336 = arith.constant 3 : i32
      %dma_start3A_337 = arith.constant 3 : i32
      %dma_start3A_338 = arith.constant 0 : i32
      %dma_start3A_339 = tpu.memref_slice %arg8[%dma_start3A_336, %dma_start3A_338] : memref<5x80xi32, #tpu.memory_space<vmem>> -> memref<1x80xi32, #tpu.memory_space<vmem>>
      %dma_start3A_340 = tpu.memref_squeeze %dma_start3A_339 : memref<1x80xi32, #tpu.memory_space<vmem>> -> memref<80xi32, #tpu.memory_space<vmem>>
      %dma_start3A_341 = tpu.memref_slice %arg5[%add3A_318] : memref<320000xi32, #tpu.memory_space<hbm>> -> memref<80xi32, #tpu.memory_space<hbm>>
      %dma_start3A_342 = tpu.memref_slice %arg13[%dma_start3A_337] : memref<5x!tpu.dma_semaphore, #tpu.memory_space<semaphore_mem>> -> memref<1x!tpu.dma_semaphore, #tpu.memory_space<semaphore_mem>>
      %dma_start3A_343 = tpu.memref_squeeze %dma_start3A_342 : memref<1x!tpu.dma_semaphore, #tpu.memory_space<semaphore_mem>> -> memref<!tpu.dma_semaphore, #tpu.memory_space<semaphore_mem>>
      %dma_start3A_344 = arith.constant 0 : i32
      %dma_start3A_345 = tpu.memref_slice %arg8[%dma_start3A_336, %dma_start3A_344] : memref<5x80xi32, #tpu.memory_space<vmem>> -> memref<1x80xi32, #tpu.memory_space<vmem>>
      %dma_start3A_346 = tpu.memref_squeeze %dma_start3A_345 : memref<1x80xi32, #tpu.memory_space<vmem>> -> memref<80xi32, #tpu.memory_space<vmem>>
      %dma_start3A_347 = tpu.memref_slice %arg5[%add3A_318] : memref<320000xi32, #tpu.memory_space<hbm>> -> memref<80xi32, #tpu.memory_space<hbm>>
      tpu.enqueue_dma source(%dma_start3A_347 : memref<80xi32, #tpu.memory_space<hbm>>) target(%dma_start3A_346 : memref<80xi32, #tpu.memory_space<vmem>>) target_semaphore(%dma_start3A_343 : memref<!tpu.dma_semaphore, #tpu.memory_space<semaphore_mem>>)
      %mul3A_348 = arith.constant 5 : i32
      %mul3A_349 = arith.muli %scan3A_197, %mul3A_348 : i32
      %add3A_350 = arith.constant 4 : i32
      %add3A_351 = arith.addi %mul3A_349, %add3A_350 : i32
      %mul3A_352 = arith.constant 80 : i32
      %mul3A_353 = arith.muli %add3A_351, %mul3A_352 : i32
      %mul3A_354 = arith.constant 20000 : i32
      %mul3A_355 = arith.muli %arg1, %mul3A_354 : i32
      %add3A_356 = arith.addi %mul3A_353, %mul3A_355 : i32
      %gt3A_357 = arith.constant 0 : i32
      %gt3A_358 = arith.cmpi sgt, %scan3A_197, %gt3A_357 : i32
      %convert_element_type3A_359 = arith.extui %gt3A_358 : i1 to i32
      %cond3A_360 = arith.constant 0 : i32
      %cond3A_361 = arith.cmpi ne, %convert_element_type3A_359, %cond3A_360 : i32
      scf.if %cond3A_361 {
        %dma_wait3A_1042 = arith.constant 4 : i32
        %dma_wait3A_1043 = arith.constant 4 : i32
        %dma_wait3A_1044 = arith.constant 4 : i32
        %dma_wait3A_1045 = arith.constant 0 : i32
        %dma_wait3A_1046 = arith.constant 0 : i32
        %dma_wait3A_1047 = tpu.memref_slice %arg11[%dma_wait3A_1042, %dma_wait3A_1045, %dma_wait3A_1046] : memref<5x80x64xf32, #tpu.memory_space<vmem>> -> memref<1x80x64xf32, #tpu.memory_space<vmem>>
        %dma_wait3A_1048 = tpu.memref_squeeze %dma_wait3A_1047 : memref<1x80x64xf32, #tpu.memory_space<vmem>> -> memref<80x64xf32, #tpu.memory_space<vmem>>
        %dma_wait3A_1049 = arith.constant 0 : i32
        %dma_wait3A_1050 = tpu.memref_slice %arg7[%dma_wait3A_1043, %dma_wait3A_1049] : memref<5x80xi32, #tpu.memory_space<vmem>> -> memref<1x80xi32, #tpu.memory_space<vmem>>
        %dma_wait3A_1051 = tpu.memref_squeeze %dma_wait3A_1050 : memref<1x80xi32, #tpu.memory_space<vmem>> -> memref<80xi32, #tpu.memory_space<vmem>>
        %dma_wait3A_1052 = arith.constant 0 : i32
        %dma_wait3A_1053 = arith.constant 0 : i32
        %dma_wait3A_1054 = tpu.memref_slice %arg12[%dma_wait3A_1052, %dma_wait3A_1053] : memref<10000x64xf32, #tpu.memory_space<vmem_shared>> -> memref<10000x64xf32, #tpu.memory_space<vmem_shared>>
        %dma_wait3A_1055 = tpu.memref_slice %arg16[%dma_wait3A_1044] : memref<5x!tpu.dma_semaphore, #tpu.memory_space<semaphore_mem>> -> memref<1x!tpu.dma_semaphore, #tpu.memory_space<semaphore_mem>>
        %dma_wait3A_1056 = tpu.memref_squeeze %dma_wait3A_1055 : memref<1x!tpu.dma_semaphore, #tpu.memory_space<semaphore_mem>> -> memref<!tpu.dma_semaphore, #tpu.memory_space<semaphore_mem>>
        tpu.wait_indirect_dma semaphore(%dma_wait3A_1056 : memref<!tpu.dma_semaphore, #tpu.memory_space<semaphore_mem>>) src(%dma_wait3A_1048 : memref<80x64xf32, #tpu.memory_space<vmem>>) dst(%dma_wait3A_1054 : memref<10000x64xf32, #tpu.memory_space<vmem_shared>>)
      } else {
      }
      %dma_start3A_362 = arith.constant 4 : i32
      %dma_start3A_363 = arith.constant 4 : i32
      %dma_start3A_364 = arith.constant 0 : i32
      %dma_start3A_365 = tpu.memref_slice %arg7[%dma_start3A_362, %dma_start3A_364] : memref<5x80xi32, #tpu.memory_space<vmem>> -> memref<1x80xi32, #tpu.memory_space<vmem>>
      %dma_start3A_366 = tpu.memref_squeeze %dma_start3A_365 : memref<1x80xi32, #tpu.memory_space<vmem>> -> memref<80xi32, #tpu.memory_space<vmem>>
      %dma_start3A_367 = tpu.memref_slice %arg4[%add3A_356] : memref<320000xi32, #tpu.memory_space<hbm>> -> memref<80xi32, #tpu.memory_space<hbm>>
      %dma_start3A_368 = tpu.memref_slice %arg13[%dma_start3A_363] : memref<5x!tpu.dma_semaphore, #tpu.memory_space<semaphore_mem>> -> memref<1x!tpu.dma_semaphore, #tpu.memory_space<semaphore_mem>>
      %dma_start3A_369 = tpu.memref_squeeze %dma_start3A_368 : memref<1x!tpu.dma_semaphore, #tpu.memory_space<semaphore_mem>> -> memref<!tpu.dma_semaphore, #tpu.memory_space<semaphore_mem>>
      %dma_start3A_370 = arith.constant 0 : i32
      %dma_start3A_371 = tpu.memref_slice %arg7[%dma_start3A_362, %dma_start3A_370] : memref<5x80xi32, #tpu.memory_space<vmem>> -> memref<1x80xi32, #tpu.memory_space<vmem>>
      %dma_start3A_372 = tpu.memref_squeeze %dma_start3A_371 : memref<1x80xi32, #tpu.memory_space<vmem>> -> memref<80xi32, #tpu.memory_space<vmem>>
      %dma_start3A_373 = tpu.memref_slice %arg4[%add3A_356] : memref<320000xi32, #tpu.memory_space<hbm>> -> memref<80xi32, #tpu.memory_space<hbm>>
      tpu.enqueue_dma source(%dma_start3A_373 : memref<80xi32, #tpu.memory_space<hbm>>) target(%dma_start3A_372 : memref<80xi32, #tpu.memory_space<vmem>>) target_semaphore(%dma_start3A_369 : memref<!tpu.dma_semaphore, #tpu.memory_space<semaphore_mem>>)
      %dma_start3A_374 = arith.constant 4 : i32
      %dma_start3A_375 = arith.constant 4 : i32
      %dma_start3A_376 = arith.constant 0 : i32
      %dma_start3A_377 = tpu.memref_slice %arg8[%dma_start3A_374, %dma_start3A_376] : memref<5x80xi32, #tpu.memory_space<vmem>> -> memref<1x80xi32, #tpu.memory_space<vmem>>
      %dma_start3A_378 = tpu.memref_squeeze %dma_start3A_377 : memref<1x80xi32, #tpu.memory_space<vmem>> -> memref<80xi32, #tpu.memory_space<vmem>>
      %dma_start3A_379 = tpu.memref_slice %arg5[%add3A_356] : memref<320000xi32, #tpu.memory_space<hbm>> -> memref<80xi32, #tpu.memory_space<hbm>>
      %dma_start3A_380 = tpu.memref_slice %arg13[%dma_start3A_375] : memref<5x!tpu.dma_semaphore, #tpu.memory_space<semaphore_mem>> -> memref<1x!tpu.dma_semaphore, #tpu.memory_space<semaphore_mem>>
      %dma_start3A_381 = tpu.memref_squeeze %dma_start3A_380 : memref<1x!tpu.dma_semaphore, #tpu.memory_space<semaphore_mem>> -> memref<!tpu.dma_semaphore, #tpu.memory_space<semaphore_mem>>
      %dma_start3A_382 = arith.constant 0 : i32
      %dma_start3A_383 = tpu.memref_slice %arg8[%dma_start3A_374, %dma_start3A_382] : memref<5x80xi32, #tpu.memory_space<vmem>> -> memref<1x80xi32, #tpu.memory_space<vmem>>
      %dma_start3A_384 = tpu.memref_squeeze %dma_start3A_383 : memref<1x80xi32, #tpu.memory_space<vmem>> -> memref<80xi32, #tpu.memory_space<vmem>>
      %dma_start3A_385 = tpu.memref_slice %arg5[%add3A_356] : memref<320000xi32, #tpu.memory_space<hbm>> -> memref<80xi32, #tpu.memory_space<hbm>>
      tpu.enqueue_dma source(%dma_start3A_385 : memref<80xi32, #tpu.memory_space<hbm>>) target(%dma_start3A_384 : memref<80xi32, #tpu.memory_space<vmem>>) target_semaphore(%dma_start3A_381 : memref<!tpu.dma_semaphore, #tpu.memory_space<semaphore_mem>>)
      %mul3A_386 = arith.constant 5 : i32
      %mul3A_387 = arith.muli %scan3A_197, %mul3A_386 : i32
      %add3A_388 = arith.constant 0 : i32
      %add3A_389 = arith.addi %mul3A_387, %add3A_388 : i32
      %mul3A_390 = arith.constant 80 : i32
      %mul3A_391 = arith.muli %add3A_389, %mul3A_390 : i32
      %mul3A_392 = arith.constant 20000 : i32
      %mul3A_393 = arith.muli %arg1, %mul3A_392 : i32
      %add3A_394 = arith.addi %mul3A_391, %mul3A_393 : i32
      %dma_wait3A_395 = arith.constant 0 : i32
      %dma_wait3A_396 = arith.constant 0 : i32
      %dma_wait3A_397 = arith.constant 0 : i32
      %dma_wait3A_398 = tpu.memref_slice %arg7[%dma_wait3A_395, %dma_wait3A_397] : memref<5x80xi32, #tpu.memory_space<vmem>> -> memref<1x80xi32, #tpu.memory_space<vmem>>
      %dma_wait3A_399 = tpu.memref_squeeze %dma_wait3A_398 : memref<1x80xi32, #tpu.memory_space<vmem>> -> memref<80xi32, #tpu.memory_space<vmem>>
      %dma_wait3A_400 = tpu.memref_slice %arg4[%add3A_394] : memref<320000xi32, #tpu.memory_space<hbm>> -> memref<80xi32, #tpu.memory_space<hbm>>
      %dma_wait3A_401 = tpu.memref_slice %arg13[%dma_wait3A_396] : memref<5x!tpu.dma_semaphore, #tpu.memory_space<semaphore_mem>> -> memref<1x!tpu.dma_semaphore, #tpu.memory_space<semaphore_mem>>
      %dma_wait3A_402 = tpu.memref_squeeze %dma_wait3A_401 : memref<1x!tpu.dma_semaphore, #tpu.memory_space<semaphore_mem>> -> memref<!tpu.dma_semaphore, #tpu.memory_space<semaphore_mem>>
      %dma_wait3A_403 = arith.constant 0 : i32
      %dma_wait3A_404 = tpu.memref_slice %arg7[%dma_wait3A_395, %dma_wait3A_403] : memref<5x80xi32, #tpu.memory_space<vmem>> -> memref<1x80xi32, #tpu.memory_space<vmem>>
      %dma_wait3A_405 = tpu.memref_squeeze %dma_wait3A_404 : memref<1x80xi32, #tpu.memory_space<vmem>> -> memref<80xi32, #tpu.memory_space<vmem>>
      %dma_wait3A_406 = tpu.memref_slice %arg4[%add3A_394] : memref<320000xi32, #tpu.memory_space<hbm>> -> memref<80xi32, #tpu.memory_space<hbm>>
      tpu.wait_dma2 semaphore(%dma_wait3A_402 : memref<!tpu.dma_semaphore, #tpu.memory_space<semaphore_mem>>) src(%dma_wait3A_406 : memref<80xi32, #tpu.memory_space<hbm>>) dst(%dma_wait3A_405 : memref<80xi32, #tpu.memory_space<vmem>>)
      %dma_wait3A_407 = arith.constant 0 : i32
      %dma_wait3A_408 = arith.constant 0 : i32
      %dma_wait3A_409 = arith.constant 0 : i32
      %dma_wait3A_410 = tpu.memref_slice %arg8[%dma_wait3A_407, %dma_wait3A_409] : memref<5x80xi32, #tpu.memory_space<vmem>> -> memref<1x80xi32, #tpu.memory_space<vmem>>
      %dma_wait3A_411 = tpu.memref_squeeze %dma_wait3A_410 : memref<1x80xi32, #tpu.memory_space<vmem>> -> memref<80xi32, #tpu.memory_space<vmem>>
      %dma_wait3A_412 = tpu.memref_slice %arg5[%add3A_394] : memref<320000xi32, #tpu.memory_space<hbm>> -> memref<80xi32, #tpu.memory_space<hbm>>
      %dma_wait3A_413 = tpu.memref_slice %arg13[%dma_wait3A_408] : memref<5x!tpu.dma_semaphore, #tpu.memory_space<semaphore_mem>> -> memref<1x!tpu.dma_semaphore, #tpu.memory_space<semaphore_mem>>
      %dma_wait3A_414 = tpu.memref_squeeze %dma_wait3A_413 : memref<1x!tpu.dma_semaphore, #tpu.memory_space<semaphore_mem>> -> memref<!tpu.dma_semaphore, #tpu.memory_space<semaphore_mem>>
      %dma_wait3A_415 = arith.constant 0 : i32
      %dma_wait3A_416 = tpu.memref_slice %arg8[%dma_wait3A_407, %dma_wait3A_415] : memref<5x80xi32, #tpu.memory_space<vmem>> -> memref<1x80xi32, #tpu.memory_space<vmem>>
      %dma_wait3A_417 = tpu.memref_squeeze %dma_wait3A_416 : memref<1x80xi32, #tpu.memory_space<vmem>> -> memref<80xi32, #tpu.memory_space<vmem>>
      %dma_wait3A_418 = tpu.memref_slice %arg5[%add3A_394] : memref<320000xi32, #tpu.memory_space<hbm>> -> memref<80xi32, #tpu.memory_space<hbm>>
      tpu.wait_dma2 semaphore(%dma_wait3A_414 : memref<!tpu.dma_semaphore, #tpu.memory_space<semaphore_mem>>) src(%dma_wait3A_418 : memref<80xi32, #tpu.memory_space<hbm>>) dst(%dma_wait3A_417 : memref<80xi32, #tpu.memory_space<vmem>>)
      %dma_start3A_419 = arith.constant 0 : i32
      %dma_start3A_420 = arith.constant 0 : i32
      %dma_start3A_421 = arith.constant 0 : i32
      %dma_start3A_422 = arith.constant 0 : i32
      %dma_start3A_423 = arith.constant 0 : i32
      %dma_start3A_424 = tpu.memref_slice %arg9[%dma_start3A_420, %dma_start3A_422, %dma_start3A_423] : memref<5x80x64xf32, #tpu.memory_space<vmem>> -> memref<1x80x64xf32, #tpu.memory_space<vmem>>
      %dma_start3A_425 = tpu.memref_squeeze %dma_start3A_424 : memref<1x80x64xf32, #tpu.memory_space<vmem>> -> memref<80x64xf32, #tpu.memory_space<vmem>>
      %dma_start3A_426 = arith.constant 0 : i32
      %dma_start3A_427 = tpu.memref_slice %arg7[%dma_start3A_419, %dma_start3A_426] : memref<5x80xi32, #tpu.memory_space<vmem>> -> memref<1x80xi32, #tpu.memory_space<vmem>>
      %dma_start3A_428 = tpu.memref_squeeze %dma_start3A_427 : memref<1x80xi32, #tpu.memory_space<vmem>> -> memref<80xi32, #tpu.memory_space<vmem>>
      %dma_start3A_429 = arith.constant 0 : i32
      %dma_start3A_430 = arith.constant 0 : i32
      %dma_start3A_431 = tpu.memref_slice %arg2[%arg0, %dma_start3A_429, %dma_start3A_430] : memref<2x10000x64xf32, #tpu.memory_space<hbm>> -> memref<1x10000x64xf32, #tpu.memory_space<hbm>>
      %dma_start3A_432 = tpu.memref_squeeze %dma_start3A_431 : memref<1x10000x64xf32, #tpu.memory_space<hbm>> -> memref<10000x64xf32, #tpu.memory_space<hbm>>
      %dma_start3A_433 = arith.constant 0 : i32
      %dma_start3A_434 = arith.constant 0 : i32
      %dma_start3A_435 = tpu.memref_slice %dma_start3A_432[%dma_start3A_433, %dma_start3A_434] : memref<10000x64xf32, #tpu.memory_space<hbm>> -> memref<10000x64xf32, #tpu.memory_space<hbm>>
      %dma_start3A_436 = tpu.memref_slice %arg14[%dma_start3A_421] : memref<5x!tpu.dma_semaphore, #tpu.memory_space<semaphore_mem>> -> memref<1x!tpu.dma_semaphore, #tpu.memory_space<semaphore_mem>>
      %dma_start3A_437 = tpu.memref_squeeze %dma_start3A_436 : memref<1x!tpu.dma_semaphore, #tpu.memory_space<semaphore_mem>> -> memref<!tpu.dma_semaphore, #tpu.memory_space<semaphore_mem>>
      tpu.enqueue_indirect_dma source(%dma_start3A_435 : memref<10000x64xf32, #tpu.memory_space<hbm>>) target(%dma_start3A_425 : memref<80x64xf32, #tpu.memory_space<vmem>>) offsets(%dma_start3A_428 : memref<80xi32, #tpu.memory_space<vmem>>) semaphore(%dma_start3A_437 : memref<!tpu.dma_semaphore, #tpu.memory_space<semaphore_mem>>)
      %dma_start3A_438 = arith.constant 0 : i32
      %dma_start3A_439 = arith.constant 0 : i32
      %dma_start3A_440 = arith.constant 0 : i32
      %dma_start3A_441 = arith.constant 0 : i32
      %dma_start3A_442 = arith.constant 0 : i32
      %dma_start3A_443 = tpu.memref_slice %arg10[%dma_start3A_439, %dma_start3A_441, %dma_start3A_442] : memref<5x80x64xf32, #tpu.memory_space<vmem>> -> memref<1x80x64xf32, #tpu.memory_space<vmem>>
      %dma_start3A_444 = tpu.memref_squeeze %dma_start3A_443 : memref<1x80x64xf32, #tpu.memory_space<vmem>> -> memref<80x64xf32, #tpu.memory_space<vmem>>
      %dma_start3A_445 = arith.constant 0 : i32
      %dma_start3A_446 = tpu.memref_slice %arg8[%dma_start3A_438, %dma_start3A_445] : memref<5x80xi32, #tpu.memory_space<vmem>> -> memref<1x80xi32, #tpu.memory_space<vmem>>
      %dma_start3A_447 = tpu.memref_squeeze %dma_start3A_446 : memref<1x80xi32, #tpu.memory_space<vmem>> -> memref<80xi32, #tpu.memory_space<vmem>>
      %dma_start3A_448 = arith.constant 0 : i32
      %dma_start3A_449 = arith.constant 0 : i32
      %dma_start3A_450 = tpu.memref_slice %arg3[%arg0, %dma_start3A_448, %dma_start3A_449] : memref<2x10000x64xf32, #tpu.memory_space<hbm>> -> memref<1x10000x64xf32, #tpu.memory_space<hbm>>
      %dma_start3A_451 = tpu.memref_squeeze %dma_start3A_450 : memref<1x10000x64xf32, #tpu.memory_space<hbm>> -> memref<10000x64xf32, #tpu.memory_space<hbm>>
      %dma_start3A_452 = arith.constant 0 : i32
      %dma_start3A_453 = arith.constant 0 : i32
      %dma_start3A_454 = tpu.memref_slice %dma_start3A_451[%dma_start3A_452, %dma_start3A_453] : memref<10000x64xf32, #tpu.memory_space<hbm>> -> memref<10000x64xf32, #tpu.memory_space<hbm>>
      %dma_start3A_455 = tpu.memref_slice %arg15[%dma_start3A_440] : memref<5x!tpu.dma_semaphore, #tpu.memory_space<semaphore_mem>> -> memref<1x!tpu.dma_semaphore, #tpu.memory_space<semaphore_mem>>
      %dma_start3A_456 = tpu.memref_squeeze %dma_start3A_455 : memref<1x!tpu.dma_semaphore, #tpu.memory_space<semaphore_mem>> -> memref<!tpu.dma_semaphore, #tpu.memory_space<semaphore_mem>>
      tpu.enqueue_indirect_dma source(%dma_start3A_454 : memref<10000x64xf32, #tpu.memory_space<hbm>>) target(%dma_start3A_444 : memref<80x64xf32, #tpu.memory_space<vmem>>) offsets(%dma_start3A_447 : memref<80xi32, #tpu.memory_space<vmem>>) semaphore(%dma_start3A_456 : memref<!tpu.dma_semaphore, #tpu.memory_space<semaphore_mem>>)
      %mul3A_457 = arith.constant 5 : i32
      %mul3A_458 = arith.muli %scan3A_197, %mul3A_457 : i32
      %add3A_459 = arith.constant 1 : i32
      %add3A_460 = arith.addi %mul3A_458, %add3A_459 : i32
      %mul3A_461 = arith.constant 80 : i32
      %mul3A_462 = arith.muli %add3A_460, %mul3A_461 : i32
      %mul3A_463 = arith.constant 20000 : i32
      %mul3A_464 = arith.muli %arg1, %mul3A_463 : i32
      %add3A_465 = arith.addi %mul3A_462, %mul3A_464 : i32
      %dma_wait3A_466 = arith.constant 1 : i32
      %dma_wait3A_467 = arith.constant 1 : i32
      %dma_wait3A_468 = arith.constant 0 : i32
      %dma_wait3A_469 = tpu.memref_slice %arg7[%dma_wait3A_466, %dma_wait3A_468] : memref<5x80xi32, #tpu.memory_space<vmem>> -> memref<1x80xi32, #tpu.memory_space<vmem>>
      %dma_wait3A_470 = tpu.memref_squeeze %dma_wait3A_469 : memref<1x80xi32, #tpu.memory_space<vmem>> -> memref<80xi32, #tpu.memory_space<vmem>>
      %dma_wait3A_471 = tpu.memref_slice %arg4[%add3A_465] : memref<320000xi32, #tpu.memory_space<hbm>> -> memref<80xi32, #tpu.memory_space<hbm>>
      %dma_wait3A_472 = tpu.memref_slice %arg13[%dma_wait3A_467] : memref<5x!tpu.dma_semaphore, #tpu.memory_space<semaphore_mem>> -> memref<1x!tpu.dma_semaphore, #tpu.memory_space<semaphore_mem>>
      %dma_wait3A_473 = tpu.memref_squeeze %dma_wait3A_472 : memref<1x!tpu.dma_semaphore, #tpu.memory_space<semaphore_mem>> -> memref<!tpu.dma_semaphore, #tpu.memory_space<semaphore_mem>>
      %dma_wait3A_474 = arith.constant 0 : i32
      %dma_wait3A_475 = tpu.memref_slice %arg7[%dma_wait3A_466, %dma_wait3A_474] : memref<5x80xi32, #tpu.memory_space<vmem>> -> memref<1x80xi32, #tpu.memory_space<vmem>>
      %dma_wait3A_476 = tpu.memref_squeeze %dma_wait3A_475 : memref<1x80xi32, #tpu.memory_space<vmem>> -> memref<80xi32, #tpu.memory_space<vmem>>
      %dma_wait3A_477 = tpu.memref_slice %arg4[%add3A_465] : memref<320000xi32, #tpu.memory_space<hbm>> -> memref<80xi32, #tpu.memory_space<hbm>>
      tpu.wait_dma2 semaphore(%dma_wait3A_473 : memref<!tpu.dma_semaphore, #tpu.memory_space<semaphore_mem>>) src(%dma_wait3A_477 : memref<80xi32, #tpu.memory_space<hbm>>) dst(%dma_wait3A_476 : memref<80xi32, #tpu.memory_space<vmem>>)
      %dma_wait3A_478 = arith.constant 1 : i32
      %dma_wait3A_479 = arith.constant 1 : i32
      %dma_wait3A_480 = arith.constant 0 : i32
      %dma_wait3A_481 = tpu.memref_slice %arg8[%dma_wait3A_478, %dma_wait3A_480] : memref<5x80xi32, #tpu.memory_space<vmem>> -> memref<1x80xi32, #tpu.memory_space<vmem>>
      %dma_wait3A_482 = tpu.memref_squeeze %dma_wait3A_481 : memref<1x80xi32, #tpu.memory_space<vmem>> -> memref<80xi32, #tpu.memory_space<vmem>>
      %dma_wait3A_483 = tpu.memref_slice %arg5[%add3A_465] : memref<320000xi32, #tpu.memory_space<hbm>> -> memref<80xi32, #tpu.memory_space<hbm>>
      %dma_wait3A_484 = tpu.memref_slice %arg13[%dma_wait3A_479] : memref<5x!tpu.dma_semaphore, #tpu.memory_space<semaphore_mem>> -> memref<1x!tpu.dma_semaphore, #tpu.memory_space<semaphore_mem>>
      %dma_wait3A_485 = tpu.memref_squeeze %dma_wait3A_484 : memref<1x!tpu.dma_semaphore, #tpu.memory_space<semaphore_mem>> -> memref<!tpu.dma_semaphore, #tpu.memory_space<semaphore_mem>>
      %dma_wait3A_486 = arith.constant 0 : i32
      %dma_wait3A_487 = tpu.memref_slice %arg8[%dma_wait3A_478, %dma_wait3A_486] : memref<5x80xi32, #tpu.memory_space<vmem>> -> memref<1x80xi32, #tpu.memory_space<vmem>>
      %dma_wait3A_488 = tpu.memref_squeeze %dma_wait3A_487 : memref<1x80xi32, #tpu.memory_space<vmem>> -> memref<80xi32, #tpu.memory_space<vmem>>
      %dma_wait3A_489 = tpu.memref_slice %arg5[%add3A_465] : memref<320000xi32, #tpu.memory_space<hbm>> -> memref<80xi32, #tpu.memory_space<hbm>>
      tpu.wait_dma2 semaphore(%dma_wait3A_485 : memref<!tpu.dma_semaphore, #tpu.memory_space<semaphore_mem>>) src(%dma_wait3A_489 : memref<80xi32, #tpu.memory_space<hbm>>) dst(%dma_wait3A_488 : memref<80xi32, #tpu.memory_space<vmem>>)
      %dma_start3A_490 = arith.constant 1 : i32
      %dma_start3A_491 = arith.constant 1 : i32
      %dma_start3A_492 = arith.constant 1 : i32
      %dma_start3A_493 = arith.constant 0 : i32
      %dma_start3A_494 = arith.constant 0 : i32
      %dma_start3A_495 = tpu.memref_slice %arg9[%dma_start3A_491, %dma_start3A_493, %dma_start3A_494] : memref<5x80x64xf32, #tpu.memory_space<vmem>> -> memref<1x80x64xf32, #tpu.memory_space<vmem>>
      %dma_start3A_496 = tpu.memref_squeeze %dma_start3A_495 : memref<1x80x64xf32, #tpu.memory_space<vmem>> -> memref<80x64xf32, #tpu.memory_space<vmem>>
      %dma_start3A_497 = arith.constant 0 : i32
      %dma_start3A_498 = tpu.memref_slice %arg7[%dma_start3A_490, %dma_start3A_497] : memref<5x80xi32, #tpu.memory_space<vmem>> -> memref<1x80xi32, #tpu.memory_space<vmem>>
      %dma_start3A_499 = tpu.memref_squeeze %dma_start3A_498 : memref<1x80xi32, #tpu.memory_space<vmem>> -> memref<80xi32, #tpu.memory_space<vmem>>
      %dma_start3A_500 = arith.constant 0 : i32
      %dma_start3A_501 = arith.constant 0 : i32
      %dma_start3A_502 = tpu.memref_slice %arg2[%arg0, %dma_start3A_500, %dma_start3A_501] : memref<2x10000x64xf32, #tpu.memory_space<hbm>> -> memref<1x10000x64xf32, #tpu.memory_space<hbm>>
      %dma_start3A_503 = tpu.memref_squeeze %dma_start3A_502 : memref<1x10000x64xf32, #tpu.memory_space<hbm>> -> memref<10000x64xf32, #tpu.memory_space<hbm>>
      %dma_start3A_504 = arith.constant 0 : i32
      %dma_start3A_505 = arith.constant 0 : i32
      %dma_start3A_506 = tpu.memref_slice %dma_start3A_503[%dma_start3A_504, %dma_start3A_505] : memref<10000x64xf32, #tpu.memory_space<hbm>> -> memref<10000x64xf32, #tpu.memory_space<hbm>>
      %dma_start3A_507 = tpu.memref_slice %arg14[%dma_start3A_492] : memref<5x!tpu.dma_semaphore, #tpu.memory_space<semaphore_mem>> -> memref<1x!tpu.dma_semaphore, #tpu.memory_space<semaphore_mem>>
      %dma_start3A_508 = tpu.memref_squeeze %dma_start3A_507 : memref<1x!tpu.dma_semaphore, #tpu.memory_space<semaphore_mem>> -> memref<!tpu.dma_semaphore, #tpu.memory_space<semaphore_mem>>
      tpu.enqueue_indirect_dma source(%dma_start3A_506 : memref<10000x64xf32, #tpu.memory_space<hbm>>) target(%dma_start3A_496 : memref<80x64xf32, #tpu.memory_space<vmem>>) offsets(%dma_start3A_499 : memref<80xi32, #tpu.memory_space<vmem>>) semaphore(%dma_start3A_508 : memref<!tpu.dma_semaphore, #tpu.memory_space<semaphore_mem>>)
      %dma_start3A_509 = arith.constant 1 : i32
      %dma_start3A_510 = arith.constant 1 : i32
      %dma_start3A_511 = arith.constant 1 : i32
      %dma_start3A_512 = arith.constant 0 : i32
      %dma_start3A_513 = arith.constant 0 : i32
      %dma_start3A_514 = tpu.memref_slice %arg10[%dma_start3A_510, %dma_start3A_512, %dma_start3A_513] : memref<5x80x64xf32, #tpu.memory_space<vmem>> -> memref<1x80x64xf32, #tpu.memory_space<vmem>>
      %dma_start3A_515 = tpu.memref_squeeze %dma_start3A_514 : memref<1x80x64xf32, #tpu.memory_space<vmem>> -> memref<80x64xf32, #tpu.memory_space<vmem>>
      %dma_start3A_516 = arith.constant 0 : i32
      %dma_start3A_517 = tpu.memref_slice %arg8[%dma_start3A_509, %dma_start3A_516] : memref<5x80xi32, #tpu.memory_space<vmem>> -> memref<1x80xi32, #tpu.memory_space<vmem>>
      %dma_start3A_518 = tpu.memref_squeeze %dma_start3A_517 : memref<1x80xi32, #tpu.memory_space<vmem>> -> memref<80xi32, #tpu.memory_space<vmem>>
      %dma_start3A_519 = arith.constant 0 : i32
      %dma_start3A_520 = arith.constant 0 : i32
      %dma_start3A_521 = tpu.memref_slice %arg3[%arg0, %dma_start3A_519, %dma_start3A_520] : memref<2x10000x64xf32, #tpu.memory_space<hbm>> -> memref<1x10000x64xf32, #tpu.memory_space<hbm>>
      %dma_start3A_522 = tpu.memref_squeeze %dma_start3A_521 : memref<1x10000x64xf32, #tpu.memory_space<hbm>> -> memref<10000x64xf32, #tpu.memory_space<hbm>>
      %dma_start3A_523 = arith.constant 0 : i32
      %dma_start3A_524 = arith.constant 0 : i32
      %dma_start3A_525 = tpu.memref_slice %dma_start3A_522[%dma_start3A_523, %dma_start3A_524] : memref<10000x64xf32, #tpu.memory_space<hbm>> -> memref<10000x64xf32, #tpu.memory_space<hbm>>
      %dma_start3A_526 = tpu.memref_slice %arg15[%dma_start3A_511] : memref<5x!tpu.dma_semaphore, #tpu.memory_space<semaphore_mem>> -> memref<1x!tpu.dma_semaphore, #tpu.memory_space<semaphore_mem>>
      %dma_start3A_527 = tpu.memref_squeeze %dma_start3A_526 : memref<1x!tpu.dma_semaphore, #tpu.memory_space<semaphore_mem>> -> memref<!tpu.dma_semaphore, #tpu.memory_space<semaphore_mem>>
      tpu.enqueue_indirect_dma source(%dma_start3A_525 : memref<10000x64xf32, #tpu.memory_space<hbm>>) target(%dma_start3A_515 : memref<80x64xf32, #tpu.memory_space<vmem>>) offsets(%dma_start3A_518 : memref<80xi32, #tpu.memory_space<vmem>>) semaphore(%dma_start3A_527 : memref<!tpu.dma_semaphore, #tpu.memory_space<semaphore_mem>>)
      %mul3A_528 = arith.constant 5 : i32
      %mul3A_529 = arith.muli %scan3A_197, %mul3A_528 : i32
      %add3A_530 = arith.constant 2 : i32
      %add3A_531 = arith.addi %mul3A_529, %add3A_530 : i32
      %mul3A_532 = arith.constant 80 : i32
      %mul3A_533 = arith.muli %add3A_531, %mul3A_532 : i32
      %mul3A_534 = arith.constant 20000 : i32
      %mul3A_535 = arith.muli %arg1, %mul3A_534 : i32
      %add3A_536 = arith.addi %mul3A_533, %mul3A_535 : i32
      %dma_wait3A_537 = arith.constant 2 : i32
      %dma_wait3A_538 = arith.constant 2 : i32
      %dma_wait3A_539 = arith.constant 0 : i32
      %dma_wait3A_540 = tpu.memref_slice %arg7[%dma_wait3A_537, %dma_wait3A_539] : memref<5x80xi32, #tpu.memory_space<vmem>> -> memref<1x80xi32, #tpu.memory_space<vmem>>
      %dma_wait3A_541 = tpu.memref_squeeze %dma_wait3A_540 : memref<1x80xi32, #tpu.memory_space<vmem>> -> memref<80xi32, #tpu.memory_space<vmem>>
      %dma_wait3A_542 = tpu.memref_slice %arg4[%add3A_536] : memref<320000xi32, #tpu.memory_space<hbm>> -> memref<80xi32, #tpu.memory_space<hbm>>
      %dma_wait3A_543 = tpu.memref_slice %arg13[%dma_wait3A_538] : memref<5x!tpu.dma_semaphore, #tpu.memory_space<semaphore_mem>> -> memref<1x!tpu.dma_semaphore, #tpu.memory_space<semaphore_mem>>
      %dma_wait3A_544 = tpu.memref_squeeze %dma_wait3A_543 : memref<1x!tpu.dma_semaphore, #tpu.memory_space<semaphore_mem>> -> memref<!tpu.dma_semaphore, #tpu.memory_space<semaphore_mem>>
      %dma_wait3A_545 = arith.constant 0 : i32
      %dma_wait3A_546 = tpu.memref_slice %arg7[%dma_wait3A_537, %dma_wait3A_545] : memref<5x80xi32, #tpu.memory_space<vmem>> -> memref<1x80xi32, #tpu.memory_space<vmem>>
      %dma_wait3A_547 = tpu.memref_squeeze %dma_wait3A_546 : memref<1x80xi32, #tpu.memory_space<vmem>> -> memref<80xi32, #tpu.memory_space<vmem>>
      %dma_wait3A_548 = tpu.memref_slice %arg4[%add3A_536] : memref<320000xi32, #tpu.memory_space<hbm>> -> memref<80xi32, #tpu.memory_space<hbm>>
      tpu.wait_dma2 semaphore(%dma_wait3A_544 : memref<!tpu.dma_semaphore, #tpu.memory_space<semaphore_mem>>) src(%dma_wait3A_548 : memref<80xi32, #tpu.memory_space<hbm>>) dst(%dma_wait3A_547 : memref<80xi32, #tpu.memory_space<vmem>>)
      %dma_wait3A_549 = arith.constant 2 : i32
      %dma_wait3A_550 = arith.constant 2 : i32
      %dma_wait3A_551 = arith.constant 0 : i32
      %dma_wait3A_552 = tpu.memref_slice %arg8[%dma_wait3A_549, %dma_wait3A_551] : memref<5x80xi32, #tpu.memory_space<vmem>> -> memref<1x80xi32, #tpu.memory_space<vmem>>
      %dma_wait3A_553 = tpu.memref_squeeze %dma_wait3A_552 : memref<1x80xi32, #tpu.memory_space<vmem>> -> memref<80xi32, #tpu.memory_space<vmem>>
      %dma_wait3A_554 = tpu.memref_slice %arg5[%add3A_536] : memref<320000xi32, #tpu.memory_space<hbm>> -> memref<80xi32, #tpu.memory_space<hbm>>
      %dma_wait3A_555 = tpu.memref_slice %arg13[%dma_wait3A_550] : memref<5x!tpu.dma_semaphore, #tpu.memory_space<semaphore_mem>> -> memref<1x!tpu.dma_semaphore, #tpu.memory_space<semaphore_mem>>
      %dma_wait3A_556 = tpu.memref_squeeze %dma_wait3A_555 : memref<1x!tpu.dma_semaphore, #tpu.memory_space<semaphore_mem>> -> memref<!tpu.dma_semaphore, #tpu.memory_space<semaphore_mem>>
      %dma_wait3A_557 = arith.constant 0 : i32
      %dma_wait3A_558 = tpu.memref_slice %arg8[%dma_wait3A_549, %dma_wait3A_557] : memref<5x80xi32, #tpu.memory_space<vmem>> -> memref<1x80xi32, #tpu.memory_space<vmem>>
      %dma_wait3A_559 = tpu.memref_squeeze %dma_wait3A_558 : memref<1x80xi32, #tpu.memory_space<vmem>> -> memref<80xi32, #tpu.memory_space<vmem>>
      %dma_wait3A_560 = tpu.memref_slice %arg5[%add3A_536] : memref<320000xi32, #tpu.memory_space<hbm>> -> memref<80xi32, #tpu.memory_space<hbm>>
      tpu.wait_dma2 semaphore(%dma_wait3A_556 : memref<!tpu.dma_semaphore, #tpu.memory_space<semaphore_mem>>) src(%dma_wait3A_560 : memref<80xi32, #tpu.memory_space<hbm>>) dst(%dma_wait3A_559 : memref<80xi32, #tpu.memory_space<vmem>>)
      %dma_start3A_561 = arith.constant 2 : i32
      %dma_start3A_562 = arith.constant 2 : i32
      %dma_start3A_563 = arith.constant 2 : i32
      %dma_start3A_564 = arith.constant 0 : i32
      %dma_start3A_565 = arith.constant 0 : i32
      %dma_start3A_566 = tpu.memref_slice %arg9[%dma_start3A_562, %dma_start3A_564, %dma_start3A_565] : memref<5x80x64xf32, #tpu.memory_space<vmem>> -> memref<1x80x64xf32, #tpu.memory_space<vmem>>
      %dma_start3A_567 = tpu.memref_squeeze %dma_start3A_566 : memref<1x80x64xf32, #tpu.memory_space<vmem>> -> memref<80x64xf32, #tpu.memory_space<vmem>>
      %dma_start3A_568 = arith.constant 0 : i32
      %dma_start3A_569 = tpu.memref_slice %arg7[%dma_start3A_561, %dma_start3A_568] : memref<5x80xi32, #tpu.memory_space<vmem>> -> memref<1x80xi32, #tpu.memory_space<vmem>>
      %dma_start3A_570 = tpu.memref_squeeze %dma_start3A_569 : memref<1x80xi32, #tpu.memory_space<vmem>> -> memref<80xi32, #tpu.memory_space<vmem>>
      %dma_start3A_571 = arith.constant 0 : i32
      %dma_start3A_572 = arith.constant 0 : i32
      %dma_start3A_573 = tpu.memref_slice %arg2[%arg0, %dma_start3A_571, %dma_start3A_572] : memref<2x10000x64xf32, #tpu.memory_space<hbm>> -> memref<1x10000x64xf32, #tpu.memory_space<hbm>>
      %dma_start3A_574 = tpu.memref_squeeze %dma_start3A_573 : memref<1x10000x64xf32, #tpu.memory_space<hbm>> -> memref<10000x64xf32, #tpu.memory_space<hbm>>
      %dma_start3A_575 = arith.constant 0 : i32
      %dma_start3A_576 = arith.constant 0 : i32
      %dma_start3A_577 = tpu.memref_slice %dma_start3A_574[%dma_start3A_575, %dma_start3A_576] : memref<10000x64xf32, #tpu.memory_space<hbm>> -> memref<10000x64xf32, #tpu.memory_space<hbm>>
      %dma_start3A_578 = tpu.memref_slice %arg14[%dma_start3A_563] : memref<5x!tpu.dma_semaphore, #tpu.memory_space<semaphore_mem>> -> memref<1x!tpu.dma_semaphore, #tpu.memory_space<semaphore_mem>>
      %dma_start3A_579 = tpu.memref_squeeze %dma_start3A_578 : memref<1x!tpu.dma_semaphore, #tpu.memory_space<semaphore_mem>> -> memref<!tpu.dma_semaphore, #tpu.memory_space<semaphore_mem>>
      tpu.enqueue_indirect_dma source(%dma_start3A_577 : memref<10000x64xf32, #tpu.memory_space<hbm>>) target(%dma_start3A_567 : memref<80x64xf32, #tpu.memory_space<vmem>>) offsets(%dma_start3A_570 : memref<80xi32, #tpu.memory_space<vmem>>) semaphore(%dma_start3A_579 : memref<!tpu.dma_semaphore, #tpu.memory_space<semaphore_mem>>)
      %dma_start3A_580 = arith.constant 2 : i32
      %dma_start3A_581 = arith.constant 2 : i32
      %dma_start3A_582 = arith.constant 2 : i32
      %dma_start3A_583 = arith.constant 0 : i32
      %dma_start3A_584 = arith.constant 0 : i32
      %dma_start3A_585 = tpu.memref_slice %arg10[%dma_start3A_581, %dma_start3A_583, %dma_start3A_584] : memref<5x80x64xf32, #tpu.memory_space<vmem>> -> memref<1x80x64xf32, #tpu.memory_space<vmem>>
      %dma_start3A_586 = tpu.memref_squeeze %dma_start3A_585 : memref<1x80x64xf32, #tpu.memory_space<vmem>> -> memref<80x64xf32, #tpu.memory_space<vmem>>
      %dma_start3A_587 = arith.constant 0 : i32
      %dma_start3A_588 = tpu.memref_slice %arg8[%dma_start3A_580, %dma_start3A_587] : memref<5x80xi32, #tpu.memory_space<vmem>> -> memref<1x80xi32, #tpu.memory_space<vmem>>
      %dma_start3A_589 = tpu.memref_squeeze %dma_start3A_588 : memref<1x80xi32, #tpu.memory_space<vmem>> -> memref<80xi32, #tpu.memory_space<vmem>>
      %dma_start3A_590 = arith.constant 0 : i32
      %dma_start3A_591 = arith.constant 0 : i32
      %dma_start3A_592 = tpu.memref_slice %arg3[%arg0, %dma_start3A_590, %dma_start3A_591] : memref<2x10000x64xf32, #tpu.memory_space<hbm>> -> memref<1x10000x64xf32, #tpu.memory_space<hbm>>
      %dma_start3A_593 = tpu.memref_squeeze %dma_start3A_592 : memref<1x10000x64xf32, #tpu.memory_space<hbm>> -> memref<10000x64xf32, #tpu.memory_space<hbm>>
      %dma_start3A_594 = arith.constant 0 : i32
      %dma_start3A_595 = arith.constant 0 : i32
      %dma_start3A_596 = tpu.memref_slice %dma_start3A_593[%dma_start3A_594, %dma_start3A_595] : memref<10000x64xf32, #tpu.memory_space<hbm>> -> memref<10000x64xf32, #tpu.memory_space<hbm>>
      %dma_start3A_597 = tpu.memref_slice %arg15[%dma_start3A_582] : memref<5x!tpu.dma_semaphore, #tpu.memory_space<semaphore_mem>> -> memref<1x!tpu.dma_semaphore, #tpu.memory_space<semaphore_mem>>
      %dma_start3A_598 = tpu.memref_squeeze %dma_start3A_597 : memref<1x!tpu.dma_semaphore, #tpu.memory_space<semaphore_mem>> -> memref<!tpu.dma_semaphore, #tpu.memory_space<semaphore_mem>>
      tpu.enqueue_indirect_dma source(%dma_start3A_596 : memref<10000x64xf32, #tpu.memory_space<hbm>>) target(%dma_start3A_586 : memref<80x64xf32, #tpu.memory_space<vmem>>) offsets(%dma_start3A_589 : memref<80xi32, #tpu.memory_space<vmem>>) semaphore(%dma_start3A_598 : memref<!tpu.dma_semaphore, #tpu.memory_space<semaphore_mem>>)
      %mul3A_599 = arith.constant 5 : i32
      %mul3A_600 = arith.muli %scan3A_197, %mul3A_599 : i32
      %add3A_601 = arith.constant 3 : i32
      %add3A_602 = arith.addi %mul3A_600, %add3A_601 : i32
      %mul3A_603 = arith.constant 80 : i32
      %mul3A_604 = arith.muli %add3A_602, %mul3A_603 : i32
      %mul3A_605 = arith.constant 20000 : i32
      %mul3A_606 = arith.muli %arg1, %mul3A_605 : i32
      %add3A_607 = arith.addi %mul3A_604, %mul3A_606 : i32
      %dma_wait3A_608 = arith.constant 3 : i32
      %dma_wait3A_609 = arith.constant 3 : i32
      %dma_wait3A_610 = arith.constant 0 : i32
      %dma_wait3A_611 = tpu.memref_slice %arg7[%dma_wait3A_608, %dma_wait3A_610] : memref<5x80xi32, #tpu.memory_space<vmem>> -> memref<1x80xi32, #tpu.memory_space<vmem>>
      %dma_wait3A_612 = tpu.memref_squeeze %dma_wait3A_611 : memref<1x80xi32, #tpu.memory_space<vmem>> -> memref<80xi32, #tpu.memory_space<vmem>>
      %dma_wait3A_613 = tpu.memref_slice %arg4[%add3A_607] : memref<320000xi32, #tpu.memory_space<hbm>> -> memref<80xi32, #tpu.memory_space<hbm>>
      %dma_wait3A_614 = tpu.memref_slice %arg13[%dma_wait3A_609] : memref<5x!tpu.dma_semaphore, #tpu.memory_space<semaphore_mem>> -> memref<1x!tpu.dma_semaphore, #tpu.memory_space<semaphore_mem>>
      %dma_wait3A_615 = tpu.memref_squeeze %dma_wait3A_614 : memref<1x!tpu.dma_semaphore, #tpu.memory_space<semaphore_mem>> -> memref<!tpu.dma_semaphore, #tpu.memory_space<semaphore_mem>>
      %dma_wait3A_616 = arith.constant 0 : i32
      %dma_wait3A_617 = tpu.memref_slice %arg7[%dma_wait3A_608, %dma_wait3A_616] : memref<5x80xi32, #tpu.memory_space<vmem>> -> memref<1x80xi32, #tpu.memory_space<vmem>>
      %dma_wait3A_618 = tpu.memref_squeeze %dma_wait3A_617 : memref<1x80xi32, #tpu.memory_space<vmem>> -> memref<80xi32, #tpu.memory_space<vmem>>
      %dma_wait3A_619 = tpu.memref_slice %arg4[%add3A_607] : memref<320000xi32, #tpu.memory_space<hbm>> -> memref<80xi32, #tpu.memory_space<hbm>>
      tpu.wait_dma2 semaphore(%dma_wait3A_615 : memref<!tpu.dma_semaphore, #tpu.memory_space<semaphore_mem>>) src(%dma_wait3A_619 : memref<80xi32, #tpu.memory_space<hbm>>) dst(%dma_wait3A_618 : memref<80xi32, #tpu.memory_space<vmem>>)
      %dma_wait3A_620 = arith.constant 3 : i32
      %dma_wait3A_621 = arith.constant 3 : i32
      %dma_wait3A_622 = arith.constant 0 : i32
      %dma_wait3A_623 = tpu.memref_slice %arg8[%dma_wait3A_620, %dma_wait3A_622] : memref<5x80xi32, #tpu.memory_space<vmem>> -> memref<1x80xi32, #tpu.memory_space<vmem>>
      %dma_wait3A_624 = tpu.memref_squeeze %dma_wait3A_623 : memref<1x80xi32, #tpu.memory_space<vmem>> -> memref<80xi32, #tpu.memory_space<vmem>>
      %dma_wait3A_625 = tpu.memref_slice %arg5[%add3A_607] : memref<320000xi32, #tpu.memory_space<hbm>> -> memref<80xi32, #tpu.memory_space<hbm>>
      %dma_wait3A_626 = tpu.memref_slice %arg13[%dma_wait3A_621] : memref<5x!tpu.dma_semaphore, #tpu.memory_space<semaphore_mem>> -> memref<1x!tpu.dma_semaphore, #tpu.memory_space<semaphore_mem>>
      %dma_wait3A_627 = tpu.memref_squeeze %dma_wait3A_626 : memref<1x!tpu.dma_semaphore, #tpu.memory_space<semaphore_mem>> -> memref<!tpu.dma_semaphore, #tpu.memory_space<semaphore_mem>>
      %dma_wait3A_628 = arith.constant 0 : i32
      %dma_wait3A_629 = tpu.memref_slice %arg8[%dma_wait3A_620, %dma_wait3A_628] : memref<5x80xi32, #tpu.memory_space<vmem>> -> memref<1x80xi32, #tpu.memory_space<vmem>>
      %dma_wait3A_630 = tpu.memref_squeeze %dma_wait3A_629 : memref<1x80xi32, #tpu.memory_space<vmem>> -> memref<80xi32, #tpu.memory_space<vmem>>
      %dma_wait3A_631 = tpu.memref_slice %arg5[%add3A_607] : memref<320000xi32, #tpu.memory_space<hbm>> -> memref<80xi32, #tpu.memory_space<hbm>>
      tpu.wait_dma2 semaphore(%dma_wait3A_627 : memref<!tpu.dma_semaphore, #tpu.memory_space<semaphore_mem>>) src(%dma_wait3A_631 : memref<80xi32, #tpu.memory_space<hbm>>) dst(%dma_wait3A_630 : memref<80xi32, #tpu.memory_space<vmem>>)
      %dma_start3A_632 = arith.constant 3 : i32
      %dma_start3A_633 = arith.constant 3 : i32
      %dma_start3A_634 = arith.constant 3 : i32
      %dma_start3A_635 = arith.constant 0 : i32
      %dma_start3A_636 = arith.constant 0 : i32
      %dma_start3A_637 = tpu.memref_slice %arg9[%dma_start3A_633, %dma_start3A_635, %dma_start3A_636] : memref<5x80x64xf32, #tpu.memory_space<vmem>> -> memref<1x80x64xf32, #tpu.memory_space<vmem>>
      %dma_start3A_638 = tpu.memref_squeeze %dma_start3A_637 : memref<1x80x64xf32, #tpu.memory_space<vmem>> -> memref<80x64xf32, #tpu.memory_space<vmem>>
      %dma_start3A_639 = arith.constant 0 : i32
      %dma_start3A_640 = tpu.memref_slice %arg7[%dma_start3A_632, %dma_start3A_639] : memref<5x80xi32, #tpu.memory_space<vmem>> -> memref<1x80xi32, #tpu.memory_space<vmem>>
      %dma_start3A_641 = tpu.memref_squeeze %dma_start3A_640 : memref<1x80xi32, #tpu.memory_space<vmem>> -> memref<80xi32, #tpu.memory_space<vmem>>
      %dma_start3A_642 = arith.constant 0 : i32
      %dma_start3A_643 = arith.constant 0 : i32
      %dma_start3A_644 = tpu.memref_slice %arg2[%arg0, %dma_start3A_642, %dma_start3A_643] : memref<2x10000x64xf32, #tpu.memory_space<hbm>> -> memref<1x10000x64xf32, #tpu.memory_space<hbm>>
      %dma_start3A_645 = tpu.memref_squeeze %dma_start3A_644 : memref<1x10000x64xf32, #tpu.memory_space<hbm>> -> memref<10000x64xf32, #tpu.memory_space<hbm>>
      %dma_start3A_646 = arith.constant 0 : i32
      %dma_start3A_647 = arith.constant 0 : i32
      %dma_start3A_648 = tpu.memref_slice %dma_start3A_645[%dma_start3A_646, %dma_start3A_647] : memref<10000x64xf32, #tpu.memory_space<hbm>> -> memref<10000x64xf32, #tpu.memory_space<hbm>>
      %dma_start3A_649 = tpu.memref_slice %arg14[%dma_start3A_634] : memref<5x!tpu.dma_semaphore, #tpu.memory_space<semaphore_mem>> -> memref<1x!tpu.dma_semaphore, #tpu.memory_space<semaphore_mem>>
      %dma_start3A_650 = tpu.memref_squeeze %dma_start3A_649 : memref<1x!tpu.dma_semaphore, #tpu.memory_space<semaphore_mem>> -> memref<!tpu.dma_semaphore, #tpu.memory_space<semaphore_mem>>
      tpu.enqueue_indirect_dma source(%dma_start3A_648 : memref<10000x64xf32, #tpu.memory_space<hbm>>) target(%dma_start3A_638 : memref<80x64xf32, #tpu.memory_space<vmem>>) offsets(%dma_start3A_641 : memref<80xi32, #tpu.memory_space<vmem>>) semaphore(%dma_start3A_650 : memref<!tpu.dma_semaphore, #tpu.memory_space<semaphore_mem>>)
      %dma_start3A_651 = arith.constant 3 : i32
      %dma_start3A_652 = arith.constant 3 : i32
      %dma_start3A_653 = arith.constant 3 : i32
      %dma_start3A_654 = arith.constant 0 : i32
      %dma_start3A_655 = arith.constant 0 : i32
      %dma_start3A_656 = tpu.memref_slice %arg10[%dma_start3A_652, %dma_start3A_654, %dma_start3A_655] : memref<5x80x64xf32, #tpu.memory_space<vmem>> -> memref<1x80x64xf32, #tpu.memory_space<vmem>>
      %dma_start3A_657 = tpu.memref_squeeze %dma_start3A_656 : memref<1x80x64xf32, #tpu.memory_space<vmem>> -> memref<80x64xf32, #tpu.memory_space<vmem>>
      %dma_start3A_658 = arith.constant 0 : i32
      %dma_start3A_659 = tpu.memref_slice %arg8[%dma_start3A_651, %dma_start3A_658] : memref<5x80xi32, #tpu.memory_space<vmem>> -> memref<1x80xi32, #tpu.memory_space<vmem>>
      %dma_start3A_660 = tpu.memref_squeeze %dma_start3A_659 : memref<1x80xi32, #tpu.memory_space<vmem>> -> memref<80xi32, #tpu.memory_space<vmem>>
      %dma_start3A_661 = arith.constant 0 : i32
      %dma_start3A_662 = arith.constant 0 : i32
      %dma_start3A_663 = tpu.memref_slice %arg3[%arg0, %dma_start3A_661, %dma_start3A_662] : memref<2x10000x64xf32, #tpu.memory_space<hbm>> -> memref<1x10000x64xf32, #tpu.memory_space<hbm>>
      %dma_start3A_664 = tpu.memref_squeeze %dma_start3A_663 : memref<1x10000x64xf32, #tpu.memory_space<hbm>> -> memref<10000x64xf32, #tpu.memory_space<hbm>>
      %dma_start3A_665 = arith.constant 0 : i32
      %dma_start3A_666 = arith.constant 0 : i32
      %dma_start3A_667 = tpu.memref_slice %dma_start3A_664[%dma_start3A_665, %dma_start3A_666] : memref<10000x64xf32, #tpu.memory_space<hbm>> -> memref<10000x64xf32, #tpu.memory_space<hbm>>
      %dma_start3A_668 = tpu.memref_slice %arg15[%dma_start3A_653] : memref<5x!tpu.dma_semaphore, #tpu.memory_space<semaphore_mem>> -> memref<1x!tpu.dma_semaphore, #tpu.memory_space<semaphore_mem>>
      %dma_start3A_669 = tpu.memref_squeeze %dma_start3A_668 : memref<1x!tpu.dma_semaphore, #tpu.memory_space<semaphore_mem>> -> memref<!tpu.dma_semaphore, #tpu.memory_space<semaphore_mem>>
      tpu.enqueue_indirect_dma source(%dma_start3A_667 : memref<10000x64xf32, #tpu.memory_space<hbm>>) target(%dma_start3A_657 : memref<80x64xf32, #tpu.memory_space<vmem>>) offsets(%dma_start3A_660 : memref<80xi32, #tpu.memory_space<vmem>>) semaphore(%dma_start3A_669 : memref<!tpu.dma_semaphore, #tpu.memory_space<semaphore_mem>>)
      %mul3A_670 = arith.constant 5 : i32
      %mul3A_671 = arith.muli %scan3A_197, %mul3A_670 : i32
      %add3A_672 = arith.constant 4 : i32
      %add3A_673 = arith.addi %mul3A_671, %add3A_672 : i32
      %mul3A_674 = arith.constant 80 : i32
      %mul3A_675 = arith.muli %add3A_673, %mul3A_674 : i32
      %mul3A_676 = arith.constant 20000 : i32
      %mul3A_677 = arith.muli %arg1, %mul3A_676 : i32
      %add3A_678 = arith.addi %mul3A_675, %mul3A_677 : i32
      %dma_wait3A_679 = arith.constant 4 : i32
      %dma_wait3A_680 = arith.constant 4 : i32
      %dma_wait3A_681 = arith.constant 0 : i32
      %dma_wait3A_682 = tpu.memref_slice %arg7[%dma_wait3A_679, %dma_wait3A_681] : memref<5x80xi32, #tpu.memory_space<vmem>> -> memref<1x80xi32, #tpu.memory_space<vmem>>
      %dma_wait3A_683 = tpu.memref_squeeze %dma_wait3A_682 : memref<1x80xi32, #tpu.memory_space<vmem>> -> memref<80xi32, #tpu.memory_space<vmem>>
      %dma_wait3A_684 = tpu.memref_slice %arg4[%add3A_678] : memref<320000xi32, #tpu.memory_space<hbm>> -> memref<80xi32, #tpu.memory_space<hbm>>
      %dma_wait3A_685 = tpu.memref_slice %arg13[%dma_wait3A_680] : memref<5x!tpu.dma_semaphore, #tpu.memory_space<semaphore_mem>> -> memref<1x!tpu.dma_semaphore, #tpu.memory_space<semaphore_mem>>
      %dma_wait3A_686 = tpu.memref_squeeze %dma_wait3A_685 : memref<1x!tpu.dma_semaphore, #tpu.memory_space<semaphore_mem>> -> memref<!tpu.dma_semaphore, #tpu.memory_space<semaphore_mem>>
      %dma_wait3A_687 = arith.constant 0 : i32
      %dma_wait3A_688 = tpu.memref_slice %arg7[%dma_wait3A_679, %dma_wait3A_687] : memref<5x80xi32, #tpu.memory_space<vmem>> -> memref<1x80xi32, #tpu.memory_space<vmem>>
      %dma_wait3A_689 = tpu.memref_squeeze %dma_wait3A_688 : memref<1x80xi32, #tpu.memory_space<vmem>> -> memref<80xi32, #tpu.memory_space<vmem>>
      %dma_wait3A_690 = tpu.memref_slice %arg4[%add3A_678] : memref<320000xi32, #tpu.memory_space<hbm>> -> memref<80xi32, #tpu.memory_space<hbm>>
      tpu.wait_dma2 semaphore(%dma_wait3A_686 : memref<!tpu.dma_semaphore, #tpu.memory_space<semaphore_mem>>) src(%dma_wait3A_690 : memref<80xi32, #tpu.memory_space<hbm>>) dst(%dma_wait3A_689 : memref<80xi32, #tpu.memory_space<vmem>>)
      %dma_wait3A_691 = arith.constant 4 : i32
      %dma_wait3A_692 = arith.constant 4 : i32
      %dma_wait3A_693 = arith.constant 0 : i32
      %dma_wait3A_694 = tpu.memref_slice %arg8[%dma_wait3A_691, %dma_wait3A_693] : memref<5x80xi32, #tpu.memory_space<vmem>> -> memref<1x80xi32, #tpu.memory_space<vmem>>
      %dma_wait3A_695 = tpu.memref_squeeze %dma_wait3A_694 : memref<1x80xi32, #tpu.memory_space<vmem>> -> memref<80xi32, #tpu.memory_space<vmem>>
      %dma_wait3A_696 = tpu.memref_slice %arg5[%add3A_678] : memref<320000xi32, #tpu.memory_space<hbm>> -> memref<80xi32, #tpu.memory_space<hbm>>
      %dma_wait3A_697 = tpu.memref_slice %arg13[%dma_wait3A_692] : memref<5x!tpu.dma_semaphore, #tpu.memory_space<semaphore_mem>> -> memref<1x!tpu.dma_semaphore, #tpu.memory_space<semaphore_mem>>
      %dma_wait3A_698 = tpu.memref_squeeze %dma_wait3A_697 : memref<1x!tpu.dma_semaphore, #tpu.memory_space<semaphore_mem>> -> memref<!tpu.dma_semaphore, #tpu.memory_space<semaphore_mem>>
      %dma_wait3A_699 = arith.constant 0 : i32
      %dma_wait3A_700 = tpu.memref_slice %arg8[%dma_wait3A_691, %dma_wait3A_699] : memref<5x80xi32, #tpu.memory_space<vmem>> -> memref<1x80xi32, #tpu.memory_space<vmem>>
      %dma_wait3A_701 = tpu.memref_squeeze %dma_wait3A_700 : memref<1x80xi32, #tpu.memory_space<vmem>> -> memref<80xi32, #tpu.memory_space<vmem>>
      %dma_wait3A_702 = tpu.memref_slice %arg5[%add3A_678] : memref<320000xi32, #tpu.memory_space<hbm>> -> memref<80xi32, #tpu.memory_space<hbm>>
      tpu.wait_dma2 semaphore(%dma_wait3A_698 : memref<!tpu.dma_semaphore, #tpu.memory_space<semaphore_mem>>) src(%dma_wait3A_702 : memref<80xi32, #tpu.memory_space<hbm>>) dst(%dma_wait3A_701 : memref<80xi32, #tpu.memory_space<vmem>>)
      %dma_start3A_703 = arith.constant 4 : i32
      %dma_start3A_704 = arith.constant 4 : i32
      %dma_start3A_705 = arith.constant 4 : i32
      %dma_start3A_706 = arith.constant 0 : i32
      %dma_start3A_707 = arith.constant 0 : i32
      %dma_start3A_708 = tpu.memref_slice %arg9[%dma_start3A_704, %dma_start3A_706, %dma_start3A_707] : memref<5x80x64xf32, #tpu.memory_space<vmem>> -> memref<1x80x64xf32, #tpu.memory_space<vmem>>
      %dma_start3A_709 = tpu.memref_squeeze %dma_start3A_708 : memref<1x80x64xf32, #tpu.memory_space<vmem>> -> memref<80x64xf32, #tpu.memory_space<vmem>>
      %dma_start3A_710 = arith.constant 0 : i32
      %dma_start3A_711 = tpu.memref_slice %arg7[%dma_start3A_703, %dma_start3A_710] : memref<5x80xi32, #tpu.memory_space<vmem>> -> memref<1x80xi32, #tpu.memory_space<vmem>>
      %dma_start3A_712 = tpu.memref_squeeze %dma_start3A_711 : memref<1x80xi32, #tpu.memory_space<vmem>> -> memref<80xi32, #tpu.memory_space<vmem>>
      %dma_start3A_713 = arith.constant 0 : i32
      %dma_start3A_714 = arith.constant 0 : i32
      %dma_start3A_715 = tpu.memref_slice %arg2[%arg0, %dma_start3A_713, %dma_start3A_714] : memref<2x10000x64xf32, #tpu.memory_space<hbm>> -> memref<1x10000x64xf32, #tpu.memory_space<hbm>>
      %dma_start3A_716 = tpu.memref_squeeze %dma_start3A_715 : memref<1x10000x64xf32, #tpu.memory_space<hbm>> -> memref<10000x64xf32, #tpu.memory_space<hbm>>
      %dma_start3A_717 = arith.constant 0 : i32
      %dma_start3A_718 = arith.constant 0 : i32
      %dma_start3A_719 = tpu.memref_slice %dma_start3A_716[%dma_start3A_717, %dma_start3A_718] : memref<10000x64xf32, #tpu.memory_space<hbm>> -> memref<10000x64xf32, #tpu.memory_space<hbm>>
      %dma_start3A_720 = tpu.memref_slice %arg14[%dma_start3A_705] : memref<5x!tpu.dma_semaphore, #tpu.memory_space<semaphore_mem>> -> memref<1x!tpu.dma_semaphore, #tpu.memory_space<semaphore_mem>>
      %dma_start3A_721 = tpu.memref_squeeze %dma_start3A_720 : memref<1x!tpu.dma_semaphore, #tpu.memory_space<semaphore_mem>> -> memref<!tpu.dma_semaphore, #tpu.memory_space<semaphore_mem>>
      tpu.enqueue_indirect_dma source(%dma_start3A_719 : memref<10000x64xf32, #tpu.memory_space<hbm>>) target(%dma_start3A_709 : memref<80x64xf32, #tpu.memory_space<vmem>>) offsets(%dma_start3A_712 : memref<80xi32, #tpu.memory_space<vmem>>) semaphore(%dma_start3A_721 : memref<!tpu.dma_semaphore, #tpu.memory_space<semaphore_mem>>)
      %dma_start3A_722 = arith.constant 4 : i32
      %dma_start3A_723 = arith.constant 4 : i32
      %dma_start3A_724 = arith.constant 4 : i32
      %dma_start3A_725 = arith.constant 0 : i32
      %dma_start3A_726 = arith.constant 0 : i32
      %dma_start3A_727 = tpu.memref_slice %arg10[%dma_start3A_723, %dma_start3A_725, %dma_start3A_726] : memref<5x80x64xf32, #tpu.memory_space<vmem>> -> memref<1x80x64xf32, #tpu.memory_space<vmem>>
      %dma_start3A_728 = tpu.memref_squeeze %dma_start3A_727 : memref<1x80x64xf32, #tpu.memory_space<vmem>> -> memref<80x64xf32, #tpu.memory_space<vmem>>
      %dma_start3A_729 = arith.constant 0 : i32
      %dma_start3A_730 = tpu.memref_slice %arg8[%dma_start3A_722, %dma_start3A_729] : memref<5x80xi32, #tpu.memory_space<vmem>> -> memref<1x80xi32, #tpu.memory_space<vmem>>
      %dma_start3A_731 = tpu.memref_squeeze %dma_start3A_730 : memref<1x80xi32, #tpu.memory_space<vmem>> -> memref<80xi32, #tpu.memory_space<vmem>>
      %dma_start3A_732 = arith.constant 0 : i32
      %dma_start3A_733 = arith.constant 0 : i32
      %dma_start3A_734 = tpu.memref_slice %arg3[%arg0, %dma_start3A_732, %dma_start3A_733] : memref<2x10000x64xf32, #tpu.memory_space<hbm>> -> memref<1x10000x64xf32, #tpu.memory_space<hbm>>
      %dma_start3A_735 = tpu.memref_squeeze %dma_start3A_734 : memref<1x10000x64xf32, #tpu.memory_space<hbm>> -> memref<10000x64xf32, #tpu.memory_space<hbm>>
      %dma_start3A_736 = arith.constant 0 : i32
      %dma_start3A_737 = arith.constant 0 : i32
      %dma_start3A_738 = tpu.memref_slice %dma_start3A_735[%dma_start3A_736, %dma_start3A_737] : memref<10000x64xf32, #tpu.memory_space<hbm>> -> memref<10000x64xf32, #tpu.memory_space<hbm>>
      %dma_start3A_739 = tpu.memref_slice %arg15[%dma_start3A_724] : memref<5x!tpu.dma_semaphore, #tpu.memory_space<semaphore_mem>> -> memref<1x!tpu.dma_semaphore, #tpu.memory_space<semaphore_mem>>
      %dma_start3A_740 = tpu.memref_squeeze %dma_start3A_739 : memref<1x!tpu.dma_semaphore, #tpu.memory_space<semaphore_mem>> -> memref<!tpu.dma_semaphore, #tpu.memory_space<semaphore_mem>>
      tpu.enqueue_indirect_dma source(%dma_start3A_738 : memref<10000x64xf32, #tpu.memory_space<hbm>>) target(%dma_start3A_728 : memref<80x64xf32, #tpu.memory_space<vmem>>) offsets(%dma_start3A_731 : memref<80xi32, #tpu.memory_space<vmem>>) semaphore(%dma_start3A_740 : memref<!tpu.dma_semaphore, #tpu.memory_space<semaphore_mem>>)
      %dma_wait3A_741 = arith.constant 0 : i32
      %dma_wait3A_742 = arith.constant 0 : i32
      %dma_wait3A_743 = arith.constant 0 : i32
      %dma_wait3A_744 = arith.constant 0 : i32
      %dma_wait3A_745 = arith.constant 0 : i32
      %dma_wait3A_746 = tpu.memref_slice %arg9[%dma_wait3A_742, %dma_wait3A_744, %dma_wait3A_745] : memref<5x80x64xf32, #tpu.memory_space<vmem>> -> memref<1x80x64xf32, #tpu.memory_space<vmem>>
      %dma_wait3A_747 = tpu.memref_squeeze %dma_wait3A_746 : memref<1x80x64xf32, #tpu.memory_space<vmem>> -> memref<80x64xf32, #tpu.memory_space<vmem>>
      %dma_wait3A_748 = arith.constant 0 : i32
      %dma_wait3A_749 = tpu.memref_slice %arg7[%dma_wait3A_741, %dma_wait3A_748] : memref<5x80xi32, #tpu.memory_space<vmem>> -> memref<1x80xi32, #tpu.memory_space<vmem>>
      %dma_wait3A_750 = tpu.memref_squeeze %dma_wait3A_749 : memref<1x80xi32, #tpu.memory_space<vmem>> -> memref<80xi32, #tpu.memory_space<vmem>>
      %dma_wait3A_751 = arith.constant 0 : i32
      %dma_wait3A_752 = arith.constant 0 : i32
      %dma_wait3A_753 = tpu.memref_slice %arg2[%arg0, %dma_wait3A_751, %dma_wait3A_752] : memref<2x10000x64xf32, #tpu.memory_space<hbm>> -> memref<1x10000x64xf32, #tpu.memory_space<hbm>>
      %dma_wait3A_754 = tpu.memref_squeeze %dma_wait3A_753 : memref<1x10000x64xf32, #tpu.memory_space<hbm>> -> memref<10000x64xf32, #tpu.memory_space<hbm>>
      %dma_wait3A_755 = arith.constant 0 : i32
      %dma_wait3A_756 = arith.constant 0 : i32
      %dma_wait3A_757 = tpu.memref_slice %dma_wait3A_754[%dma_wait3A_755, %dma_wait3A_756] : memref<10000x64xf32, #tpu.memory_space<hbm>> -> memref<10000x64xf32, #tpu.memory_space<hbm>>
      %dma_wait3A_758 = tpu.memref_slice %arg14[%dma_wait3A_743] : memref<5x!tpu.dma_semaphore, #tpu.memory_space<semaphore_mem>> -> memref<1x!tpu.dma_semaphore, #tpu.memory_space<semaphore_mem>>
      %dma_wait3A_759 = tpu.memref_squeeze %dma_wait3A_758 : memref<1x!tpu.dma_semaphore, #tpu.memory_space<semaphore_mem>> -> memref<!tpu.dma_semaphore, #tpu.memory_space<semaphore_mem>>
      tpu.wait_indirect_dma semaphore(%dma_wait3A_759 : memref<!tpu.dma_semaphore, #tpu.memory_space<semaphore_mem>>) src(%dma_wait3A_757 : memref<10000x64xf32, #tpu.memory_space<hbm>>) dst(%dma_wait3A_747 : memref<80x64xf32, #tpu.memory_space<vmem>>)
      %dma_wait3A_760 = arith.constant 0 : i32
      %dma_wait3A_761 = arith.constant 0 : i32
      %dma_wait3A_762 = arith.constant 0 : i32
      %dma_wait3A_763 = arith.constant 0 : i32
      %dma_wait3A_764 = arith.constant 0 : i32
      %dma_wait3A_765 = tpu.memref_slice %arg10[%dma_wait3A_761, %dma_wait3A_763, %dma_wait3A_764] : memref<5x80x64xf32, #tpu.memory_space<vmem>> -> memref<1x80x64xf32, #tpu.memory_space<vmem>>
      %dma_wait3A_766 = tpu.memref_squeeze %dma_wait3A_765 : memref<1x80x64xf32, #tpu.memory_space<vmem>> -> memref<80x64xf32, #tpu.memory_space<vmem>>
      %dma_wait3A_767 = arith.constant 0 : i32
      %dma_wait3A_768 = tpu.memref_slice %arg8[%dma_wait3A_760, %dma_wait3A_767] : memref<5x80xi32, #tpu.memory_space<vmem>> -> memref<1x80xi32, #tpu.memory_space<vmem>>
      %dma_wait3A_769 = tpu.memref_squeeze %dma_wait3A_768 : memref<1x80xi32, #tpu.memory_space<vmem>> -> memref<80xi32, #tpu.memory_space<vmem>>
      %dma_wait3A_770 = arith.constant 0 : i32
      %dma_wait3A_771 = arith.constant 0 : i32
      %dma_wait3A_772 = tpu.memref_slice %arg3[%arg0, %dma_wait3A_770, %dma_wait3A_771] : memref<2x10000x64xf32, #tpu.memory_space<hbm>> -> memref<1x10000x64xf32, #tpu.memory_space<hbm>>
      %dma_wait3A_773 = tpu.memref_squeeze %dma_wait3A_772 : memref<1x10000x64xf32, #tpu.memory_space<hbm>> -> memref<10000x64xf32, #tpu.memory_space<hbm>>
      %dma_wait3A_774 = arith.constant 0 : i32
      %dma_wait3A_775 = arith.constant 0 : i32
      %dma_wait3A_776 = tpu.memref_slice %dma_wait3A_773[%dma_wait3A_774, %dma_wait3A_775] : memref<10000x64xf32, #tpu.memory_space<hbm>> -> memref<10000x64xf32, #tpu.memory_space<hbm>>
      %dma_wait3A_777 = tpu.memref_slice %arg15[%dma_wait3A_762] : memref<5x!tpu.dma_semaphore, #tpu.memory_space<semaphore_mem>> -> memref<1x!tpu.dma_semaphore, #tpu.memory_space<semaphore_mem>>
      %dma_wait3A_778 = tpu.memref_squeeze %dma_wait3A_777 : memref<1x!tpu.dma_semaphore, #tpu.memory_space<semaphore_mem>> -> memref<!tpu.dma_semaphore, #tpu.memory_space<semaphore_mem>>
      tpu.wait_indirect_dma semaphore(%dma_wait3A_778 : memref<!tpu.dma_semaphore, #tpu.memory_space<semaphore_mem>>) src(%dma_wait3A_776 : memref<10000x64xf32, #tpu.memory_space<hbm>>) dst(%dma_wait3A_766 : memref<80x64xf32, #tpu.memory_space<vmem>>)
      %scan3A_779 = arith.constant 0 : i32
      %scan3A_780 = arith.constant 0 : i32
      %scan3A_781 = arith.constant 80 : i32
      %scan3A_782 = arith.addi %scan3A_780, %scan3A_781 : i32
      %scan3A_783 = arith.constant 1 : i32
      %scan3A_784 = scf.for %scan3A_1042 = %scan3A_780 to %scan3A_782 step %scan3A_783 iter_args(%scan3A_1043 = %scan3A_779) -> (i32)  : i32 {
        %get3A = arith.constant 0 : i32
        %get3A_1044 = arith.index_cast %get3A : i32 to index
        %get3A_1045 = arith.index_cast %scan3A_1042 : i32 to index
        %get3A_1046 = arith.constant 0 : index
        %get3A_1047 = tpu.vector_load %arg9[%get3A_1044, %get3A_1045, %get3A_1046] {strides = array<i32>} : memref<5x80x64xf32, #tpu.memory_space<vmem>>, vector<16xf32>,
        %get3A_1048 = arith.constant 0 : i32
        %get3A_1049 = arith.index_cast %get3A_1048 : i32 to index
        %get3A_1050 = arith.index_cast %scan3A_1042 : i32 to index
        %get3A_1051 = arith.constant 0 : index
        %get3A_1052 = tpu.vector_load %arg10[%get3A_1049, %get3A_1050, %get3A_1051] {strides = array<i32>} : memref<5x80x64xf32, #tpu.memory_space<vmem>>, vector<16xf32>,
        %add3A_1053 = arith.addf %get3A_1047, %get3A_1052 : vector<16xf32>
        %max3A = arith.constant 0.000000e+00 : f32
        %max3A_1054 = vector.broadcast %max3A : f32 to vector<16xf32>
        %max3A_1055 = arith.maximumf %add3A_1053, %max3A_1054 : vector<16xf32>
        %swap3A = arith.constant 0 : i32
        %swap3A_1056 = arith.index_cast %swap3A : i32 to index
        %swap3A_1057 = arith.index_cast %scan3A_1042 : i32 to index
        %swap3A_1058 = arith.constant 0 : index
        %swap3A_1059 = tpu.vector_load %arg11[%swap3A_1056, %swap3A_1057, %swap3A_1058] {strides = array<i32>} : memref<5x80x64xf32, #tpu.memory_space<vmem>>, vector<16xf32>,
        tpu.vector_store %arg11[%swap3A_1056, %swap3A_1057, %swap3A_1058], %max3A_1055 {strides = array<i32>} : memref<5x80x64xf32, #tpu.memory_space<vmem>>, vector<16xf32>,
        %get3A_1060 = arith.constant 0 : i32
        %get3A_1061 = arith.index_cast %get3A_1060 : i32 to index
        %get3A_1062 = arith.index_cast %scan3A_1042 : i32 to index
        %get3A_1063 = arith.constant 16 : index
        %get3A_1064 = tpu.vector_load %arg9[%get3A_1061, %get3A_1062, %get3A_1063] {strides = array<i32>} : memref<5x80x64xf32, #tpu.memory_space<vmem>>, vector<16xf32>,
        %get3A_1065 = arith.constant 0 : i32
        %get3A_1066 = arith.index_cast %get3A_1065 : i32 to index
        %get3A_1067 = arith.index_cast %scan3A_1042 : i32 to index
        %get3A_1068 = arith.constant 16 : index
        %get3A_1069 = tpu.vector_load %arg10[%get3A_1066, %get3A_1067, %get3A_1068] {strides = array<i32>} : memref<5x80x64xf32, #tpu.memory_space<vmem>>, vector<16xf32>,
        %add3A_1070 = arith.addf %get3A_1064, %get3A_1069 : vector<16xf32>
        %max3A_1071 = arith.constant 0.000000e+00 : f32
        %max3A_1072 = vector.broadcast %max3A_1071 : f32 to vector<16xf32>
        %max3A_1073 = arith.maximumf %add3A_1070, %max3A_1072 : vector<16xf32>
        %swap3A_1074 = arith.constant 0 : i32
        %swap3A_1075 = arith.index_cast %swap3A_1074 : i32 to index
        %swap3A_1076 = arith.index_cast %scan3A_1042 : i32 to index
        %swap3A_1077 = arith.constant 16 : index
        %swap3A_1078 = tpu.vector_load %arg11[%swap3A_1075, %swap3A_1076, %swap3A_1077] {strides = array<i32>} : memref<5x80x64xf32, #tpu.memory_space<vmem>>, vector<16xf32>,
        tpu.vector_store %arg11[%swap3A_1075, %swap3A_1076, %swap3A_1077], %max3A_1073 {strides = array<i32>} : memref<5x80x64xf32, #tpu.memory_space<vmem>>, vector<16xf32>,
        %get3A_1079 = arith.constant 0 : i32
        %get3A_1080 = arith.index_cast %get3A_1079 : i32 to index
        %get3A_1081 = arith.index_cast %scan3A_1042 : i32 to index
        %get3A_1082 = arith.constant 32 : index
        %get3A_1083 = tpu.vector_load %arg9[%get3A_1080, %get3A_1081, %get3A_1082] {strides = array<i32>} : memref<5x80x64xf32, #tpu.memory_space<vmem>>, vector<16xf32>,
        %get3A_1084 = arith.constant 0 : i32
        %get3A_1085 = arith.index_cast %get3A_1084 : i32 to index
        %get3A_1086 = arith.index_cast %scan3A_1042 : i32 to index
        %get3A_1087 = arith.constant 32 : index
        %get3A_1088 = tpu.vector_load %arg10[%get3A_1085, %get3A_1086, %get3A_1087] {strides = array<i32>} : memref<5x80x64xf32, #tpu.memory_space<vmem>>, vector<16xf32>,
        %add3A_1089 = arith.addf %get3A_1083, %get3A_1088 : vector<16xf32>
        %max3A_1090 = arith.constant 0.000000e+00 : f32
        %max3A_1091 = vector.broadcast %max3A_1090 : f32 to vector<16xf32>
        %max3A_1092 = arith.maximumf %add3A_1089, %max3A_1091 : vector<16xf32>
        %swap3A_1093 = arith.constant 0 : i32
        %swap3A_1094 = arith.index_cast %swap3A_1093 : i32 to index
        %swap3A_1095 = arith.index_cast %scan3A_1042 : i32 to index
        %swap3A_1096 = arith.constant 32 : index
        %swap3A_1097 = tpu.vector_load %arg11[%swap3A_1094, %swap3A_1095, %swap3A_1096] {strides = array<i32>} : memref<5x80x64xf32, #tpu.memory_space<vmem>>, vector<16xf32>,
        tpu.vector_store %arg11[%swap3A_1094, %swap3A_1095, %swap3A_1096], %max3A_1092 {strides = array<i32>} : memref<5x80x64xf32, #tpu.memory_space<vmem>>, vector<16xf32>,
        %get3A_1098 = arith.constant 0 : i32
        %get3A_1099 = arith.index_cast %get3A_1098 : i32 to index
        %get3A_1100 = arith.index_cast %scan3A_1042 : i32 to index
        %get3A_1101 = arith.constant 48 : index
        %get3A_1102 = tpu.vector_load %arg9[%get3A_1099, %get3A_1100, %get3A_1101] {strides = array<i32>} : memref<5x80x64xf32, #tpu.memory_space<vmem>>, vector<16xf32>,
        %get3A_1103 = arith.constant 0 : i32
        %get3A_1104 = arith.index_cast %get3A_1103 : i32 to index
        %get3A_1105 = arith.index_cast %scan3A_1042 : i32 to index
        %get3A_1106 = arith.constant 48 : index
        %get3A_1107 = tpu.vector_load %arg10[%get3A_1104, %get3A_1105, %get3A_1106] {strides = array<i32>} : memref<5x80x64xf32, #tpu.memory_space<vmem>>, vector<16xf32>,
        %add3A_1108 = arith.addf %get3A_1102, %get3A_1107 : vector<16xf32>
        %max3A_1109 = arith.constant 0.000000e+00 : f32
        %max3A_1110 = vector.broadcast %max3A_1109 : f32 to vector<16xf32>
        %max3A_1111 = arith.maximumf %add3A_1108, %max3A_1110 : vector<16xf32>
        %swap3A_1112 = arith.constant 0 : i32
        %swap3A_1113 = arith.index_cast %swap3A_1112 : i32 to index
        %swap3A_1114 = arith.index_cast %scan3A_1042 : i32 to index
        %swap3A_1115 = arith.constant 48 : index
        %swap3A_1116 = tpu.vector_load %arg11[%swap3A_1113, %swap3A_1114, %swap3A_1115] {strides = array<i32>} : memref<5x80x64xf32, #tpu.memory_space<vmem>>, vector<16xf32>,
        tpu.vector_store %arg11[%swap3A_1113, %swap3A_1114, %swap3A_1115], %max3A_1111 {strides = array<i32>} : memref<5x80x64xf32, #tpu.memory_space<vmem>>, vector<16xf32>,
        %scan3A_1117 = arith.constant 0 : i32
        scf.yield %scan3A_1117 : i32
      }
      %scan3A_785 = arith.constant 80 : i32
      %dma_start3A_786 = arith.constant 0 : i32
      %dma_start3A_787 = arith.constant 0 : i32
      %dma_start3A_788 = arith.constant 0 : i32
      %dma_start3A_789 = arith.constant 0 : i32
      %dma_start3A_790 = arith.constant 0 : i32
      %dma_start3A_791 = tpu.memref_slice %arg11[%dma_start3A_786, %dma_start3A_789, %dma_start3A_790] : memref<5x80x64xf32, #tpu.memory_space<vmem>> -> memref<1x80x64xf32, #tpu.memory_space<vmem>>
      %dma_start3A_792 = tpu.memref_squeeze %dma_start3A_791 : memref<1x80x64xf32, #tpu.memory_space<vmem>> -> memref<80x64xf32, #tpu.memory_space<vmem>>
      %dma_start3A_793 = arith.constant 0 : i32
      %dma_start3A_794 = tpu.memref_slice %arg7[%dma_start3A_787, %dma_start3A_793] : memref<5x80xi32, #tpu.memory_space<vmem>> -> memref<1x80xi32, #tpu.memory_space<vmem>>
      %dma_start3A_795 = tpu.memref_squeeze %dma_start3A_794 : memref<1x80xi32, #tpu.memory_space<vmem>> -> memref<80xi32, #tpu.memory_space<vmem>>
      %dma_start3A_796 = arith.constant 0 : i32
      %dma_start3A_797 = arith.constant 0 : i32
      %dma_start3A_798 = tpu.memref_slice %arg12[%dma_start3A_796, %dma_start3A_797] : memref<10000x64xf32, #tpu.memory_space<vmem_shared>> -> memref<10000x64xf32, #tpu.memory_space<vmem_shared>>
      %dma_start3A_799 = tpu.memref_slice %arg16[%dma_start3A_788] : memref<5x!tpu.dma_semaphore, #tpu.memory_space<semaphore_mem>> -> memref<1x!tpu.dma_semaphore, #tpu.memory_space<semaphore_mem>>
      %dma_start3A_800 = tpu.memref_squeeze %dma_start3A_799 : memref<1x!tpu.dma_semaphore, #tpu.memory_space<semaphore_mem>> -> memref<!tpu.dma_semaphore, #tpu.memory_space<semaphore_mem>>
      tpu.enqueue_indirect_dma source(%dma_start3A_792 : memref<80x64xf32, #tpu.memory_space<vmem>>) target(%dma_start3A_798 : memref<10000x64xf32, #tpu.memory_space<vmem_shared>>) offsets(%dma_start3A_795 : memref<80xi32, #tpu.memory_space<vmem>>) semaphore(%dma_start3A_800 : memref<!tpu.dma_semaphore, #tpu.memory_space<semaphore_mem>>) {add = true}
      %dma_wait3A_801 = arith.constant 1 : i32
      %dma_wait3A_802 = arith.constant 1 : i32
      %dma_wait3A_803 = arith.constant 1 : i32
      %dma_wait3A_804 = arith.constant 0 : i32
      %dma_wait3A_805 = arith.constant 0 : i32
      %dma_wait3A_806 = tpu.memref_slice %arg9[%dma_wait3A_802, %dma_wait3A_804, %dma_wait3A_805] : memref<5x80x64xf32, #tpu.memory_space<vmem>> -> memref<1x80x64xf32, #tpu.memory_space<vmem>>
      %dma_wait3A_807 = tpu.memref_squeeze %dma_wait3A_806 : memref<1x80x64xf32, #tpu.memory_space<vmem>> -> memref<80x64xf32, #tpu.memory_space<vmem>>
      %dma_wait3A_808 = arith.constant 0 : i32
      %dma_wait3A_809 = tpu.memref_slice %arg7[%dma_wait3A_801, %dma_wait3A_808] : memref<5x80xi32, #tpu.memory_space<vmem>> -> memref<1x80xi32, #tpu.memory_space<vmem>>
      %dma_wait3A_810 = tpu.memref_squeeze %dma_wait3A_809 : memref<1x80xi32, #tpu.memory_space<vmem>> -> memref<80xi32, #tpu.memory_space<vmem>>
      %dma_wait3A_811 = arith.constant 0 : i32
      %dma_wait3A_812 = arith.constant 0 : i32
      %dma_wait3A_813 = tpu.memref_slice %arg2[%arg0, %dma_wait3A_811, %dma_wait3A_812] : memref<2x10000x64xf32, #tpu.memory_space<hbm>> -> memref<1x10000x64xf32, #tpu.memory_space<hbm>>
      %dma_wait3A_814 = tpu.memref_squeeze %dma_wait3A_813 : memref<1x10000x64xf32, #tpu.memory_space<hbm>> -> memref<10000x64xf32, #tpu.memory_space<hbm>>
      %dma_wait3A_815 = arith.constant 0 : i32
      %dma_wait3A_816 = arith.constant 0 : i32
      %dma_wait3A_817 = tpu.memref_slice %dma_wait3A_814[%dma_wait3A_815, %dma_wait3A_816] : memref<10000x64xf32, #tpu.memory_space<hbm>> -> memref<10000x64xf32, #tpu.memory_space<hbm>>
      %dma_wait3A_818 = tpu.memref_slice %arg14[%dma_wait3A_803] : memref<5x!tpu.dma_semaphore, #tpu.memory_space<semaphore_mem>> -> memref<1x!tpu.dma_semaphore, #tpu.memory_space<semaphore_mem>>
      %dma_wait3A_819 = tpu.memref_squeeze %dma_wait3A_818 : memref<1x!tpu.dma_semaphore, #tpu.memory_space<semaphore_mem>> -> memref<!tpu.dma_semaphore, #tpu.memory_space<semaphore_mem>>
      tpu.wait_indirect_dma semaphore(%dma_wait3A_819 : memref<!tpu.dma_semaphore, #tpu.memory_space<semaphore_mem>>) src(%dma_wait3A_817 : memref<10000x64xf32, #tpu.memory_space<hbm>>) dst(%dma_wait3A_807 : memref<80x64xf32, #tpu.memory_space<vmem>>)
      %dma_wait3A_820 = arith.constant 1 : i32
      %dma_wait3A_821 = arith.constant 1 : i32
      %dma_wait3A_822 = arith.constant 1 : i32
      %dma_wait3A_823 = arith.constant 0 : i32
      %dma_wait3A_824 = arith.constant 0 : i32
      %dma_wait3A_825 = tpu.memref_slice %arg10[%dma_wait3A_821, %dma_wait3A_823, %dma_wait3A_824] : memref<5x80x64xf32, #tpu.memory_space<vmem>> -> memref<1x80x64xf32, #tpu.memory_space<vmem>>
      %dma_wait3A_826 = tpu.memref_squeeze %dma_wait3A_825 : memref<1x80x64xf32, #tpu.memory_space<vmem>> -> memref<80x64xf32, #tpu.memory_space<vmem>>
      %dma_wait3A_827 = arith.constant 0 : i32
      %dma_wait3A_828 = tpu.memref_slice %arg8[%dma_wait3A_820, %dma_wait3A_827] : memref<5x80xi32, #tpu.memory_space<vmem>> -> memref<1x80xi32, #tpu.memory_space<vmem>>
      %dma_wait3A_829 = tpu.memref_squeeze %dma_wait3A_828 : memref<1x80xi32, #tpu.memory_space<vmem>> -> memref<80xi32, #tpu.memory_space<vmem>>
      %dma_wait3A_830 = arith.constant 0 : i32
      %dma_wait3A_831 = arith.constant 0 : i32
      %dma_wait3A_832 = tpu.memref_slice %arg3[%arg0, %dma_wait3A_830, %dma_wait3A_831] : memref<2x10000x64xf32, #tpu.memory_space<hbm>> -> memref<1x10000x64xf32, #tpu.memory_space<hbm>>
      %dma_wait3A_833 = tpu.memref_squeeze %dma_wait3A_832 : memref<1x10000x64xf32, #tpu.memory_space<hbm>> -> memref<10000x64xf32, #tpu.memory_space<hbm>>
      %dma_wait3A_834 = arith.constant 0 : i32
      %dma_wait3A_835 = arith.constant 0 : i32
      %dma_wait3A_836 = tpu.memref_slice %dma_wait3A_833[%dma_wait3A_834, %dma_wait3A_835] : memref<10000x64xf32, #tpu.memory_space<hbm>> -> memref<10000x64xf32, #tpu.memory_space<hbm>>
      %dma_wait3A_837 = tpu.memref_slice %arg15[%dma_wait3A_822] : memref<5x!tpu.dma_semaphore, #tpu.memory_space<semaphore_mem>> -> memref<1x!tpu.dma_semaphore, #tpu.memory_space<semaphore_mem>>
      %dma_wait3A_838 = tpu.memref_squeeze %dma_wait3A_837 : memref<1x!tpu.dma_semaphore, #tpu.memory_space<semaphore_mem>> -> memref<!tpu.dma_semaphore, #tpu.memory_space<semaphore_mem>>
      tpu.wait_indirect_dma semaphore(%dma_wait3A_838 : memref<!tpu.dma_semaphore, #tpu.memory_space<semaphore_mem>>) src(%dma_wait3A_836 : memref<10000x64xf32, #tpu.memory_space<hbm>>) dst(%dma_wait3A_826 : memref<80x64xf32, #tpu.memory_space<vmem>>)
      %scan3A_839 = arith.constant 0 : i32
      %scan3A_840 = arith.constant 0 : i32
      %scan3A_841 = arith.constant 80 : i32
      %scan3A_842 = arith.addi %scan3A_840, %scan3A_841 : i32
      %scan3A_843 = arith.constant 1 : i32
      %scan3A_844 = scf.for %scan3A_1042 = %scan3A_840 to %scan3A_842 step %scan3A_843 iter_args(%scan3A_1043 = %scan3A_839) -> (i32)  : i32 {
        %get3A = arith.constant 1 : i32
        %get3A_1044 = arith.index_cast %get3A : i32 to index
        %get3A_1045 = arith.index_cast %scan3A_1042 : i32 to index
        %get3A_1046 = arith.constant 0 : index
        %get3A_1047 = tpu.vector_load %arg9[%get3A_1044, %get3A_1045, %get3A_1046] {strides = array<i32>} : memref<5x80x64xf32, #tpu.memory_space<vmem>>, vector<16xf32>,
        %get3A_1048 = arith.constant 1 : i32
        %get3A_1049 = arith.index_cast %get3A_1048 : i32 to index
        %get3A_1050 = arith.index_cast %scan3A_1042 : i32 to index
        %get3A_1051 = arith.constant 0 : index
        %get3A_1052 = tpu.vector_load %arg10[%get3A_1049, %get3A_1050, %get3A_1051] {strides = array<i32>} : memref<5x80x64xf32, #tpu.memory_space<vmem>>, vector<16xf32>,
        %add3A_1053 = arith.addf %get3A_1047, %get3A_1052 : vector<16xf32>
        %max3A = arith.constant 0.000000e+00 : f32
        %max3A_1054 = vector.broadcast %max3A : f32 to vector<16xf32>
        %max3A_1055 = arith.maximumf %add3A_1053, %max3A_1054 : vector<16xf32>
        %swap3A = arith.constant 1 : i32
        %swap3A_1056 = arith.index_cast %swap3A : i32 to index
        %swap3A_1057 = arith.index_cast %scan3A_1042 : i32 to index
        %swap3A_1058 = arith.constant 0 : index
        %swap3A_1059 = tpu.vector_load %arg11[%swap3A_1056, %swap3A_1057, %swap3A_1058] {strides = array<i32>} : memref<5x80x64xf32, #tpu.memory_space<vmem>>, vector<16xf32>,
        tpu.vector_store %arg11[%swap3A_1056, %swap3A_1057, %swap3A_1058], %max3A_1055 {strides = array<i32>} : memref<5x80x64xf32, #tpu.memory_space<vmem>>, vector<16xf32>,
        %get3A_1060 = arith.constant 1 : i32
        %get3A_1061 = arith.index_cast %get3A_1060 : i32 to index
        %get3A_1062 = arith.index_cast %scan3A_1042 : i32 to index
        %get3A_1063 = arith.constant 16 : index
        %get3A_1064 = tpu.vector_load %arg9[%get3A_1061, %get3A_1062, %get3A_1063] {strides = array<i32>} : memref<5x80x64xf32, #tpu.memory_space<vmem>>, vector<16xf32>,
        %get3A_1065 = arith.constant 1 : i32
        %get3A_1066 = arith.index_cast %get3A_1065 : i32 to index
        %get3A_1067 = arith.index_cast %scan3A_1042 : i32 to index
        %get3A_1068 = arith.constant 16 : index
        %get3A_1069 = tpu.vector_load %arg10[%get3A_1066, %get3A_1067, %get3A_1068] {strides = array<i32>} : memref<5x80x64xf32, #tpu.memory_space<vmem>>, vector<16xf32>,
        %add3A_1070 = arith.addf %get3A_1064, %get3A_1069 : vector<16xf32>
        %max3A_1071 = arith.constant 0.000000e+00 : f32
        %max3A_1072 = vector.broadcast %max3A_1071 : f32 to vector<16xf32>
        %max3A_1073 = arith.maximumf %add3A_1070, %max3A_1072 : vector<16xf32>
        %swap3A_1074 = arith.constant 1 : i32
        %swap3A_1075 = arith.index_cast %swap3A_1074 : i32 to index
        %swap3A_1076 = arith.index_cast %scan3A_1042 : i32 to index
        %swap3A_1077 = arith.constant 16 : index
        %swap3A_1078 = tpu.vector_load %arg11[%swap3A_1075, %swap3A_1076, %swap3A_1077] {strides = array<i32>} : memref<5x80x64xf32, #tpu.memory_space<vmem>>, vector<16xf32>,
        tpu.vector_store %arg11[%swap3A_1075, %swap3A_1076, %swap3A_1077], %max3A_1073 {strides = array<i32>} : memref<5x80x64xf32, #tpu.memory_space<vmem>>, vector<16xf32>,
        %get3A_1079 = arith.constant 1 : i32
        %get3A_1080 = arith.index_cast %get3A_1079 : i32 to index
        %get3A_1081 = arith.index_cast %scan3A_1042 : i32 to index
        %get3A_1082 = arith.constant 32 : index
        %get3A_1083 = tpu.vector_load %arg9[%get3A_1080, %get3A_1081, %get3A_1082] {strides = array<i32>} : memref<5x80x64xf32, #tpu.memory_space<vmem>>, vector<16xf32>,
        %get3A_1084 = arith.constant 1 : i32
        %get3A_1085 = arith.index_cast %get3A_1084 : i32 to index
        %get3A_1086 = arith.index_cast %scan3A_1042 : i32 to index
        %get3A_1087 = arith.constant 32 : index
        %get3A_1088 = tpu.vector_load %arg10[%get3A_1085, %get3A_1086, %get3A_1087] {strides = array<i32>} : memref<5x80x64xf32, #tpu.memory_space<vmem>>, vector<16xf32>,
        %add3A_1089 = arith.addf %get3A_1083, %get3A_1088 : vector<16xf32>
        %max3A_1090 = arith.constant 0.000000e+00 : f32
        %max3A_1091 = vector.broadcast %max3A_1090 : f32 to vector<16xf32>
        %max3A_1092 = arith.maximumf %add3A_1089, %max3A_1091 : vector<16xf32>
        %swap3A_1093 = arith.constant 1 : i32
        %swap3A_1094 = arith.index_cast %swap3A_1093 : i32 to index
        %swap3A_1095 = arith.index_cast %scan3A_1042 : i32 to index
        %swap3A_1096 = arith.constant 32 : index
        %swap3A_1097 = tpu.vector_load %arg11[%swap3A_1094, %swap3A_1095, %swap3A_1096] {strides = array<i32>} : memref<5x80x64xf32, #tpu.memory_space<vmem>>, vector<16xf32>,
        tpu.vector_store %arg11[%swap3A_1094, %swap3A_1095, %swap3A_1096], %max3A_1092 {strides = array<i32>} : memref<5x80x64xf32, #tpu.memory_space<vmem>>, vector<16xf32>,
        %get3A_1098 = arith.constant 1 : i32
        %get3A_1099 = arith.index_cast %get3A_1098 : i32 to index
        %get3A_1100 = arith.index_cast %scan3A_1042 : i32 to index
        %get3A_1101 = arith.constant 48 : index
        %get3A_1102 = tpu.vector_load %arg9[%get3A_1099, %get3A_1100, %get3A_1101] {strides = array<i32>} : memref<5x80x64xf32, #tpu.memory_space<vmem>>, vector<16xf32>,
        %get3A_1103 = arith.constant 1 : i32
        %get3A_1104 = arith.index_cast %get3A_1103 : i32 to index
        %get3A_1105 = arith.index_cast %scan3A_1042 : i32 to index
        %get3A_1106 = arith.constant 48 : index
        %get3A_1107 = tpu.vector_load %arg10[%get3A_1104, %get3A_1105, %get3A_1106] {strides = array<i32>} : memref<5x80x64xf32, #tpu.memory_space<vmem>>, vector<16xf32>,
        %add3A_1108 = arith.addf %get3A_1102, %get3A_1107 : vector<16xf32>
        %max3A_1109 = arith.constant 0.000000e+00 : f32
        %max3A_1110 = vector.broadcast %max3A_1109 : f32 to vector<16xf32>
        %max3A_1111 = arith.maximumf %add3A_1108, %max3A_1110 : vector<16xf32>
        %swap3A_1112 = arith.constant 1 : i32
        %swap3A_1113 = arith.index_cast %swap3A_1112 : i32 to index
        %swap3A_1114 = arith.index_cast %scan3A_1042 : i32 to index
        %swap3A_1115 = arith.constant 48 : index
        %swap3A_1116 = tpu.vector_load %arg11[%swap3A_1113, %swap3A_1114, %swap3A_1115] {strides = array<i32>} : memref<5x80x64xf32, #tpu.memory_space<vmem>>, vector<16xf32>,
        tpu.vector_store %arg11[%swap3A_1113, %swap3A_1114, %swap3A_1115], %max3A_1111 {strides = array<i32>} : memref<5x80x64xf32, #tpu.memory_space<vmem>>, vector<16xf32>,
        %scan3A_1117 = arith.constant 0 : i32
        scf.yield %scan3A_1117 : i32
      }
      %scan3A_845 = arith.constant 80 : i32
      %dma_start3A_846 = arith.constant 1 : i32
      %dma_start3A_847 = arith.constant 1 : i32
      %dma_start3A_848 = arith.constant 1 : i32
      %dma_start3A_849 = arith.constant 0 : i32
      %dma_start3A_850 = arith.constant 0 : i32
      %dma_start3A_851 = tpu.memref_slice %arg11[%dma_start3A_846, %dma_start3A_849, %dma_start3A_850] : memref<5x80x64xf32, #tpu.memory_space<vmem>> -> memref<1x80x64xf32, #tpu.memory_space<vmem>>
      %dma_start3A_852 = tpu.memref_squeeze %dma_start3A_851 : memref<1x80x64xf32, #tpu.memory_space<vmem>> -> memref<80x64xf32, #tpu.memory_space<vmem>>
      %dma_start3A_853 = arith.constant 0 : i32
      %dma_start3A_854 = tpu.memref_slice %arg7[%dma_start3A_847, %dma_start3A_853] : memref<5x80xi32, #tpu.memory_space<vmem>> -> memref<1x80xi32, #tpu.memory_space<vmem>>
      %dma_start3A_855 = tpu.memref_squeeze %dma_start3A_854 : memref<1x80xi32, #tpu.memory_space<vmem>> -> memref<80xi32, #tpu.memory_space<vmem>>
      %dma_start3A_856 = arith.constant 0 : i32
      %dma_start3A_857 = arith.constant 0 : i32
      %dma_start3A_858 = tpu.memref_slice %arg12[%dma_start3A_856, %dma_start3A_857] : memref<10000x64xf32, #tpu.memory_space<vmem_shared>> -> memref<10000x64xf32, #tpu.memory_space<vmem_shared>>
      %dma_start3A_859 = tpu.memref_slice %arg16[%dma_start3A_848] : memref<5x!tpu.dma_semaphore, #tpu.memory_space<semaphore_mem>> -> memref<1x!tpu.dma_semaphore, #tpu.memory_space<semaphore_mem>>
      %dma_start3A_860 = tpu.memref_squeeze %dma_start3A_859 : memref<1x!tpu.dma_semaphore, #tpu.memory_space<semaphore_mem>> -> memref<!tpu.dma_semaphore, #tpu.memory_space<semaphore_mem>>
      tpu.enqueue_indirect_dma source(%dma_start3A_852 : memref<80x64xf32, #tpu.memory_space<vmem>>) target(%dma_start3A_858 : memref<10000x64xf32, #tpu.memory_space<vmem_shared>>) offsets(%dma_start3A_855 : memref<80xi32, #tpu.memory_space<vmem>>) semaphore(%dma_start3A_860 : memref<!tpu.dma_semaphore, #tpu.memory_space<semaphore_mem>>) {add = true}
      %dma_wait3A_861 = arith.constant 2 : i32
      %dma_wait3A_862 = arith.constant 2 : i32
      %dma_wait3A_863 = arith.constant 2 : i32
      %dma_wait3A_864 = arith.constant 0 : i32
      %dma_wait3A_865 = arith.constant 0 : i32
      %dma_wait3A_866 = tpu.memref_slice %arg9[%dma_wait3A_862, %dma_wait3A_864, %dma_wait3A_865] : memref<5x80x64xf32, #tpu.memory_space<vmem>> -> memref<1x80x64xf32, #tpu.memory_space<vmem>>
      %dma_wait3A_867 = tpu.memref_squeeze %dma_wait3A_866 : memref<1x80x64xf32, #tpu.memory_space<vmem>> -> memref<80x64xf32, #tpu.memory_space<vmem>>
      %dma_wait3A_868 = arith.constant 0 : i32
      %dma_wait3A_869 = tpu.memref_slice %arg7[%dma_wait3A_861, %dma_wait3A_868] : memref<5x80xi32, #tpu.memory_space<vmem>> -> memref<1x80xi32, #tpu.memory_space<vmem>>
      %dma_wait3A_870 = tpu.memref_squeeze %dma_wait3A_869 : memref<1x80xi32, #tpu.memory_space<vmem>> -> memref<80xi32, #tpu.memory_space<vmem>>
      %dma_wait3A_871 = arith.constant 0 : i32
      %dma_wait3A_872 = arith.constant 0 : i32
      %dma_wait3A_873 = tpu.memref_slice %arg2[%arg0, %dma_wait3A_871, %dma_wait3A_872] : memref<2x10000x64xf32, #tpu.memory_space<hbm>> -> memref<1x10000x64xf32, #tpu.memory_space<hbm>>
      %dma_wait3A_874 = tpu.memref_squeeze %dma_wait3A_873 : memref<1x10000x64xf32, #tpu.memory_space<hbm>> -> memref<10000x64xf32, #tpu.memory_space<hbm>>
      %dma_wait3A_875 = arith.constant 0 : i32
      %dma_wait3A_876 = arith.constant 0 : i32
      %dma_wait3A_877 = tpu.memref_slice %dma_wait3A_874[%dma_wait3A_875, %dma_wait3A_876] : memref<10000x64xf32, #tpu.memory_space<hbm>> -> memref<10000x64xf32, #tpu.memory_space<hbm>>
      %dma_wait3A_878 = tpu.memref_slice %arg14[%dma_wait3A_863] : memref<5x!tpu.dma_semaphore, #tpu.memory_space<semaphore_mem>> -> memref<1x!tpu.dma_semaphore, #tpu.memory_space<semaphore_mem>>
      %dma_wait3A_879 = tpu.memref_squeeze %dma_wait3A_878 : memref<1x!tpu.dma_semaphore, #tpu.memory_space<semaphore_mem>> -> memref<!tpu.dma_semaphore, #tpu.memory_space<semaphore_mem>>
      tpu.wait_indirect_dma semaphore(%dma_wait3A_879 : memref<!tpu.dma_semaphore, #tpu.memory_space<semaphore_mem>>) src(%dma_wait3A_877 : memref<10000x64xf32, #tpu.memory_space<hbm>>) dst(%dma_wait3A_867 : memref<80x64xf32, #tpu.memory_space<vmem>>)
      %dma_wait3A_880 = arith.constant 2 : i32
      %dma_wait3A_881 = arith.constant 2 : i32
      %dma_wait3A_882 = arith.constant 2 : i32
      %dma_wait3A_883 = arith.constant 0 : i32
      %dma_wait3A_884 = arith.constant 0 : i32
      %dma_wait3A_885 = tpu.memref_slice %arg10[%dma_wait3A_881, %dma_wait3A_883, %dma_wait3A_884] : memref<5x80x64xf32, #tpu.memory_space<vmem>> -> memref<1x80x64xf32, #tpu.memory_space<vmem>>
      %dma_wait3A_886 = tpu.memref_squeeze %dma_wait3A_885 : memref<1x80x64xf32, #tpu.memory_space<vmem>> -> memref<80x64xf32, #tpu.memory_space<vmem>>
      %dma_wait3A_887 = arith.constant 0 : i32
      %dma_wait3A_888 = tpu.memref_slice %arg8[%dma_wait3A_880, %dma_wait3A_887] : memref<5x80xi32, #tpu.memory_space<vmem>> -> memref<1x80xi32, #tpu.memory_space<vmem>>
      %dma_wait3A_889 = tpu.memref_squeeze %dma_wait3A_888 : memref<1x80xi32, #tpu.memory_space<vmem>> -> memref<80xi32, #tpu.memory_space<vmem>>
      %dma_wait3A_890 = arith.constant 0 : i32
      %dma_wait3A_891 = arith.constant 0 : i32
      %dma_wait3A_892 = tpu.memref_slice %arg3[%arg0, %dma_wait3A_890, %dma_wait3A_891] : memref<2x10000x64xf32, #tpu.memory_space<hbm>> -> memref<1x10000x64xf32, #tpu.memory_space<hbm>>
      %dma_wait3A_893 = tpu.memref_squeeze %dma_wait3A_892 : memref<1x10000x64xf32, #tpu.memory_space<hbm>> -> memref<10000x64xf32, #tpu.memory_space<hbm>>
      %dma_wait3A_894 = arith.constant 0 : i32
      %dma_wait3A_895 = arith.constant 0 : i32
      %dma_wait3A_896 = tpu.memref_slice %dma_wait3A_893[%dma_wait3A_894, %dma_wait3A_895] : memref<10000x64xf32, #tpu.memory_space<hbm>> -> memref<10000x64xf32, #tpu.memory_space<hbm>>
      %dma_wait3A_897 = tpu.memref_slice %arg15[%dma_wait3A_882] : memref<5x!tpu.dma_semaphore, #tpu.memory_space<semaphore_mem>> -> memref<1x!tpu.dma_semaphore, #tpu.memory_space<semaphore_mem>>
      %dma_wait3A_898 = tpu.memref_squeeze %dma_wait3A_897 : memref<1x!tpu.dma_semaphore, #tpu.memory_space<semaphore_mem>> -> memref<!tpu.dma_semaphore, #tpu.memory_space<semaphore_mem>>
      tpu.wait_indirect_dma semaphore(%dma_wait3A_898 : memref<!tpu.dma_semaphore, #tpu.memory_space<semaphore_mem>>) src(%dma_wait3A_896 : memref<10000x64xf32, #tpu.memory_space<hbm>>) dst(%dma_wait3A_886 : memref<80x64xf32, #tpu.memory_space<vmem>>)
      %scan3A_899 = arith.constant 0 : i32
      %scan3A_900 = arith.constant 0 : i32
      %scan3A_901 = arith.constant 80 : i32
      %scan3A_902 = arith.addi %scan3A_900, %scan3A_901 : i32
      %scan3A_903 = arith.constant 1 : i32
      %scan3A_904 = scf.for %scan3A_1042 = %scan3A_900 to %scan3A_902 step %scan3A_903 iter_args(%scan3A_1043 = %scan3A_899) -> (i32)  : i32 {
        %get3A = arith.constant 2 : i32
        %get3A_1044 = arith.index_cast %get3A : i32 to index
        %get3A_1045 = arith.index_cast %scan3A_1042 : i32 to index
        %get3A_1046 = arith.constant 0 : index
        %get3A_1047 = tpu.vector_load %arg9[%get3A_1044, %get3A_1045, %get3A_1046] {strides = array<i32>} : memref<5x80x64xf32, #tpu.memory_space<vmem>>, vector<16xf32>,
        %get3A_1048 = arith.constant 2 : i32
        %get3A_1049 = arith.index_cast %get3A_1048 : i32 to index
        %get3A_1050 = arith.index_cast %scan3A_1042 : i32 to index
        %get3A_1051 = arith.constant 0 : index
        %get3A_1052 = tpu.vector_load %arg10[%get3A_1049, %get3A_1050, %get3A_1051] {strides = array<i32>} : memref<5x80x64xf32, #tpu.memory_space<vmem>>, vector<16xf32>,
        %add3A_1053 = arith.addf %get3A_1047, %get3A_1052 : vector<16xf32>
        %max3A = arith.constant 0.000000e+00 : f32
        %max3A_1054 = vector.broadcast %max3A : f32 to vector<16xf32>
        %max3A_1055 = arith.maximumf %add3A_1053, %max3A_1054 : vector<16xf32>
        %swap3A = arith.constant 2 : i32
        %swap3A_1056 = arith.index_cast %swap3A : i32 to index
        %swap3A_1057 = arith.index_cast %scan3A_1042 : i32 to index
        %swap3A_1058 = arith.constant 0 : index
        %swap3A_1059 = tpu.vector_load %arg11[%swap3A_1056, %swap3A_1057, %swap3A_1058] {strides = array<i32>} : memref<5x80x64xf32, #tpu.memory_space<vmem>>, vector<16xf32>,
        tpu.vector_store %arg11[%swap3A_1056, %swap3A_1057, %swap3A_1058], %max3A_1055 {strides = array<i32>} : memref<5x80x64xf32, #tpu.memory_space<vmem>>, vector<16xf32>,
        %get3A_1060 = arith.constant 2 : i32
        %get3A_1061 = arith.index_cast %get3A_1060 : i32 to index
        %get3A_1062 = arith.index_cast %scan3A_1042 : i32 to index
        %get3A_1063 = arith.constant 16 : index
        %get3A_1064 = tpu.vector_load %arg9[%get3A_1061, %get3A_1062, %get3A_1063] {strides = array<i32>} : memref<5x80x64xf32, #tpu.memory_space<vmem>>, vector<16xf32>,
        %get3A_1065 = arith.constant 2 : i32
        %get3A_1066 = arith.index_cast %get3A_1065 : i32 to index
        %get3A_1067 = arith.index_cast %scan3A_1042 : i32 to index
        %get3A_1068 = arith.constant 16 : index
        %get3A_1069 = tpu.vector_load %arg10[%get3A_1066, %get3A_1067, %get3A_1068] {strides = array<i32>} : memref<5x80x64xf32, #tpu.memory_space<vmem>>, vector<16xf32>,
        %add3A_1070 = arith.addf %get3A_1064, %get3A_1069 : vector<16xf32>
        %max3A_1071 = arith.constant 0.000000e+00 : f32
        %max3A_1072 = vector.broadcast %max3A_1071 : f32 to vector<16xf32>
        %max3A_1073 = arith.maximumf %add3A_1070, %max3A_1072 : vector<16xf32>
        %swap3A_1074 = arith.constant 2 : i32
        %swap3A_1075 = arith.index_cast %swap3A_1074 : i32 to index
        %swap3A_1076 = arith.index_cast %scan3A_1042 : i32 to index
        %swap3A_1077 = arith.constant 16 : index
        %swap3A_1078 = tpu.vector_load %arg11[%swap3A_1075, %swap3A_1076, %swap3A_1077] {strides = array<i32>} : memref<5x80x64xf32, #tpu.memory_space<vmem>>, vector<16xf32>,
        tpu.vector_store %arg11[%swap3A_1075, %swap3A_1076, %swap3A_1077], %max3A_1073 {strides = array<i32>} : memref<5x80x64xf32, #tpu.memory_space<vmem>>, vector<16xf32>,
        %get3A_1079 = arith.constant 2 : i32
        %get3A_1080 = arith.index_cast %get3A_1079 : i32 to index
        %get3A_1081 = arith.index_cast %scan3A_1042 : i32 to index
        %get3A_1082 = arith.constant 32 : index
        %get3A_1083 = tpu.vector_load %arg9[%get3A_1080, %get3A_1081, %get3A_1082] {strides = array<i32>} : memref<5x80x64xf32, #tpu.memory_space<vmem>>, vector<16xf32>,
        %get3A_1084 = arith.constant 2 : i32
        %get3A_1085 = arith.index_cast %get3A_1084 : i32 to index
        %get3A_1086 = arith.index_cast %scan3A_1042 : i32 to index
        %get3A_1087 = arith.constant 32 : index
        %get3A_1088 = tpu.vector_load %arg10[%get3A_1085, %get3A_1086, %get3A_1087] {strides = array<i32>} : memref<5x80x64xf32, #tpu.memory_space<vmem>>, vector<16xf32>,
        %add3A_1089 = arith.addf %get3A_1083, %get3A_1088 : vector<16xf32>
        %max3A_1090 = arith.constant 0.000000e+00 : f32
        %max3A_1091 = vector.broadcast %max3A_1090 : f32 to vector<16xf32>
        %max3A_1092 = arith.maximumf %add3A_1089, %max3A_1091 : vector<16xf32>
        %swap3A_1093 = arith.constant 2 : i32
        %swap3A_1094 = arith.index_cast %swap3A_1093 : i32 to index
        %swap3A_1095 = arith.index_cast %scan3A_1042 : i32 to index
        %swap3A_1096 = arith.constant 32 : index
        %swap3A_1097 = tpu.vector_load %arg11[%swap3A_1094, %swap3A_1095, %swap3A_1096] {strides = array<i32>} : memref<5x80x64xf32, #tpu.memory_space<vmem>>, vector<16xf32>,
        tpu.vector_store %arg11[%swap3A_1094, %swap3A_1095, %swap3A_1096], %max3A_1092 {strides = array<i32>} : memref<5x80x64xf32, #tpu.memory_space<vmem>>, vector<16xf32>,
        %get3A_1098 = arith.constant 2 : i32
        %get3A_1099 = arith.index_cast %get3A_1098 : i32 to index
        %get3A_1100 = arith.index_cast %scan3A_1042 : i32 to index
        %get3A_1101 = arith.constant 48 : index
        %get3A_1102 = tpu.vector_load %arg9[%get3A_1099, %get3A_1100, %get3A_1101] {strides = array<i32>} : memref<5x80x64xf32, #tpu.memory_space<vmem>>, vector<16xf32>,
        %get3A_1103 = arith.constant 2 : i32
        %get3A_1104 = arith.index_cast %get3A_1103 : i32 to index
        %get3A_1105 = arith.index_cast %scan3A_1042 : i32 to index
        %get3A_1106 = arith.constant 48 : index
        %get3A_1107 = tpu.vector_load %arg10[%get3A_1104, %get3A_1105, %get3A_1106] {strides = array<i32>} : memref<5x80x64xf32, #tpu.memory_space<vmem>>, vector<16xf32>,
        %add3A_1108 = arith.addf %get3A_1102, %get3A_1107 : vector<16xf32>
        %max3A_1109 = arith.constant 0.000000e+00 : f32
        %max3A_1110 = vector.broadcast %max3A_1109 : f32 to vector<16xf32>
        %max3A_1111 = arith.maximumf %add3A_1108, %max3A_1110 : vector<16xf32>
        %swap3A_1112 = arith.constant 2 : i32
        %swap3A_1113 = arith.index_cast %swap3A_1112 : i32 to index
        %swap3A_1114 = arith.index_cast %scan3A_1042 : i32 to index
        %swap3A_1115 = arith.constant 48 : index
        %swap3A_1116 = tpu.vector_load %arg11[%swap3A_1113, %swap3A_1114, %swap3A_1115] {strides = array<i32>} : memref<5x80x64xf32, #tpu.memory_space<vmem>>, vector<16xf32>,
        tpu.vector_store %arg11[%swap3A_1113, %swap3A_1114, %swap3A_1115], %max3A_1111 {strides = array<i32>} : memref<5x80x64xf32, #tpu.memory_space<vmem>>, vector<16xf32>,
        %scan3A_1117 = arith.constant 0 : i32
        scf.yield %scan3A_1117 : i32
      }
      %scan3A_905 = arith.constant 80 : i32
      %dma_start3A_906 = arith.constant 2 : i32
      %dma_start3A_907 = arith.constant 2 : i32
      %dma_start3A_908 = arith.constant 2 : i32
      %dma_start3A_909 = arith.constant 0 : i32
      %dma_start3A_910 = arith.constant 0 : i32
      %dma_start3A_911 = tpu.memref_slice %arg11[%dma_start3A_906, %dma_start3A_909, %dma_start3A_910] : memref<5x80x64xf32, #tpu.memory_space<vmem>> -> memref<1x80x64xf32, #tpu.memory_space<vmem>>
      %dma_start3A_912 = tpu.memref_squeeze %dma_start3A_911 : memref<1x80x64xf32, #tpu.memory_space<vmem>> -> memref<80x64xf32, #tpu.memory_space<vmem>>
      %dma_start3A_913 = arith.constant 0 : i32
      %dma_start3A_914 = tpu.memref_slice %arg7[%dma_start3A_907, %dma_start3A_913] : memref<5x80xi32, #tpu.memory_space<vmem>> -> memref<1x80xi32, #tpu.memory_space<vmem>>
      %dma_start3A_915 = tpu.memref_squeeze %dma_start3A_914 : memref<1x80xi32, #tpu.memory_space<vmem>> -> memref<80xi32, #tpu.memory_space<vmem>>
      %dma_start3A_916 = arith.constant 0 : i32
      %dma_start3A_917 = arith.constant 0 : i32
      %dma_start3A_918 = tpu.memref_slice %arg12[%dma_start3A_916, %dma_start3A_917] : memref<10000x64xf32, #tpu.memory_space<vmem_shared>> -> memref<10000x64xf32, #tpu.memory_space<vmem_shared>>
      %dma_start3A_919 = tpu.memref_slice %arg16[%dma_start3A_908] : memref<5x!tpu.dma_semaphore, #tpu.memory_space<semaphore_mem>> -> memref<1x!tpu.dma_semaphore, #tpu.memory_space<semaphore_mem>>
      %dma_start3A_920 = tpu.memref_squeeze %dma_start3A_919 : memref<1x!tpu.dma_semaphore, #tpu.memory_space<semaphore_mem>> -> memref<!tpu.dma_semaphore, #tpu.memory_space<semaphore_mem>>
      tpu.enqueue_indirect_dma source(%dma_start3A_912 : memref<80x64xf32, #tpu.memory_space<vmem>>) target(%dma_start3A_918 : memref<10000x64xf32, #tpu.memory_space<vmem_shared>>) offsets(%dma_start3A_915 : memref<80xi32, #tpu.memory_space<vmem>>) semaphore(%dma_start3A_920 : memref<!tpu.dma_semaphore, #tpu.memory_space<semaphore_mem>>) {add = true}
      %dma_wait3A_921 = arith.constant 3 : i32
      %dma_wait3A_922 = arith.constant 3 : i32
      %dma_wait3A_923 = arith.constant 3 : i32
      %dma_wait3A_924 = arith.constant 0 : i32
      %dma_wait3A_925 = arith.constant 0 : i32
      %dma_wait3A_926 = tpu.memref_slice %arg9[%dma_wait3A_922, %dma_wait3A_924, %dma_wait3A_925] : memref<5x80x64xf32, #tpu.memory_space<vmem>> -> memref<1x80x64xf32, #tpu.memory_space<vmem>>
      %dma_wait3A_927 = tpu.memref_squeeze %dma_wait3A_926 : memref<1x80x64xf32, #tpu.memory_space<vmem>> -> memref<80x64xf32, #tpu.memory_space<vmem>>
      %dma_wait3A_928 = arith.constant 0 : i32
      %dma_wait3A_929 = tpu.memref_slice %arg7[%dma_wait3A_921, %dma_wait3A_928] : memref<5x80xi32, #tpu.memory_space<vmem>> -> memref<1x80xi32, #tpu.memory_space<vmem>>
      %dma_wait3A_930 = tpu.memref_squeeze %dma_wait3A_929 : memref<1x80xi32, #tpu.memory_space<vmem>> -> memref<80xi32, #tpu.memory_space<vmem>>
      %dma_wait3A_931 = arith.constant 0 : i32
      %dma_wait3A_932 = arith.constant 0 : i32
      %dma_wait3A_933 = tpu.memref_slice %arg2[%arg0, %dma_wait3A_931, %dma_wait3A_932] : memref<2x10000x64xf32, #tpu.memory_space<hbm>> -> memref<1x10000x64xf32, #tpu.memory_space<hbm>>
      %dma_wait3A_934 = tpu.memref_squeeze %dma_wait3A_933 : memref<1x10000x64xf32, #tpu.memory_space<hbm>> -> memref<10000x64xf32, #tpu.memory_space<hbm>>
      %dma_wait3A_935 = arith.constant 0 : i32
      %dma_wait3A_936 = arith.constant 0 : i32
      %dma_wait3A_937 = tpu.memref_slice %dma_wait3A_934[%dma_wait3A_935, %dma_wait3A_936] : memref<10000x64xf32, #tpu.memory_space<hbm>> -> memref<10000x64xf32, #tpu.memory_space<hbm>>
      %dma_wait3A_938 = tpu.memref_slice %arg14[%dma_wait3A_923] : memref<5x!tpu.dma_semaphore, #tpu.memory_space<semaphore_mem>> -> memref<1x!tpu.dma_semaphore, #tpu.memory_space<semaphore_mem>>
      %dma_wait3A_939 = tpu.memref_squeeze %dma_wait3A_938 : memref<1x!tpu.dma_semaphore, #tpu.memory_space<semaphore_mem>> -> memref<!tpu.dma_semaphore, #tpu.memory_space<semaphore_mem>>
      tpu.wait_indirect_dma semaphore(%dma_wait3A_939 : memref<!tpu.dma_semaphore, #tpu.memory_space<semaphore_mem>>) src(%dma_wait3A_937 : memref<10000x64xf32, #tpu.memory_space<hbm>>) dst(%dma_wait3A_927 : memref<80x64xf32, #tpu.memory_space<vmem>>)
      %dma_wait3A_940 = arith.constant 3 : i32
      %dma_wait3A_941 = arith.constant 3 : i32
      %dma_wait3A_942 = arith.constant 3 : i32
      %dma_wait3A_943 = arith.constant 0 : i32
      %dma_wait3A_944 = arith.constant 0 : i32
      %dma_wait3A_945 = tpu.memref_slice %arg10[%dma_wait3A_941, %dma_wait3A_943, %dma_wait3A_944] : memref<5x80x64xf32, #tpu.memory_space<vmem>> -> memref<1x80x64xf32, #tpu.memory_space<vmem>>
      %dma_wait3A_946 = tpu.memref_squeeze %dma_wait3A_945 : memref<1x80x64xf32, #tpu.memory_space<vmem>> -> memref<80x64xf32, #tpu.memory_space<vmem>>
      %dma_wait3A_947 = arith.constant 0 : i32
      %dma_wait3A_948 = tpu.memref_slice %arg8[%dma_wait3A_940, %dma_wait3A_947] : memref<5x80xi32, #tpu.memory_space<vmem>> -> memref<1x80xi32, #tpu.memory_space<vmem>>
      %dma_wait3A_949 = tpu.memref_squeeze %dma_wait3A_948 : memref<1x80xi32, #tpu.memory_space<vmem>> -> memref<80xi32, #tpu.memory_space<vmem>>
      %dma_wait3A_950 = arith.constant 0 : i32
      %dma_wait3A_951 = arith.constant 0 : i32
      %dma_wait3A_952 = tpu.memref_slice %arg3[%arg0, %dma_wait3A_950, %dma_wait3A_951] : memref<2x10000x64xf32, #tpu.memory_space<hbm>> -> memref<1x10000x64xf32, #tpu.memory_space<hbm>>
      %dma_wait3A_953 = tpu.memref_squeeze %dma_wait3A_952 : memref<1x10000x64xf32, #tpu.memory_space<hbm>> -> memref<10000x64xf32, #tpu.memory_space<hbm>>
      %dma_wait3A_954 = arith.constant 0 : i32
      %dma_wait3A_955 = arith.constant 0 : i32
      %dma_wait3A_956 = tpu.memref_slice %dma_wait3A_953[%dma_wait3A_954, %dma_wait3A_955] : memref<10000x64xf32, #tpu.memory_space<hbm>> -> memref<10000x64xf32, #tpu.memory_space<hbm>>
      %dma_wait3A_957 = tpu.memref_slice %arg15[%dma_wait3A_942] : memref<5x!tpu.dma_semaphore, #tpu.memory_space<semaphore_mem>> -> memref<1x!tpu.dma_semaphore, #tpu.memory_space<semaphore_mem>>
      %dma_wait3A_958 = tpu.memref_squeeze %dma_wait3A_957 : memref<1x!tpu.dma_semaphore, #tpu.memory_space<semaphore_mem>> -> memref<!tpu.dma_semaphore, #tpu.memory_space<semaphore_mem>>
      tpu.wait_indirect_dma semaphore(%dma_wait3A_958 : memref<!tpu.dma_semaphore, #tpu.memory_space<semaphore_mem>>) src(%dma_wait3A_956 : memref<10000x64xf32, #tpu.memory_space<hbm>>) dst(%dma_wait3A_946 : memref<80x64xf32, #tpu.memory_space<vmem>>)
      %scan3A_959 = arith.constant 0 : i32
      %scan3A_960 = arith.constant 0 : i32
      %scan3A_961 = arith.constant 80 : i32
      %scan3A_962 = arith.addi %scan3A_960, %scan3A_961 : i32
      %scan3A_963 = arith.constant 1 : i32
      %scan3A_964 = scf.for %scan3A_1042 = %scan3A_960 to %scan3A_962 step %scan3A_963 iter_args(%scan3A_1043 = %scan3A_959) -> (i32)  : i32 {
        %get3A = arith.constant 3 : i32
        %get3A_1044 = arith.index_cast %get3A : i32 to index
        %get3A_1045 = arith.index_cast %scan3A_1042 : i32 to index
        %get3A_1046 = arith.constant 0 : index
        %get3A_1047 = tpu.vector_load %arg9[%get3A_1044, %get3A_1045, %get3A_1046] {strides = array<i32>} : memref<5x80x64xf32, #tpu.memory_space<vmem>>, vector<16xf32>,
        %get3A_1048 = arith.constant 3 : i32
        %get3A_1049 = arith.index_cast %get3A_1048 : i32 to index
        %get3A_1050 = arith.index_cast %scan3A_1042 : i32 to index
        %get3A_1051 = arith.constant 0 : index
        %get3A_1052 = tpu.vector_load %arg10[%get3A_1049, %get3A_1050, %get3A_1051] {strides = array<i32>} : memref<5x80x64xf32, #tpu.memory_space<vmem>>, vector<16xf32>,
        %add3A_1053 = arith.addf %get3A_1047, %get3A_1052 : vector<16xf32>
        %max3A = arith.constant 0.000000e+00 : f32
        %max3A_1054 = vector.broadcast %max3A : f32 to vector<16xf32>
        %max3A_1055 = arith.maximumf %add3A_1053, %max3A_1054 : vector<16xf32>
        %swap3A = arith.constant 3 : i32
        %swap3A_1056 = arith.index_cast %swap3A : i32 to index
        %swap3A_1057 = arith.index_cast %scan3A_1042 : i32 to index
        %swap3A_1058 = arith.constant 0 : index
        %swap3A_1059 = tpu.vector_load %arg11[%swap3A_1056, %swap3A_1057, %swap3A_1058] {strides = array<i32>} : memref<5x80x64xf32, #tpu.memory_space<vmem>>, vector<16xf32>,
        tpu.vector_store %arg11[%swap3A_1056, %swap3A_1057, %swap3A_1058], %max3A_1055 {strides = array<i32>} : memref<5x80x64xf32, #tpu.memory_space<vmem>>, vector<16xf32>,
        %get3A_1060 = arith.constant 3 : i32
        %get3A_1061 = arith.index_cast %get3A_1060 : i32 to index
        %get3A_1062 = arith.index_cast %scan3A_1042 : i32 to index
        %get3A_1063 = arith.constant 16 : index
        %get3A_1064 = tpu.vector_load %arg9[%get3A_1061, %get3A_1062, %get3A_1063] {strides = array<i32>} : memref<5x80x64xf32, #tpu.memory_space<vmem>>, vector<16xf32>,
        %get3A_1065 = arith.constant 3 : i32
        %get3A_1066 = arith.index_cast %get3A_1065 : i32 to index
        %get3A_1067 = arith.index_cast %scan3A_1042 : i32 to index
        %get3A_1068 = arith.constant 16 : index
        %get3A_1069 = tpu.vector_load %arg10[%get3A_1066, %get3A_1067, %get3A_1068] {strides = array<i32>} : memref<5x80x64xf32, #tpu.memory_space<vmem>>, vector<16xf32>,
        %add3A_1070 = arith.addf %get3A_1064, %get3A_1069 : vector<16xf32>
        %max3A_1071 = arith.constant 0.000000e+00 : f32
        %max3A_1072 = vector.broadcast %max3A_1071 : f32 to vector<16xf32>
        %max3A_1073 = arith.maximumf %add3A_1070, %max3A_1072 : vector<16xf32>
        %swap3A_1074 = arith.constant 3 : i32
        %swap3A_1075 = arith.index_cast %swap3A_1074 : i32 to index
        %swap3A_1076 = arith.index_cast %scan3A_1042 : i32 to index
        %swap3A_1077 = arith.constant 16 : index
        %swap3A_1078 = tpu.vector_load %arg11[%swap3A_1075, %swap3A_1076, %swap3A_1077] {strides = array<i32>} : memref<5x80x64xf32, #tpu.memory_space<vmem>>, vector<16xf32>,
        tpu.vector_store %arg11[%swap3A_1075, %swap3A_1076, %swap3A_1077], %max3A_1073 {strides = array<i32>} : memref<5x80x64xf32, #tpu.memory_space<vmem>>, vector<16xf32>,
        %get3A_1079 = arith.constant 3 : i32
        %get3A_1080 = arith.index_cast %get3A_1079 : i32 to index
        %get3A_1081 = arith.index_cast %scan3A_1042 : i32 to index
        %get3A_1082 = arith.constant 32 : index
        %get3A_1083 = tpu.vector_load %arg9[%get3A_1080, %get3A_1081, %get3A_1082] {strides = array<i32>} : memref<5x80x64xf32, #tpu.memory_space<vmem>>, vector<16xf32>,
        %get3A_1084 = arith.constant 3 : i32
        %get3A_1085 = arith.index_cast %get3A_1084 : i32 to index
        %get3A_1086 = arith.index_cast %scan3A_1042 : i32 to index
        %get3A_1087 = arith.constant 32 : index
        %get3A_1088 = tpu.vector_load %arg10[%get3A_1085, %get3A_1086, %get3A_1087] {strides = array<i32>} : memref<5x80x64xf32, #tpu.memory_space<vmem>>, vector<16xf32>,
        %add3A_1089 = arith.addf %get3A_1083, %get3A_1088 : vector<16xf32>
        %max3A_1090 = arith.constant 0.000000e+00 : f32
        %max3A_1091 = vector.broadcast %max3A_1090 : f32 to vector<16xf32>
        %max3A_1092 = arith.maximumf %add3A_1089, %max3A_1091 : vector<16xf32>
        %swap3A_1093 = arith.constant 3 : i32
        %swap3A_1094 = arith.index_cast %swap3A_1093 : i32 to index
        %swap3A_1095 = arith.index_cast %scan3A_1042 : i32 to index
        %swap3A_1096 = arith.constant 32 : index
        %swap3A_1097 = tpu.vector_load %arg11[%swap3A_1094, %swap3A_1095, %swap3A_1096] {strides = array<i32>} : memref<5x80x64xf32, #tpu.memory_space<vmem>>, vector<16xf32>,
        tpu.vector_store %arg11[%swap3A_1094, %swap3A_1095, %swap3A_1096], %max3A_1092 {strides = array<i32>} : memref<5x80x64xf32, #tpu.memory_space<vmem>>, vector<16xf32>,
        %get3A_1098 = arith.constant 3 : i32
        %get3A_1099 = arith.index_cast %get3A_1098 : i32 to index
        %get3A_1100 = arith.index_cast %scan3A_1042 : i32 to index
        %get3A_1101 = arith.constant 48 : index
        %get3A_1102 = tpu.vector_load %arg9[%get3A_1099, %get3A_1100, %get3A_1101] {strides = array<i32>} : memref<5x80x64xf32, #tpu.memory_space<vmem>>, vector<16xf32>,
        %get3A_1103 = arith.constant 3 : i32
        %get3A_1104 = arith.index_cast %get3A_1103 : i32 to index
        %get3A_1105 = arith.index_cast %scan3A_1042 : i32 to index
        %get3A_1106 = arith.constant 48 : index
        %get3A_1107 = tpu.vector_load %arg10[%get3A_1104, %get3A_1105, %get3A_1106] {strides = array<i32>} : memref<5x80x64xf32, #tpu.memory_space<vmem>>, vector<16xf32>,
        %add3A_1108 = arith.addf %get3A_1102, %get3A_1107 : vector<16xf32>
        %max3A_1109 = arith.constant 0.000000e+00 : f32
        %max3A_1110 = vector.broadcast %max3A_1109 : f32 to vector<16xf32>
        %max3A_1111 = arith.maximumf %add3A_1108, %max3A_1110 : vector<16xf32>
        %swap3A_1112 = arith.constant 3 : i32
        %swap3A_1113 = arith.index_cast %swap3A_1112 : i32 to index
        %swap3A_1114 = arith.index_cast %scan3A_1042 : i32 to index
        %swap3A_1115 = arith.constant 48 : index
        %swap3A_1116 = tpu.vector_load %arg11[%swap3A_1113, %swap3A_1114, %swap3A_1115] {strides = array<i32>} : memref<5x80x64xf32, #tpu.memory_space<vmem>>, vector<16xf32>,
        tpu.vector_store %arg11[%swap3A_1113, %swap3A_1114, %swap3A_1115], %max3A_1111 {strides = array<i32>} : memref<5x80x64xf32, #tpu.memory_space<vmem>>, vector<16xf32>,
        %scan3A_1117 = arith.constant 0 : i32
        scf.yield %scan3A_1117 : i32
      }
      %scan3A_965 = arith.constant 80 : i32
      %dma_start3A_966 = arith.constant 3 : i32
      %dma_start3A_967 = arith.constant 3 : i32
      %dma_start3A_968 = arith.constant 3 : i32
      %dma_start3A_969 = arith.constant 0 : i32
      %dma_start3A_970 = arith.constant 0 : i32
      %dma_start3A_971 = tpu.memref_slice %arg11[%dma_start3A_966, %dma_start3A_969, %dma_start3A_970] : memref<5x80x64xf32, #tpu.memory_space<vmem>> -> memref<1x80x64xf32, #tpu.memory_space<vmem>>
      %dma_start3A_972 = tpu.memref_squeeze %dma_start3A_971 : memref<1x80x64xf32, #tpu.memory_space<vmem>> -> memref<80x64xf32, #tpu.memory_space<vmem>>
      %dma_start3A_973 = arith.constant 0 : i32
      %dma_start3A_974 = tpu.memref_slice %arg7[%dma_start3A_967, %dma_start3A_973] : memref<5x80xi32, #tpu.memory_space<vmem>> -> memref<1x80xi32, #tpu.memory_space<vmem>>
      %dma_start3A_975 = tpu.memref_squeeze %dma_start3A_974 : memref<1x80xi32, #tpu.memory_space<vmem>> -> memref<80xi32, #tpu.memory_space<vmem>>
      %dma_start3A_976 = arith.constant 0 : i32
      %dma_start3A_977 = arith.constant 0 : i32
      %dma_start3A_978 = tpu.memref_slice %arg12[%dma_start3A_976, %dma_start3A_977] : memref<10000x64xf32, #tpu.memory_space<vmem_shared>> -> memref<10000x64xf32, #tpu.memory_space<vmem_shared>>
      %dma_start3A_979 = tpu.memref_slice %arg16[%dma_start3A_968] : memref<5x!tpu.dma_semaphore, #tpu.memory_space<semaphore_mem>> -> memref<1x!tpu.dma_semaphore, #tpu.memory_space<semaphore_mem>>
      %dma_start3A_980 = tpu.memref_squeeze %dma_start3A_979 : memref<1x!tpu.dma_semaphore, #tpu.memory_space<semaphore_mem>> -> memref<!tpu.dma_semaphore, #tpu.memory_space<semaphore_mem>>
      tpu.enqueue_indirect_dma source(%dma_start3A_972 : memref<80x64xf32, #tpu.memory_space<vmem>>) target(%dma_start3A_978 : memref<10000x64xf32, #tpu.memory_space<vmem_shared>>) offsets(%dma_start3A_975 : memref<80xi32, #tpu.memory_space<vmem>>) semaphore(%dma_start3A_980 : memref<!tpu.dma_semaphore, #tpu.memory_space<semaphore_mem>>) {add = true}
      %dma_wait3A_981 = arith.constant 4 : i32
      %dma_wait3A_982 = arith.constant 4 : i32
      %dma_wait3A_983 = arith.constant 4 : i32
      %dma_wait3A_984 = arith.constant 0 : i32
      %dma_wait3A_985 = arith.constant 0 : i32
      %dma_wait3A_986 = tpu.memref_slice %arg9[%dma_wait3A_982, %dma_wait3A_984, %dma_wait3A_985] : memref<5x80x64xf32, #tpu.memory_space<vmem>> -> memref<1x80x64xf32, #tpu.memory_space<vmem>>
      %dma_wait3A_987 = tpu.memref_squeeze %dma_wait3A_986 : memref<1x80x64xf32, #tpu.memory_space<vmem>> -> memref<80x64xf32, #tpu.memory_space<vmem>>
      %dma_wait3A_988 = arith.constant 0 : i32
      %dma_wait3A_989 = tpu.memref_slice %arg7[%dma_wait3A_981, %dma_wait3A_988] : memref<5x80xi32, #tpu.memory_space<vmem>> -> memref<1x80xi32, #tpu.memory_space<vmem>>
      %dma_wait3A_990 = tpu.memref_squeeze %dma_wait3A_989 : memref<1x80xi32, #tpu.memory_space<vmem>> -> memref<80xi32, #tpu.memory_space<vmem>>
      %dma_wait3A_991 = arith.constant 0 : i32
      %dma_wait3A_992 = arith.constant 0 : i32
      %dma_wait3A_993 = tpu.memref_slice %arg2[%arg0, %dma_wait3A_991, %dma_wait3A_992] : memref<2x10000x64xf32, #tpu.memory_space<hbm>> -> memref<1x10000x64xf32, #tpu.memory_space<hbm>>
      %dma_wait3A_994 = tpu.memref_squeeze %dma_wait3A_993 : memref<1x10000x64xf32, #tpu.memory_space<hbm>> -> memref<10000x64xf32, #tpu.memory_space<hbm>>
      %dma_wait3A_995 = arith.constant 0 : i32
      %dma_wait3A_996 = arith.constant 0 : i32
      %dma_wait3A_997 = tpu.memref_slice %dma_wait3A_994[%dma_wait3A_995, %dma_wait3A_996] : memref<10000x64xf32, #tpu.memory_space<hbm>> -> memref<10000x64xf32, #tpu.memory_space<hbm>>
      %dma_wait3A_998 = tpu.memref_slice %arg14[%dma_wait3A_983] : memref<5x!tpu.dma_semaphore, #tpu.memory_space<semaphore_mem>> -> memref<1x!tpu.dma_semaphore, #tpu.memory_space<semaphore_mem>>
      %dma_wait3A_999 = tpu.memref_squeeze %dma_wait3A_998 : memref<1x!tpu.dma_semaphore, #tpu.memory_space<semaphore_mem>> -> memref<!tpu.dma_semaphore, #tpu.memory_space<semaphore_mem>>
      tpu.wait_indirect_dma semaphore(%dma_wait3A_999 : memref<!tpu.dma_semaphore, #tpu.memory_space<semaphore_mem>>) src(%dma_wait3A_997 : memref<10000x64xf32, #tpu.memory_space<hbm>>) dst(%dma_wait3A_987 : memref<80x64xf32, #tpu.memory_space<vmem>>)
      %dma_wait3A_1000 = arith.constant 4 : i32
      %dma_wait3A_1001 = arith.constant 4 : i32
      %dma_wait3A_1002 = arith.constant 4 : i32
      %dma_wait3A_1003 = arith.constant 0 : i32
      %dma_wait3A_1004 = arith.constant 0 : i32
      %dma_wait3A_1005 = tpu.memref_slice %arg10[%dma_wait3A_1001, %dma_wait3A_1003, %dma_wait3A_1004] : memref<5x80x64xf32, #tpu.memory_space<vmem>> -> memref<1x80x64xf32, #tpu.memory_space<vmem>>
      %dma_wait3A_1006 = tpu.memref_squeeze %dma_wait3A_1005 : memref<1x80x64xf32, #tpu.memory_space<vmem>> -> memref<80x64xf32, #tpu.memory_space<vmem>>
      %dma_wait3A_1007 = arith.constant 0 : i32
      %dma_wait3A_1008 = tpu.memref_slice %arg8[%dma_wait3A_1000, %dma_wait3A_1007] : memref<5x80xi32, #tpu.memory_space<vmem>> -> memref<1x80xi32, #tpu.memory_space<vmem>>
      %dma_wait3A_1009 = tpu.memref_squeeze %dma_wait3A_1008 : memref<1x80xi32, #tpu.memory_space<vmem>> -> memref<80xi32, #tpu.memory_space<vmem>>
      %dma_wait3A_1010 = arith.constant 0 : i32
      %dma_wait3A_1011 = arith.constant 0 : i32
      %dma_wait3A_1012 = tpu.memref_slice %arg3[%arg0, %dma_wait3A_1010, %dma_wait3A_1011] : memref<2x10000x64xf32, #tpu.memory_space<hbm>> -> memref<1x10000x64xf32, #tpu.memory_space<hbm>>
      %dma_wait3A_1013 = tpu.memref_squeeze %dma_wait3A_1012 : memref<1x10000x64xf32, #tpu.memory_space<hbm>> -> memref<10000x64xf32, #tpu.memory_space<hbm>>
      %dma_wait3A_1014 = arith.constant 0 : i32
      %dma_wait3A_1015 = arith.constant 0 : i32
      %dma_wait3A_1016 = tpu.memref_slice %dma_wait3A_1013[%dma_wait3A_1014, %dma_wait3A_1015] : memref<10000x64xf32, #tpu.memory_space<hbm>> -> memref<10000x64xf32, #tpu.memory_space<hbm>>
      %dma_wait3A_1017 = tpu.memref_slice %arg15[%dma_wait3A_1002] : memref<5x!tpu.dma_semaphore, #tpu.memory_space<semaphore_mem>> -> memref<1x!tpu.dma_semaphore, #tpu.memory_space<semaphore_mem>>
      %dma_wait3A_1018 = tpu.memref_squeeze %dma_wait3A_1017 : memref<1x!tpu.dma_semaphore, #tpu.memory_space<semaphore_mem>> -> memref<!tpu.dma_semaphore, #tpu.memory_space<semaphore_mem>>
      tpu.wait_indirect_dma semaphore(%dma_wait3A_1018 : memref<!tpu.dma_semaphore, #tpu.memory_space<semaphore_mem>>) src(%dma_wait3A_1016 : memref<10000x64xf32, #tpu.memory_space<hbm>>) dst(%dma_wait3A_1006 : memref<80x64xf32, #tpu.memory_space<vmem>>)
      %scan3A_1019 = arith.constant 0 : i32
      %scan3A_1020 = arith.constant 0 : i32
      %scan3A_1021 = arith.constant 80 : i32
      %scan3A_1022 = arith.addi %scan3A_1020, %scan3A_1021 : i32
      %scan3A_1023 = arith.constant 1 : i32
      %scan3A_1024 = scf.for %scan3A_1042 = %scan3A_1020 to %scan3A_1022 step %scan3A_1023 iter_args(%scan3A_1043 = %scan3A_1019) -> (i32)  : i32 {
        %get3A = arith.constant 4 : i32
        %get3A_1044 = arith.index_cast %get3A : i32 to index
        %get3A_1045 = arith.index_cast %scan3A_1042 : i32 to index
        %get3A_1046 = arith.constant 0 : index
        %get3A_1047 = tpu.vector_load %arg9[%get3A_1044, %get3A_1045, %get3A_1046] {strides = array<i32>} : memref<5x80x64xf32, #tpu.memory_space<vmem>>, vector<16xf32>,
        %get3A_1048 = arith.constant 4 : i32
        %get3A_1049 = arith.index_cast %get3A_1048 : i32 to index
        %get3A_1050 = arith.index_cast %scan3A_1042 : i32 to index
        %get3A_1051 = arith.constant 0 : index
        %get3A_1052 = tpu.vector_load %arg10[%get3A_1049, %get3A_1050, %get3A_1051] {strides = array<i32>} : memref<5x80x64xf32, #tpu.memory_space<vmem>>, vector<16xf32>,
        %add3A_1053 = arith.addf %get3A_1047, %get3A_1052 : vector<16xf32>
        %max3A = arith.constant 0.000000e+00 : f32
        %max3A_1054 = vector.broadcast %max3A : f32 to vector<16xf32>
        %max3A_1055 = arith.maximumf %add3A_1053, %max3A_1054 : vector<16xf32>
        %swap3A = arith.constant 4 : i32
        %swap3A_1056 = arith.index_cast %swap3A : i32 to index
        %swap3A_1057 = arith.index_cast %scan3A_1042 : i32 to index
        %swap3A_1058 = arith.constant 0 : index
        %swap3A_1059 = tpu.vector_load %arg11[%swap3A_1056, %swap3A_1057, %swap3A_1058] {strides = array<i32>} : memref<5x80x64xf32, #tpu.memory_space<vmem>>, vector<16xf32>,
        tpu.vector_store %arg11[%swap3A_1056, %swap3A_1057, %swap3A_1058], %max3A_1055 {strides = array<i32>} : memref<5x80x64xf32, #tpu.memory_space<vmem>>, vector<16xf32>,
        %get3A_1060 = arith.constant 4 : i32
        %get3A_1061 = arith.index_cast %get3A_1060 : i32 to index
        %get3A_1062 = arith.index_cast %scan3A_1042 : i32 to index
        %get3A_1063 = arith.constant 16 : index
        %get3A_1064 = tpu.vector_load %arg9[%get3A_1061, %get3A_1062, %get3A_1063] {strides = array<i32>} : memref<5x80x64xf32, #tpu.memory_space<vmem>>, vector<16xf32>,
        %get3A_1065 = arith.constant 4 : i32
        %get3A_1066 = arith.index_cast %get3A_1065 : i32 to index
        %get3A_1067 = arith.index_cast %scan3A_1042 : i32 to index
        %get3A_1068 = arith.constant 16 : index
        %get3A_1069 = tpu.vector_load %arg10[%get3A_1066, %get3A_1067, %get3A_1068] {strides = array<i32>} : memref<5x80x64xf32, #tpu.memory_space<vmem>>, vector<16xf32>,
        %add3A_1070 = arith.addf %get3A_1064, %get3A_1069 : vector<16xf32>
        %max3A_1071 = arith.constant 0.000000e+00 : f32
        %max3A_1072 = vector.broadcast %max3A_1071 : f32 to vector<16xf32>
        %max3A_1073 = arith.maximumf %add3A_1070, %max3A_1072 : vector<16xf32>
        %swap3A_1074 = arith.constant 4 : i32
        %swap3A_1075 = arith.index_cast %swap3A_1074 : i32 to index
        %swap3A_1076 = arith.index_cast %scan3A_1042 : i32 to index
        %swap3A_1077 = arith.constant 16 : index
        %swap3A_1078 = tpu.vector_load %arg11[%swap3A_1075, %swap3A_1076, %swap3A_1077] {strides = array<i32>} : memref<5x80x64xf32, #tpu.memory_space<vmem>>, vector<16xf32>,
        tpu.vector_store %arg11[%swap3A_1075, %swap3A_1076, %swap3A_1077], %max3A_1073 {strides = array<i32>} : memref<5x80x64xf32, #tpu.memory_space<vmem>>, vector<16xf32>,
        %get3A_1079 = arith.constant 4 : i32
        %get3A_1080 = arith.index_cast %get3A_1079 : i32 to index
        %get3A_1081 = arith.index_cast %scan3A_1042 : i32 to index
        %get3A_1082 = arith.constant 32 : index
        %get3A_1083 = tpu.vector_load %arg9[%get3A_1080, %get3A_1081, %get3A_1082] {strides = array<i32>} : memref<5x80x64xf32, #tpu.memory_space<vmem>>, vector<16xf32>,
        %get3A_1084 = arith.constant 4 : i32
        %get3A_1085 = arith.index_cast %get3A_1084 : i32 to index
        %get3A_1086 = arith.index_cast %scan3A_1042 : i32 to index
        %get3A_1087 = arith.constant 32 : index
        %get3A_1088 = tpu.vector_load %arg10[%get3A_1085, %get3A_1086, %get3A_1087] {strides = array<i32>} : memref<5x80x64xf32, #tpu.memory_space<vmem>>, vector<16xf32>,
        %add3A_1089 = arith.addf %get3A_1083, %get3A_1088 : vector<16xf32>
        %max3A_1090 = arith.constant 0.000000e+00 : f32
        %max3A_1091 = vector.broadcast %max3A_1090 : f32 to vector<16xf32>
        %max3A_1092 = arith.maximumf %add3A_1089, %max3A_1091 : vector<16xf32>
        %swap3A_1093 = arith.constant 4 : i32
        %swap3A_1094 = arith.index_cast %swap3A_1093 : i32 to index
        %swap3A_1095 = arith.index_cast %scan3A_1042 : i32 to index
        %swap3A_1096 = arith.constant 32 : index
        %swap3A_1097 = tpu.vector_load %arg11[%swap3A_1094, %swap3A_1095, %swap3A_1096] {strides = array<i32>} : memref<5x80x64xf32, #tpu.memory_space<vmem>>, vector<16xf32>,
        tpu.vector_store %arg11[%swap3A_1094, %swap3A_1095, %swap3A_1096], %max3A_1092 {strides = array<i32>} : memref<5x80x64xf32, #tpu.memory_space<vmem>>, vector<16xf32>,
        %get3A_1098 = arith.constant 4 : i32
        %get3A_1099 = arith.index_cast %get3A_1098 : i32 to index
        %get3A_1100 = arith.index_cast %scan3A_1042 : i32 to index
        %get3A_1101 = arith.constant 48 : index
        %get3A_1102 = tpu.vector_load %arg9[%get3A_1099, %get3A_1100, %get3A_1101] {strides = array<i32>} : memref<5x80x64xf32, #tpu.memory_space<vmem>>, vector<16xf32>,
        %get3A_1103 = arith.constant 4 : i32
        %get3A_1104 = arith.index_cast %get3A_1103 : i32 to index
        %get3A_1105 = arith.index_cast %scan3A_1042 : i32 to index
        %get3A_1106 = arith.constant 48 : index
        %get3A_1107 = tpu.vector_load %arg10[%get3A_1104, %get3A_1105, %get3A_1106] {strides = array<i32>} : memref<5x80x64xf32, #tpu.memory_space<vmem>>, vector<16xf32>,
        %add3A_1108 = arith.addf %get3A_1102, %get3A_1107 : vector<16xf32>
        %max3A_1109 = arith.constant 0.000000e+00 : f32
        %max3A_1110 = vector.broadcast %max3A_1109 : f32 to vector<16xf32>
        %max3A_1111 = arith.maximumf %add3A_1108, %max3A_1110 : vector<16xf32>
        %swap3A_1112 = arith.constant 4 : i32
        %swap3A_1113 = arith.index_cast %swap3A_1112 : i32 to index
        %swap3A_1114 = arith.index_cast %scan3A_1042 : i32 to index
        %swap3A_1115 = arith.constant 48 : index
        %swap3A_1116 = tpu.vector_load %arg11[%swap3A_1113, %swap3A_1114, %swap3A_1115] {strides = array<i32>} : memref<5x80x64xf32, #tpu.memory_space<vmem>>, vector<16xf32>,
        tpu.vector_store %arg11[%swap3A_1113, %swap3A_1114, %swap3A_1115], %max3A_1111 {strides = array<i32>} : memref<5x80x64xf32, #tpu.memory_space<vmem>>, vector<16xf32>,
        %scan3A_1117 = arith.constant 0 : i32
        scf.yield %scan3A_1117 : i32
      }
      %scan3A_1025 = arith.constant 80 : i32
      %dma_start3A_1026 = arith.constant 4 : i32
      %dma_start3A_1027 = arith.constant 4 : i32
      %dma_start3A_1028 = arith.constant 4 : i32
      %dma_start3A_1029 = arith.constant 0 : i32
      %dma_start3A_1030 = arith.constant 0 : i32
      %dma_start3A_1031 = tpu.memref_slice %arg11[%dma_start3A_1026, %dma_start3A_1029, %dma_start3A_1030] : memref<5x80x64xf32, #tpu.memory_space<vmem>> -> memref<1x80x64xf32, #tpu.memory_space<vmem>>
      %dma_start3A_1032 = tpu.memref_squeeze %dma_start3A_1031 : memref<1x80x64xf32, #tpu.memory_space<vmem>> -> memref<80x64xf32, #tpu.memory_space<vmem>>
      %dma_start3A_1033 = arith.constant 0 : i32
      %dma_start3A_1034 = tpu.memref_slice %arg7[%dma_start3A_1027, %dma_start3A_1033] : memref<5x80xi32, #tpu.memory_space<vmem>> -> memref<1x80xi32, #tpu.memory_space<vmem>>
      %dma_start3A_1035 = tpu.memref_squeeze %dma_start3A_1034 : memref<1x80xi32, #tpu.memory_space<vmem>> -> memref<80xi32, #tpu.memory_space<vmem>>
      %dma_start3A_1036 = arith.constant 0 : i32
      %dma_start3A_1037 = arith.constant 0 : i32
      %dma_start3A_1038 = tpu.memref_slice %arg12[%dma_start3A_1036, %dma_start3A_1037] : memref<10000x64xf32, #tpu.memory_space<vmem_shared>> -> memref<10000x64xf32, #tpu.memory_space<vmem_shared>>
      %dma_start3A_1039 = tpu.memref_slice %arg16[%dma_start3A_1028] : memref<5x!tpu.dma_semaphore, #tpu.memory_space<semaphore_mem>> -> memref<1x!tpu.dma_semaphore, #tpu.memory_space<semaphore_mem>>
      %dma_start3A_1040 = tpu.memref_squeeze %dma_start3A_1039 : memref<1x!tpu.dma_semaphore, #tpu.memory_space<semaphore_mem>> -> memref<!tpu.dma_semaphore, #tpu.memory_space<semaphore_mem>>
      tpu.enqueue_indirect_dma source(%dma_start3A_1032 : memref<80x64xf32, #tpu.memory_space<vmem>>) target(%dma_start3A_1038 : memref<10000x64xf32, #tpu.memory_space<vmem_shared>>) offsets(%dma_start3A_1035 : memref<80xi32, #tpu.memory_space<vmem>>) semaphore(%dma_start3A_1040 : memref<!tpu.dma_semaphore, #tpu.memory_space<semaphore_mem>>) {add = true}
      %scan3A_1041 = arith.constant 0 : i32
      scf.yield %scan3A_1041 : i32
    }
    %scan3A_65 = arith.constant 50 : i32
    %dma_wait3A = arith.constant 0 : i32
    %dma_wait3A_66 = arith.constant 0 : i32
    %dma_wait3A_67 = arith.constant 0 : i32
    %dma_wait3A_68 = arith.constant 0 : i32
    %dma_wait3A_69 = arith.constant 0 : i32
    %dma_wait3A_70 = tpu.memref_slice %arg11[%dma_wait3A, %dma_wait3A_68, %dma_wait3A_69] : memref<5x80x64xf32, #tpu.memory_space<vmem>> -> memref<1x80x64xf32, #tpu.memory_space<vmem>>
    %dma_wait3A_71 = tpu.memref_squeeze %dma_wait3A_70 : memref<1x80x64xf32, #tpu.memory_space<vmem>> -> memref<80x64xf32, #tpu.memory_space<vmem>>
    %dma_wait3A_72 = arith.constant 0 : i32
    %dma_wait3A_73 = tpu.memref_slice %arg7[%dma_wait3A_66, %dma_wait3A_72] : memref<5x80xi32, #tpu.memory_space<vmem>> -> memref<1x80xi32, #tpu.memory_space<vmem>>
    %dma_wait3A_74 = tpu.memref_squeeze %dma_wait3A_73 : memref<1x80xi32, #tpu.memory_space<vmem>> -> memref<80xi32, #tpu.memory_space<vmem>>
    %dma_wait3A_75 = arith.constant 0 : i32
    %dma_wait3A_76 = arith.constant 0 : i32
    %dma_wait3A_77 = tpu.memref_slice %arg12[%dma_wait3A_75, %dma_wait3A_76] : memref<10000x64xf32, #tpu.memory_space<vmem_shared>> -> memref<10000x64xf32, #tpu.memory_space<vmem_shared>>
    %dma_wait3A_78 = tpu.memref_slice %arg16[%dma_wait3A_67] : memref<5x!tpu.dma_semaphore, #tpu.memory_space<semaphore_mem>> -> memref<1x!tpu.dma_semaphore, #tpu.memory_space<semaphore_mem>>
    %dma_wait3A_79 = tpu.memref_squeeze %dma_wait3A_78 : memref<1x!tpu.dma_semaphore, #tpu.memory_space<semaphore_mem>> -> memref<!tpu.dma_semaphore, #tpu.memory_space<semaphore_mem>>
    tpu.wait_indirect_dma semaphore(%dma_wait3A_79 : memref<!tpu.dma_semaphore, #tpu.memory_space<semaphore_mem>>) src(%dma_wait3A_71 : memref<80x64xf32, #tpu.memory_space<vmem>>) dst(%dma_wait3A_77 : memref<10000x64xf32, #tpu.memory_space<vmem_shared>>)
    %dma_wait3A_80 = arith.constant 1 : i32
    %dma_wait3A_81 = arith.constant 1 : i32
    %dma_wait3A_82 = arith.constant 1 : i32
    %dma_wait3A_83 = arith.constant 0 : i32
    %dma_wait3A_84 = arith.constant 0 : i32
    %dma_wait3A_85 = tpu.memref_slice %arg11[%dma_wait3A_80, %dma_wait3A_83, %dma_wait3A_84] : memref<5x80x64xf32, #tpu.memory_space<vmem>> -> memref<1x80x64xf32, #tpu.memory_space<vmem>>
    %dma_wait3A_86 = tpu.memref_squeeze %dma_wait3A_85 : memref<1x80x64xf32, #tpu.memory_space<vmem>> -> memref<80x64xf32, #tpu.memory_space<vmem>>
    %dma_wait3A_87 = arith.constant 0 : i32
    %dma_wait3A_88 = tpu.memref_slice %arg7[%dma_wait3A_81, %dma_wait3A_87] : memref<5x80xi32, #tpu.memory_space<vmem>> -> memref<1x80xi32, #tpu.memory_space<vmem>>
    %dma_wait3A_89 = tpu.memref_squeeze %dma_wait3A_88 : memref<1x80xi32, #tpu.memory_space<vmem>> -> memref<80xi32, #tpu.memory_space<vmem>>
    %dma_wait3A_90 = arith.constant 0 : i32
    %dma_wait3A_91 = arith.constant 0 : i32
    %dma_wait3A_92 = tpu.memref_slice %arg12[%dma_wait3A_90, %dma_wait3A_91] : memref<10000x64xf32, #tpu.memory_space<vmem_shared>> -> memref<10000x64xf32, #tpu.memory_space<vmem_shared>>
    %dma_wait3A_93 = tpu.memref_slice %arg16[%dma_wait3A_82] : memref<5x!tpu.dma_semaphore, #tpu.memory_space<semaphore_mem>> -> memref<1x!tpu.dma_semaphore, #tpu.memory_space<semaphore_mem>>
    %dma_wait3A_94 = tpu.memref_squeeze %dma_wait3A_93 : memref<1x!tpu.dma_semaphore, #tpu.memory_space<semaphore_mem>> -> memref<!tpu.dma_semaphore, #tpu.memory_space<semaphore_mem>>
    tpu.wait_indirect_dma semaphore(%dma_wait3A_94 : memref<!tpu.dma_semaphore, #tpu.memory_space<semaphore_mem>>) src(%dma_wait3A_86 : memref<80x64xf32, #tpu.memory_space<vmem>>) dst(%dma_wait3A_92 : memref<10000x64xf32, #tpu.memory_space<vmem_shared>>)
    %dma_wait3A_95 = arith.constant 2 : i32
    %dma_wait3A_96 = arith.constant 2 : i32
    %dma_wait3A_97 = arith.constant 2 : i32
    %dma_wait3A_98 = arith.constant 0 : i32
    %dma_wait3A_99 = arith.constant 0 : i32
    %dma_wait3A_100 = tpu.memref_slice %arg11[%dma_wait3A_95, %dma_wait3A_98, %dma_wait3A_99] : memref<5x80x64xf32, #tpu.memory_space<vmem>> -> memref<1x80x64xf32, #tpu.memory_space<vmem>>
    %dma_wait3A_101 = tpu.memref_squeeze %dma_wait3A_100 : memref<1x80x64xf32, #tpu.memory_space<vmem>> -> memref<80x64xf32, #tpu.memory_space<vmem>>
    %dma_wait3A_102 = arith.constant 0 : i32
    %dma_wait3A_103 = tpu.memref_slice %arg7[%dma_wait3A_96, %dma_wait3A_102] : memref<5x80xi32, #tpu.memory_space<vmem>> -> memref<1x80xi32, #tpu.memory_space<vmem>>
    %dma_wait3A_104 = tpu.memref_squeeze %dma_wait3A_103 : memref<1x80xi32, #tpu.memory_space<vmem>> -> memref<80xi32, #tpu.memory_space<vmem>>
    %dma_wait3A_105 = arith.constant 0 : i32
    %dma_wait3A_106 = arith.constant 0 : i32
    %dma_wait3A_107 = tpu.memref_slice %arg12[%dma_wait3A_105, %dma_wait3A_106] : memref<10000x64xf32, #tpu.memory_space<vmem_shared>> -> memref<10000x64xf32, #tpu.memory_space<vmem_shared>>
    %dma_wait3A_108 = tpu.memref_slice %arg16[%dma_wait3A_97] : memref<5x!tpu.dma_semaphore, #tpu.memory_space<semaphore_mem>> -> memref<1x!tpu.dma_semaphore, #tpu.memory_space<semaphore_mem>>
    %dma_wait3A_109 = tpu.memref_squeeze %dma_wait3A_108 : memref<1x!tpu.dma_semaphore, #tpu.memory_space<semaphore_mem>> -> memref<!tpu.dma_semaphore, #tpu.memory_space<semaphore_mem>>
    tpu.wait_indirect_dma semaphore(%dma_wait3A_109 : memref<!tpu.dma_semaphore, #tpu.memory_space<semaphore_mem>>) src(%dma_wait3A_101 : memref<80x64xf32, #tpu.memory_space<vmem>>) dst(%dma_wait3A_107 : memref<10000x64xf32, #tpu.memory_space<vmem_shared>>)
    %dma_wait3A_110 = arith.constant 3 : i32
    %dma_wait3A_111 = arith.constant 3 : i32
    %dma_wait3A_112 = arith.constant 3 : i32
    %dma_wait3A_113 = arith.constant 0 : i32
    %dma_wait3A_114 = arith.constant 0 : i32
    %dma_wait3A_115 = tpu.memref_slice %arg11[%dma_wait3A_110, %dma_wait3A_113, %dma_wait3A_114] : memref<5x80x64xf32, #tpu.memory_space<vmem>> -> memref<1x80x64xf32, #tpu.memory_space<vmem>>
    %dma_wait3A_116 = tpu.memref_squeeze %dma_wait3A_115 : memref<1x80x64xf32, #tpu.memory_space<vmem>> -> memref<80x64xf32, #tpu.memory_space<vmem>>
    %dma_wait3A_117 = arith.constant 0 : i32
    %dma_wait3A_118 = tpu.memref_slice %arg7[%dma_wait3A_111, %dma_wait3A_117] : memref<5x80xi32, #tpu.memory_space<vmem>> -> memref<1x80xi32, #tpu.memory_space<vmem>>
    %dma_wait3A_119 = tpu.memref_squeeze %dma_wait3A_118 : memref<1x80xi32, #tpu.memory_space<vmem>> -> memref<80xi32, #tpu.memory_space<vmem>>
    %dma_wait3A_120 = arith.constant 0 : i32
    %dma_wait3A_121 = arith.constant 0 : i32
    %dma_wait3A_122 = tpu.memref_slice %arg12[%dma_wait3A_120, %dma_wait3A_121] : memref<10000x64xf32, #tpu.memory_space<vmem_shared>> -> memref<10000x64xf32, #tpu.memory_space<vmem_shared>>
    %dma_wait3A_123 = tpu.memref_slice %arg16[%dma_wait3A_112] : memref<5x!tpu.dma_semaphore, #tpu.memory_space<semaphore_mem>> -> memref<1x!tpu.dma_semaphore, #tpu.memory_space<semaphore_mem>>
    %dma_wait3A_124 = tpu.memref_squeeze %dma_wait3A_123 : memref<1x!tpu.dma_semaphore, #tpu.memory_space<semaphore_mem>> -> memref<!tpu.dma_semaphore, #tpu.memory_space<semaphore_mem>>
    tpu.wait_indirect_dma semaphore(%dma_wait3A_124 : memref<!tpu.dma_semaphore, #tpu.memory_space<semaphore_mem>>) src(%dma_wait3A_116 : memref<80x64xf32, #tpu.memory_space<vmem>>) dst(%dma_wait3A_122 : memref<10000x64xf32, #tpu.memory_space<vmem_shared>>)
    %dma_wait3A_125 = arith.constant 4 : i32
    %dma_wait3A_126 = arith.constant 4 : i32
    %dma_wait3A_127 = arith.constant 4 : i32
    %dma_wait3A_128 = arith.constant 0 : i32
    %dma_wait3A_129 = arith.constant 0 : i32
    %dma_wait3A_130 = tpu.memref_slice %arg11[%dma_wait3A_125, %dma_wait3A_128, %dma_wait3A_129] : memref<5x80x64xf32, #tpu.memory_space<vmem>> -> memref<1x80x64xf32, #tpu.memory_space<vmem>>
    %dma_wait3A_131 = tpu.memref_squeeze %dma_wait3A_130 : memref<1x80x64xf32, #tpu.memory_space<vmem>> -> memref<80x64xf32, #tpu.memory_space<vmem>>
    %dma_wait3A_132 = arith.constant 0 : i32
    %dma_wait3A_133 = tpu.memref_slice %arg7[%dma_wait3A_126, %dma_wait3A_132] : memref<5x80xi32, #tpu.memory_space<vmem>> -> memref<1x80xi32, #tpu.memory_space<vmem>>
    %dma_wait3A_134 = tpu.memref_squeeze %dma_wait3A_133 : memref<1x80xi32, #tpu.memory_space<vmem>> -> memref<80xi32, #tpu.memory_space<vmem>>
    %dma_wait3A_135 = arith.constant 0 : i32
    %dma_wait3A_136 = arith.constant 0 : i32
    %dma_wait3A_137 = tpu.memref_slice %arg12[%dma_wait3A_135, %dma_wait3A_136] : memref<10000x64xf32, #tpu.memory_space<vmem_shared>> -> memref<10000x64xf32, #tpu.memory_space<vmem_shared>>
    %dma_wait3A_138 = tpu.memref_slice %arg16[%dma_wait3A_127] : memref<5x!tpu.dma_semaphore, #tpu.memory_space<semaphore_mem>> -> memref<1x!tpu.dma_semaphore, #tpu.memory_space<semaphore_mem>>
    %dma_wait3A_139 = tpu.memref_squeeze %dma_wait3A_138 : memref<1x!tpu.dma_semaphore, #tpu.memory_space<semaphore_mem>> -> memref<!tpu.dma_semaphore, #tpu.memory_space<semaphore_mem>>
    tpu.wait_indirect_dma semaphore(%dma_wait3A_139 : memref<!tpu.dma_semaphore, #tpu.memory_space<semaphore_mem>>) src(%dma_wait3A_131 : memref<80x64xf32, #tpu.memory_space<vmem>>) dst(%dma_wait3A_137 : memref<10000x64xf32, #tpu.memory_space<vmem_shared>>)
    %barrier3A_140 = arith.constant 0 : index
    tpu.barrier barrier_id(%barrier3A_140)
    %add3A_141 = arith.constant 0 : i32
    %add3A_142 = arith.addi %arg1, %add3A_141 : i32
    %lt3A_143 = arith.constant 125 : i32
    %lt3A_144 = arith.cmpi slt, %add3A_142, %lt3A_143 : i32
    %convert_element_type3A_145 = arith.extui %lt3A_144 : i1 to i32
    %cond3A_146 = arith.constant 0 : i32
    %cond3A_147 = arith.cmpi ne, %convert_element_type3A_145, %cond3A_146 : i32
    scf.if %cond3A_147 {
      %mul3A = arith.constant 80 : i32
      %mul3A_197 = arith.muli %add3A_142, %mul3A : i32
      %mul3A_198 = arith.constant 80 : i32
      %mul3A_199 = arith.muli %add3A_142, %mul3A_198 : i32
      "tpu.region"() ({
        %run_scoped3A = tpu.sem_alloc : memref<!tpu.dma_semaphore, #tpu.memory_space<semaphore_mem>>
        %dma_start3A = arith.constant 0 : i32
        %dma_start3A_200 = tpu.memref_slice %arg6[%arg0, %mul3A_199, %dma_start3A] : memref<2x10000x64xf32, #tpu.memory_space<hbm>> -> memref<1x80x64xf32, #tpu.memory_space<hbm>>
        %dma_start3A_201 = tpu.memref_squeeze %dma_start3A_200 : memref<1x80x64xf32, #tpu.memory_space<hbm>> -> memref<80x64xf32, #tpu.memory_space<hbm>>
        %dma_start3A_202 = arith.constant 0 : i32
        %dma_start3A_203 = tpu.memref_slice %arg12[%mul3A_197, %dma_start3A_202] : memref<10000x64xf32, #tpu.memory_space<vmem_shared>> -> memref<80x64xf32, #tpu.memory_space<vmem_shared>>
        tpu.enqueue_dma source(%dma_start3A_203 : memref<80x64xf32, #tpu.memory_space<vmem_shared>>) target(%dma_start3A_201 : memref<80x64xf32, #tpu.memory_space<hbm>>) target_semaphore(%run_scoped3A : memref<!tpu.dma_semaphore, #tpu.memory_space<semaphore_mem>>)
        %dma_wait3A_204 = arith.constant 0 : i32
        %dma_wait3A_205 = tpu.memref_slice %arg6[%arg0, %mul3A_199, %dma_wait3A_204] : memref<2x10000x64xf32, #tpu.memory_space<hbm>> -> memref<1x80x64xf32, #tpu.memory_space<hbm>>
        %dma_wait3A_206 = tpu.memref_squeeze %dma_wait3A_205 : memref<1x80x64xf32, #tpu.memory_space<hbm>> -> memref<80x64xf32, #tpu.memory_space<hbm>>
        %dma_wait3A_207 = arith.constant 0 : i32
        %dma_wait3A_208 = tpu.memref_slice %arg12[%mul3A_197, %dma_wait3A_207] : memref<10000x64xf32, #tpu.memory_space<vmem_shared>> -> memref<80x64xf32, #tpu.memory_space<vmem_shared>>
        tpu.wait_dma2 semaphore(%run_scoped3A : memref<!tpu.dma_semaphore, #tpu.memory_space<semaphore_mem>>) src(%dma_wait3A_208 : memref<80x64xf32, #tpu.memory_space<vmem_shared>>) dst(%dma_wait3A_206 : memref<80x64xf32, #tpu.memory_space<hbm>>)
        tpu.yield
      }) : () -> ()
    } else {
    }
    %add3A_148 = arith.constant 16 : i32
    %add3A_149 = arith.addi %arg1, %add3A_148 : i32
    %lt3A_150 = arith.constant 125 : i32
    %lt3A_151 = arith.cmpi slt, %add3A_149, %lt3A_150 : i32
    %convert_element_type3A_152 = arith.extui %lt3A_151 : i1 to i32
    %cond3A_153 = arith.constant 0 : i32
    %cond3A_154 = arith.cmpi ne, %convert_element_type3A_152, %cond3A_153 : i32
    scf.if %cond3A_154 {
      %mul3A = arith.constant 80 : i32
      %mul3A_197 = arith.muli %add3A_149, %mul3A : i32
      %mul3A_198 = arith.constant 80 : i32
      %mul3A_199 = arith.muli %add3A_149, %mul3A_198 : i32
      "tpu.region"() ({
        %run_scoped3A = tpu.sem_alloc : memref<!tpu.dma_semaphore, #tpu.memory_space<semaphore_mem>>
        %dma_start3A = arith.constant 0 : i32
        %dma_start3A_200 = tpu.memref_slice %arg6[%arg0, %mul3A_199, %dma_start3A] : memref<2x10000x64xf32, #tpu.memory_space<hbm>> -> memref<1x80x64xf32, #tpu.memory_space<hbm>>
        %dma_start3A_201 = tpu.memref_squeeze %dma_start3A_200 : memref<1x80x64xf32, #tpu.memory_space<hbm>> -> memref<80x64xf32, #tpu.memory_space<hbm>>
        %dma_start3A_202 = arith.constant 0 : i32
        %dma_start3A_203 = tpu.memref_slice %arg12[%mul3A_197, %dma_start3A_202] : memref<10000x64xf32, #tpu.memory_space<vmem_shared>> -> memref<80x64xf32, #tpu.memory_space<vmem_shared>>
        tpu.enqueue_dma source(%dma_start3A_203 : memref<80x64xf32, #tpu.memory_space<vmem_shared>>) target(%dma_start3A_201 : memref<80x64xf32, #tpu.memory_space<hbm>>) target_semaphore(%run_scoped3A : memref<!tpu.dma_semaphore, #tpu.memory_space<semaphore_mem>>)
        %dma_wait3A_204 = arith.constant 0 : i32
        %dma_wait3A_205 = tpu.memref_slice %arg6[%arg0, %mul3A_199, %dma_wait3A_204] : memref<2x10000x64xf32, #tpu.memory_space<hbm>> -> memref<1x80x64xf32, #tpu.memory_space<hbm>>
        %dma_wait3A_206 = tpu.memref_squeeze %dma_wait3A_205 : memref<1x80x64xf32, #tpu.memory_space<hbm>> -> memref<80x64xf32, #tpu.memory_space<hbm>>
        %dma_wait3A_207 = arith.constant 0 : i32
        %dma_wait3A_208 = tpu.memref_slice %arg12[%mul3A_197, %dma_wait3A_207] : memref<10000x64xf32, #tpu.memory_space<vmem_shared>> -> memref<80x64xf32, #tpu.memory_space<vmem_shared>>
        tpu.wait_dma2 semaphore(%run_scoped3A : memref<!tpu.dma_semaphore, #tpu.memory_space<semaphore_mem>>) src(%dma_wait3A_208 : memref<80x64xf32, #tpu.memory_space<vmem_shared>>) dst(%dma_wait3A_206 : memref<80x64xf32, #tpu.memory_space<hbm>>)
        tpu.yield
      }) : () -> ()
    } else {
    }
    %add3A_155 = arith.constant 32 : i32
    %add3A_156 = arith.addi %arg1, %add3A_155 : i32
    %lt3A_157 = arith.constant 125 : i32
    %lt3A_158 = arith.cmpi slt, %add3A_156, %lt3A_157 : i32
    %convert_element_type3A_159 = arith.extui %lt3A_158 : i1 to i32
    %cond3A_160 = arith.constant 0 : i32
    %cond3A_161 = arith.cmpi ne, %convert_element_type3A_159, %cond3A_160 : i32
    scf.if %cond3A_161 {
      %mul3A = arith.constant 80 : i32
      %mul3A_197 = arith.muli %add3A_156, %mul3A : i32
      %mul3A_198 = arith.constant 80 : i32
      %mul3A_199 = arith.muli %add3A_156, %mul3A_198 : i32
      "tpu.region"() ({
        %run_scoped3A = tpu.sem_alloc : memref<!tpu.dma_semaphore, #tpu.memory_space<semaphore_mem>>
        %dma_start3A = arith.constant 0 : i32
        %dma_start3A_200 = tpu.memref_slice %arg6[%arg0, %mul3A_199, %dma_start3A] : memref<2x10000x64xf32, #tpu.memory_space<hbm>> -> memref<1x80x64xf32, #tpu.memory_space<hbm>>
        %dma_start3A_201 = tpu.memref_squeeze %dma_start3A_200 : memref<1x80x64xf32, #tpu.memory_space<hbm>> -> memref<80x64xf32, #tpu.memory_space<hbm>>
        %dma_start3A_202 = arith.constant 0 : i32
        %dma_start3A_203 = tpu.memref_slice %arg12[%mul3A_197, %dma_start3A_202] : memref<10000x64xf32, #tpu.memory_space<vmem_shared>> -> memref<80x64xf32, #tpu.memory_space<vmem_shared>>
        tpu.enqueue_dma source(%dma_start3A_203 : memref<80x64xf32, #tpu.memory_space<vmem_shared>>) target(%dma_start3A_201 : memref<80x64xf32, #tpu.memory_space<hbm>>) target_semaphore(%run_scoped3A : memref<!tpu.dma_semaphore, #tpu.memory_space<semaphore_mem>>)
        %dma_wait3A_204 = arith.constant 0 : i32
        %dma_wait3A_205 = tpu.memref_slice %arg6[%arg0, %mul3A_199, %dma_wait3A_204] : memref<2x10000x64xf32, #tpu.memory_space<hbm>> -> memref<1x80x64xf32, #tpu.memory_space<hbm>>
        %dma_wait3A_206 = tpu.memref_squeeze %dma_wait3A_205 : memref<1x80x64xf32, #tpu.memory_space<hbm>> -> memref<80x64xf32, #tpu.memory_space<hbm>>
        %dma_wait3A_207 = arith.constant 0 : i32
        %dma_wait3A_208 = tpu.memref_slice %arg12[%mul3A_197, %dma_wait3A_207] : memref<10000x64xf32, #tpu.memory_space<vmem_shared>> -> memref<80x64xf32, #tpu.memory_space<vmem_shared>>
        tpu.wait_dma2 semaphore(%run_scoped3A : memref<!tpu.dma_semaphore, #tpu.memory_space<semaphore_mem>>) src(%dma_wait3A_208 : memref<80x64xf32, #tpu.memory_space<vmem_shared>>) dst(%dma_wait3A_206 : memref<80x64xf32, #tpu.memory_space<hbm>>)
        tpu.yield
      }) : () -> ()
    } else {
    }
    %add3A_162 = arith.constant 48 : i32
    %add3A_163 = arith.addi %arg1, %add3A_162 : i32
    %lt3A_164 = arith.constant 125 : i32
    %lt3A_165 = arith.cmpi slt, %add3A_163, %lt3A_164 : i32
    %convert_element_type3A_166 = arith.extui %lt3A_165 : i1 to i32
    %cond3A_167 = arith.constant 0 : i32
    %cond3A_168 = arith.cmpi ne, %convert_element_type3A_166, %cond3A_167 : i32
    scf.if %cond3A_168 {
      %mul3A = arith.constant 80 : i32
      %mul3A_197 = arith.muli %add3A_163, %mul3A : i32
      %mul3A_198 = arith.constant 80 : i32
      %mul3A_199 = arith.muli %add3A_163, %mul3A_198 : i32
      "tpu.region"() ({
        %run_scoped3A = tpu.sem_alloc : memref<!tpu.dma_semaphore, #tpu.memory_space<semaphore_mem>>
        %dma_start3A = arith.constant 0 : i32
        %dma_start3A_200 = tpu.memref_slice %arg6[%arg0, %mul3A_199, %dma_start3A] : memref<2x10000x64xf32, #tpu.memory_space<hbm>> -> memref<1x80x64xf32, #tpu.memory_space<hbm>>
        %dma_start3A_201 = tpu.memref_squeeze %dma_start3A_200 : memref<1x80x64xf32, #tpu.memory_space<hbm>> -> memref<80x64xf32, #tpu.memory_space<hbm>>
        %dma_start3A_202 = arith.constant 0 : i32
        %dma_start3A_203 = tpu.memref_slice %arg12[%mul3A_197, %dma_start3A_202] : memref<10000x64xf32, #tpu.memory_space<vmem_shared>> -> memref<80x64xf32, #tpu.memory_space<vmem_shared>>
        tpu.enqueue_dma source(%dma_start3A_203 : memref<80x64xf32, #tpu.memory_space<vmem_shared>>) target(%dma_start3A_201 : memref<80x64xf32, #tpu.memory_space<hbm>>) target_semaphore(%run_scoped3A : memref<!tpu.dma_semaphore, #tpu.memory_space<semaphore_mem>>)
        %dma_wait3A_204 = arith.constant 0 : i32
        %dma_wait3A_205 = tpu.memref_slice %arg6[%arg0, %mul3A_199, %dma_wait3A_204] : memref<2x10000x64xf32, #tpu.memory_space<hbm>> -> memref<1x80x64xf32, #tpu.memory_space<hbm>>
        %dma_wait3A_206 = tpu.memref_squeeze %dma_wait3A_205 : memref<1x80x64xf32, #tpu.memory_space<hbm>> -> memref<80x64xf32, #tpu.memory_space<hbm>>
        %dma_wait3A_207 = arith.constant 0 : i32
        %dma_wait3A_208 = tpu.memref_slice %arg12[%mul3A_197, %dma_wait3A_207] : memref<10000x64xf32, #tpu.memory_space<vmem_shared>> -> memref<80x64xf32, #tpu.memory_space<vmem_shared>>
        tpu.wait_dma2 semaphore(%run_scoped3A : memref<!tpu.dma_semaphore, #tpu.memory_space<semaphore_mem>>) src(%dma_wait3A_208 : memref<80x64xf32, #tpu.memory_space<vmem_shared>>) dst(%dma_wait3A_206 : memref<80x64xf32, #tpu.memory_space<hbm>>)
        tpu.yield
      }) : () -> ()
    } else {
    }
    %add3A_169 = arith.constant 64 : i32
    %add3A_170 = arith.addi %arg1, %add3A_169 : i32
    %lt3A_171 = arith.constant 125 : i32
    %lt3A_172 = arith.cmpi slt, %add3A_170, %lt3A_171 : i32
    %convert_element_type3A_173 = arith.extui %lt3A_172 : i1 to i32
    %cond3A_174 = arith.constant 0 : i32
    %cond3A_175 = arith.cmpi ne, %convert_element_type3A_173, %cond3A_174 : i32
    scf.if %cond3A_175 {
      %mul3A = arith.constant 80 : i32
      %mul3A_197 = arith.muli %add3A_170, %mul3A : i32
      %mul3A_198 = arith.constant 80 : i32
      %mul3A_199 = arith.muli %add3A_170, %mul3A_198 : i32
      "tpu.region"() ({
        %run_scoped3A = tpu.sem_alloc : memref<!tpu.dma_semaphore, #tpu.memory_space<semaphore_mem>>
        %dma_start3A = arith.constant 0 : i32
        %dma_start3A_200 = tpu.memref_slice %arg6[%arg0, %mul3A_199, %dma_start3A] : memref<2x10000x64xf32, #tpu.memory_space<hbm>> -> memref<1x80x64xf32, #tpu.memory_space<hbm>>
        %dma_start3A_201 = tpu.memref_squeeze %dma_start3A_200 : memref<1x80x64xf32, #tpu.memory_space<hbm>> -> memref<80x64xf32, #tpu.memory_space<hbm>>
        %dma_start3A_202 = arith.constant 0 : i32
        %dma_start3A_203 = tpu.memref_slice %arg12[%mul3A_197, %dma_start3A_202] : memref<10000x64xf32, #tpu.memory_space<vmem_shared>> -> memref<80x64xf32, #tpu.memory_space<vmem_shared>>
        tpu.enqueue_dma source(%dma_start3A_203 : memref<80x64xf32, #tpu.memory_space<vmem_shared>>) target(%dma_start3A_201 : memref<80x64xf32, #tpu.memory_space<hbm>>) target_semaphore(%run_scoped3A : memref<!tpu.dma_semaphore, #tpu.memory_space<semaphore_mem>>)
        %dma_wait3A_204 = arith.constant 0 : i32
        %dma_wait3A_205 = tpu.memref_slice %arg6[%arg0, %mul3A_199, %dma_wait3A_204] : memref<2x10000x64xf32, #tpu.memory_space<hbm>> -> memref<1x80x64xf32, #tpu.memory_space<hbm>>
        %dma_wait3A_206 = tpu.memref_squeeze %dma_wait3A_205 : memref<1x80x64xf32, #tpu.memory_space<hbm>> -> memref<80x64xf32, #tpu.memory_space<hbm>>
        %dma_wait3A_207 = arith.constant 0 : i32
        %dma_wait3A_208 = tpu.memref_slice %arg12[%mul3A_197, %dma_wait3A_207] : memref<10000x64xf32, #tpu.memory_space<vmem_shared>> -> memref<80x64xf32, #tpu.memory_space<vmem_shared>>
        tpu.wait_dma2 semaphore(%run_scoped3A : memref<!tpu.dma_semaphore, #tpu.memory_space<semaphore_mem>>) src(%dma_wait3A_208 : memref<80x64xf32, #tpu.memory_space<vmem_shared>>) dst(%dma_wait3A_206 : memref<80x64xf32, #tpu.memory_space<hbm>>)
        tpu.yield
      }) : () -> ()
    } else {
    }
    %add3A_176 = arith.constant 80 : i32
    %add3A_177 = arith.addi %arg1, %add3A_176 : i32
    %lt3A_178 = arith.constant 125 : i32
    %lt3A_179 = arith.cmpi slt, %add3A_177, %lt3A_178 : i32
    %convert_element_type3A_180 = arith.extui %lt3A_179 : i1 to i32
    %cond3A_181 = arith.constant 0 : i32
    %cond3A_182 = arith.cmpi ne, %convert_element_type3A_180, %cond3A_181 : i32
    scf.if %cond3A_182 {
      %mul3A = arith.constant 80 : i32
      %mul3A_197 = arith.muli %add3A_177, %mul3A : i32
      %mul3A_198 = arith.constant 80 : i32
      %mul3A_199 = arith.muli %add3A_177, %mul3A_198 : i32
      "tpu.region"() ({
        %run_scoped3A = tpu.sem_alloc : memref<!tpu.dma_semaphore, #tpu.memory_space<semaphore_mem>>
        %dma_start3A = arith.constant 0 : i32
        %dma_start3A_200 = tpu.memref_slice %arg6[%arg0, %mul3A_199, %dma_start3A] : memref<2x10000x64xf32, #tpu.memory_space<hbm>> -> memref<1x80x64xf32, #tpu.memory_space<hbm>>
        %dma_start3A_201 = tpu.memref_squeeze %dma_start3A_200 : memref<1x80x64xf32, #tpu.memory_space<hbm>> -> memref<80x64xf32, #tpu.memory_space<hbm>>
        %dma_start3A_202 = arith.constant 0 : i32
        %dma_start3A_203 = tpu.memref_slice %arg12[%mul3A_197, %dma_start3A_202] : memref<10000x64xf32, #tpu.memory_space<vmem_shared>> -> memref<80x64xf32, #tpu.memory_space<vmem_shared>>
        tpu.enqueue_dma source(%dma_start3A_203 : memref<80x64xf32, #tpu.memory_space<vmem_shared>>) target(%dma_start3A_201 : memref<80x64xf32, #tpu.memory_space<hbm>>) target_semaphore(%run_scoped3A : memref<!tpu.dma_semaphore, #tpu.memory_space<semaphore_mem>>)
        %dma_wait3A_204 = arith.constant 0 : i32
        %dma_wait3A_205 = tpu.memref_slice %arg6[%arg0, %mul3A_199, %dma_wait3A_204] : memref<2x10000x64xf32, #tpu.memory_space<hbm>> -> memref<1x80x64xf32, #tpu.memory_space<hbm>>
        %dma_wait3A_206 = tpu.memref_squeeze %dma_wait3A_205 : memref<1x80x64xf32, #tpu.memory_space<hbm>> -> memref<80x64xf32, #tpu.memory_space<hbm>>
        %dma_wait3A_207 = arith.constant 0 : i32
        %dma_wait3A_208 = tpu.memref_slice %arg12[%mul3A_197, %dma_wait3A_207] : memref<10000x64xf32, #tpu.memory_space<vmem_shared>> -> memref<80x64xf32, #tpu.memory_space<vmem_shared>>
        tpu.wait_dma2 semaphore(%run_scoped3A : memref<!tpu.dma_semaphore, #tpu.memory_space<semaphore_mem>>) src(%dma_wait3A_208 : memref<80x64xf32, #tpu.memory_space<vmem_shared>>) dst(%dma_wait3A_206 : memref<80x64xf32, #tpu.memory_space<hbm>>)
        tpu.yield
      }) : () -> ()
    } else {
    }
    %add3A_183 = arith.constant 96 : i32
    %add3A_184 = arith.addi %arg1, %add3A_183 : i32
    %lt3A_185 = arith.constant 125 : i32
    %lt3A_186 = arith.cmpi slt, %add3A_184, %lt3A_185 : i32
    %convert_element_type3A_187 = arith.extui %lt3A_186 : i1 to i32
    %cond3A_188 = arith.constant 0 : i32
    %cond3A_189 = arith.cmpi ne, %convert_element_type3A_187, %cond3A_188 : i32
    scf.if %cond3A_189 {
      %mul3A = arith.constant 80 : i32
      %mul3A_197 = arith.muli %add3A_184, %mul3A : i32
      %mul3A_198 = arith.constant 80 : i32
      %mul3A_199 = arith.muli %add3A_184, %mul3A_198 : i32
      "tpu.region"() ({
        %run_scoped3A = tpu.sem_alloc : memref<!tpu.dma_semaphore, #tpu.memory_space<semaphore_mem>>
        %dma_start3A = arith.constant 0 : i32
        %dma_start3A_200 = tpu.memref_slice %arg6[%arg0, %mul3A_199, %dma_start3A] : memref<2x10000x64xf32, #tpu.memory_space<hbm>> -> memref<1x80x64xf32, #tpu.memory_space<hbm>>
        %dma_start3A_201 = tpu.memref_squeeze %dma_start3A_200 : memref<1x80x64xf32, #tpu.memory_space<hbm>> -> memref<80x64xf32, #tpu.memory_space<hbm>>
        %dma_start3A_202 = arith.constant 0 : i32
        %dma_start3A_203 = tpu.memref_slice %arg12[%mul3A_197, %dma_start3A_202] : memref<10000x64xf32, #tpu.memory_space<vmem_shared>> -> memref<80x64xf32, #tpu.memory_space<vmem_shared>>
        tpu.enqueue_dma source(%dma_start3A_203 : memref<80x64xf32, #tpu.memory_space<vmem_shared>>) target(%dma_start3A_201 : memref<80x64xf32, #tpu.memory_space<hbm>>) target_semaphore(%run_scoped3A : memref<!tpu.dma_semaphore, #tpu.memory_space<semaphore_mem>>)
        %dma_wait3A_204 = arith.constant 0 : i32
        %dma_wait3A_205 = tpu.memref_slice %arg6[%arg0, %mul3A_199, %dma_wait3A_204] : memref<2x10000x64xf32, #tpu.memory_space<hbm>> -> memref<1x80x64xf32, #tpu.memory_space<hbm>>
        %dma_wait3A_206 = tpu.memref_squeeze %dma_wait3A_205 : memref<1x80x64xf32, #tpu.memory_space<hbm>> -> memref<80x64xf32, #tpu.memory_space<hbm>>
        %dma_wait3A_207 = arith.constant 0 : i32
        %dma_wait3A_208 = tpu.memref_slice %arg12[%mul3A_197, %dma_wait3A_207] : memref<10000x64xf32, #tpu.memory_space<vmem_shared>> -> memref<80x64xf32, #tpu.memory_space<vmem_shared>>
        tpu.wait_dma2 semaphore(%run_scoped3A : memref<!tpu.dma_semaphore, #tpu.memory_space<semaphore_mem>>) src(%dma_wait3A_208 : memref<80x64xf32, #tpu.memory_space<vmem_shared>>) dst(%dma_wait3A_206 : memref<80x64xf32, #tpu.memory_space<hbm>>)
        tpu.yield
      }) : () -> ()
    } else {
    }
    %add3A_190 = arith.constant 112 : i32
    %add3A_191 = arith.addi %arg1, %add3A_190 : i32
    %lt3A_192 = arith.constant 125 : i32
    %lt3A_193 = arith.cmpi slt, %add3A_191, %lt3A_192 : i32
    %convert_element_type3A_194 = arith.extui %lt3A_193 : i1 to i32
    %cond3A_195 = arith.constant 0 : i32
    %cond3A_196 = arith.cmpi ne, %convert_element_type3A_194, %cond3A_195 : i32
    scf.if %cond3A_196 {
      %mul3A = arith.constant 80 : i32
      %mul3A_197 = arith.muli %add3A_191, %mul3A : i32
      %mul3A_198 = arith.constant 80 : i32
      %mul3A_199 = arith.muli %add3A_191, %mul3A_198 : i32
      "tpu.region"() ({
        %run_scoped3A = tpu.sem_alloc : memref<!tpu.dma_semaphore, #tpu.memory_space<semaphore_mem>>
        %dma_start3A = arith.constant 0 : i32
        %dma_start3A_200 = tpu.memref_slice %arg6[%arg0, %mul3A_199, %dma_start3A] : memref<2x10000x64xf32, #tpu.memory_space<hbm>> -> memref<1x80x64xf32, #tpu.memory_space<hbm>>
        %dma_start3A_201 = tpu.memref_squeeze %dma_start3A_200 : memref<1x80x64xf32, #tpu.memory_space<hbm>> -> memref<80x64xf32, #tpu.memory_space<hbm>>
        %dma_start3A_202 = arith.constant 0 : i32
        %dma_start3A_203 = tpu.memref_slice %arg12[%mul3A_197, %dma_start3A_202] : memref<10000x64xf32, #tpu.memory_space<vmem_shared>> -> memref<80x64xf32, #tpu.memory_space<vmem_shared>>
        tpu.enqueue_dma source(%dma_start3A_203 : memref<80x64xf32, #tpu.memory_space<vmem_shared>>) target(%dma_start3A_201 : memref<80x64xf32, #tpu.memory_space<hbm>>) target_semaphore(%run_scoped3A : memref<!tpu.dma_semaphore, #tpu.memory_space<semaphore_mem>>)
        %dma_wait3A_204 = arith.constant 0 : i32
        %dma_wait3A_205 = tpu.memref_slice %arg6[%arg0, %mul3A_199, %dma_wait3A_204] : memref<2x10000x64xf32, #tpu.memory_space<hbm>> -> memref<1x80x64xf32, #tpu.memory_space<hbm>>
        %dma_wait3A_206 = tpu.memref_squeeze %dma_wait3A_205 : memref<1x80x64xf32, #tpu.memory_space<hbm>> -> memref<80x64xf32, #tpu.memory_space<hbm>>
        %dma_wait3A_207 = arith.constant 0 : i32
        %dma_wait3A_208 = tpu.memref_slice %arg12[%mul3A_197, %dma_wait3A_207] : memref<10000x64xf32, #tpu.memory_space<vmem_shared>> -> memref<80x64xf32, #tpu.memory_space<vmem_shared>>
        tpu.wait_dma2 semaphore(%run_scoped3A : memref<!tpu.dma_semaphore, #tpu.memory_space<semaphore_mem>>) src(%dma_wait3A_208 : memref<80x64xf32, #tpu.memory_space<vmem_shared>>) dst(%dma_wait3A_206 : memref<80x64xf32, #tpu.memory_space<hbm>>)
        tpu.yield
      }) : () -> ()
    } else {
    }
    return
  }
}

module attributes {stable_mosaic.version = 14 : i64} {
  func.func @_mm3_body(%arg0: i32, %arg1: memref<1000x128xf32, #tpu.memory_space<vmem>>, %arg2: memref<128x128xf32, #tpu.memory_space<vmem>>, %arg3: memref<1x128xf32, #tpu.memory_space<vmem>>, %arg4: memref<128x128xf32, #tpu.memory_space<vmem>>, %arg5: memref<1x128xf32, #tpu.memory_space<vmem>>, %arg6: memref<128x128xf32, #tpu.memory_space<vmem>>, %arg7: memref<1x128xf32, #tpu.memory_space<vmem>>, %arg8: memref<2x1000x64xf32, #tpu.memory_space<vmem>>, %arg9: memref<2x1000x64xf32, #tpu.memory_space<vmem>>, %arg10: memref<1000x128xf32, #tpu.memory_space<vmem>>) attributes {dimension_semantics = [#tpu.dimension_semantics<arbitrary>], iteration_bounds = array<i64: 10>, scalar_prefetch = 0 : i64, scratch_operands = 0 : i64, tpu.core_type = #tpu.core_type<tc>, window_params = [{transform_indices = @transform_0, window_bounds = array<i64: 1000, 128>}, {pipeline_mode = #tpu.pipeline_mode<synchronous>, transform_indices = @transform_1, window_bounds = array<i64: 128, 128>}, {pipeline_mode = #tpu.pipeline_mode<synchronous>, transform_indices = @transform_2, window_bounds = array<i64: 1, 128>}, {pipeline_mode = #tpu.pipeline_mode<synchronous>, transform_indices = @transform_3, window_bounds = array<i64: 128, 128>}, {pipeline_mode = #tpu.pipeline_mode<synchronous>, transform_indices = @transform_4, window_bounds = array<i64: 1, 128>}, {pipeline_mode = #tpu.pipeline_mode<synchronous>, transform_indices = @transform_5, window_bounds = array<i64: 128, 128>}, {pipeline_mode = #tpu.pipeline_mode<synchronous>, transform_indices = @transform_6, window_bounds = array<i64: 1, 128>}, {transform_indices = @transform_7, window_bounds = array<i64: 2, 1000, 64>}, {transform_indices = @transform_8, window_bounds = array<i64: 2, 1000, 64>}, {transform_indices = @transform_9, window_bounds = array<i64: 1000, 128>}]} {
    %get3A = arith.constant 0 : index
    %get3A_0 = arith.constant 0 : index
    %get3A_1 = vector.load %arg1[%get3A, %get3A_0] : memref<1000x128xf32, #tpu.memory_space<vmem>>, vector<1000x128xf32>
    %get3A_2 = arith.constant 0 : index
    %get3A_3 = arith.constant 0 : index
    %get3A_4 = vector.load %arg2[%get3A_2, %get3A_3] : memref<128x128xf32, #tpu.memory_space<vmem>>, vector<128x128xf32>
    %dot_general3A = arith.constant dense<0.000000e+00> : vector<1000x128xf32>
    %dot_general3A_5 = tpu.matmul %get3A_1, %get3A_4, %dot_general3A {dimension_numbers = #tpu.dot_dimension_numbers<[1], [0], [0], [1], [0, 0, 1, 1], [], []>, transpose_lhs_hint = false} : vector<1000x128xf32>, vector<128x128xf32>, vector<1000x128xf32> -> vector<1000x128xf32>
    %get3A_6 = arith.constant 0 : index
    %get3A_7 = arith.constant 0 : index
    %get3A_8 = vector.load %arg3[%get3A_6, %get3A_7] : memref<1x128xf32, #tpu.memory_space<vmem>>, vector<1x128xf32>
    %add3A = vector.broadcast %get3A_8 : vector<1x128xf32> to vector<1000x128xf32>
    %add3A_9 = arith.addf %dot_general3A_5, %add3A : vector<1000x128xf32>
    %get3A_10 = arith.constant 0 : index
    %get3A_11 = arith.constant 0 : index
    %get3A_12 = vector.load %arg4[%get3A_10, %get3A_11] : memref<128x128xf32, #tpu.memory_space<vmem>>, vector<128x128xf32>
    %dot_general3A_13 = arith.constant dense<0.000000e+00> : vector<1000x128xf32>
    %dot_general3A_14 = tpu.matmul %get3A_1, %get3A_12, %dot_general3A_13 {dimension_numbers = #tpu.dot_dimension_numbers<[1], [0], [0], [1], [0, 0, 1, 1], [], []>, transpose_lhs_hint = false} : vector<1000x128xf32>, vector<128x128xf32>, vector<1000x128xf32> -> vector<1000x128xf32>
    %get3A_15 = arith.constant 0 : index
    %get3A_16 = arith.constant 0 : index
    %get3A_17 = vector.load %arg5[%get3A_15, %get3A_16] : memref<1x128xf32, #tpu.memory_space<vmem>>, vector<1x128xf32>
    %add3A_18 = vector.broadcast %get3A_17 : vector<1x128xf32> to vector<1000x128xf32>
    %add3A_19 = arith.addf %dot_general3A_14, %add3A_18 : vector<1000x128xf32>
    %slice3A = vector.extract_strided_slice %add3A_9 {offsets = [0, 0], sizes = [1000, 64], strides = [1, 1]} : vector<1000x128xf32> to vector<1000x64xf32>
    %swap3A = arith.constant 0 : index
    %swap3A_20 = arith.constant 0 : index
    %swap3A_21 = arith.constant 0 : index
    %swap3A_22 = vector.load %arg8[%swap3A, %swap3A_20, %swap3A_21] : memref<2x1000x64xf32, #tpu.memory_space<vmem>>, vector<1x1000x64xf32>
    %swap3A_23 = vector.shape_cast %swap3A_22 : vector<1x1000x64xf32> to vector<1000x64xf32>
    %swap3A_24 = vector.shape_cast %slice3A : vector<1000x64xf32> to vector<1x1000x64xf32>
    tpu.vector_store %arg8[%swap3A, %swap3A_20, %swap3A_21], %swap3A_24 {strides = array<i32>} : memref<2x1000x64xf32, #tpu.memory_space<vmem>>, vector<1x1000x64xf32>,
    %slice3A_25 = vector.extract_strided_slice %add3A_9 {offsets = [0, 64], sizes = [1000, 64], strides = [1, 1]} : vector<1000x128xf32> to vector<1000x64xf32>
    %swap3A_26 = arith.constant 1 : index
    %swap3A_27 = arith.constant 0 : index
    %swap3A_28 = arith.constant 0 : index
    %swap3A_29 = vector.load %arg8[%swap3A_26, %swap3A_27, %swap3A_28] : memref<2x1000x64xf32, #tpu.memory_space<vmem>>, vector<1x1000x64xf32>
    %swap3A_30 = vector.shape_cast %swap3A_29 : vector<1x1000x64xf32> to vector<1000x64xf32>
    %swap3A_31 = vector.shape_cast %slice3A_25 : vector<1000x64xf32> to vector<1x1000x64xf32>
    tpu.vector_store %arg8[%swap3A_26, %swap3A_27, %swap3A_28], %swap3A_31 {strides = array<i32>} : memref<2x1000x64xf32, #tpu.memory_space<vmem>>, vector<1x1000x64xf32>,
    %slice3A_32 = vector.extract_strided_slice %add3A_19 {offsets = [0, 0], sizes = [1000, 64], strides = [1, 1]} : vector<1000x128xf32> to vector<1000x64xf32>
    %swap3A_33 = arith.constant 0 : index
    %swap3A_34 = arith.constant 0 : index
    %swap3A_35 = arith.constant 0 : index
    %swap3A_36 = vector.load %arg9[%swap3A_33, %swap3A_34, %swap3A_35] : memref<2x1000x64xf32, #tpu.memory_space<vmem>>, vector<1x1000x64xf32>
    %swap3A_37 = vector.shape_cast %swap3A_36 : vector<1x1000x64xf32> to vector<1000x64xf32>
    %swap3A_38 = vector.shape_cast %slice3A_32 : vector<1000x64xf32> to vector<1x1000x64xf32>
    tpu.vector_store %arg9[%swap3A_33, %swap3A_34, %swap3A_35], %swap3A_38 {strides = array<i32>} : memref<2x1000x64xf32, #tpu.memory_space<vmem>>, vector<1x1000x64xf32>,
    %slice3A_39 = vector.extract_strided_slice %add3A_19 {offsets = [0, 64], sizes = [1000, 64], strides = [1, 1]} : vector<1000x128xf32> to vector<1000x64xf32>
    %swap3A_40 = arith.constant 1 : index
    %swap3A_41 = arith.constant 0 : index
    %swap3A_42 = arith.constant 0 : index
    %swap3A_43 = vector.load %arg9[%swap3A_40, %swap3A_41, %swap3A_42] : memref<2x1000x64xf32, #tpu.memory_space<vmem>>, vector<1x1000x64xf32>
    %swap3A_44 = vector.shape_cast %swap3A_43 : vector<1x1000x64xf32> to vector<1000x64xf32>
    %swap3A_45 = vector.shape_cast %slice3A_39 : vector<1000x64xf32> to vector<1x1000x64xf32>
    tpu.vector_store %arg9[%swap3A_40, %swap3A_41, %swap3A_42], %swap3A_45 {strides = array<i32>} : memref<2x1000x64xf32, #tpu.memory_space<vmem>>, vector<1x1000x64xf32>,
    %get3A_46 = arith.constant 0 : index
    %get3A_47 = arith.constant 0 : index
    %get3A_48 = vector.load %arg6[%get3A_46, %get3A_47] : memref<128x128xf32, #tpu.memory_space<vmem>>, vector<128x128xf32>
    %dot_general3A_49 = arith.constant dense<0.000000e+00> : vector<1000x128xf32>
    %dot_general3A_50 = tpu.matmul %get3A_1, %get3A_48, %dot_general3A_49 {dimension_numbers = #tpu.dot_dimension_numbers<[1], [0], [0], [1], [0, 0, 1, 1], [], []>, transpose_lhs_hint = false} : vector<1000x128xf32>, vector<128x128xf32>, vector<1000x128xf32> -> vector<1000x128xf32>
    %get3A_51 = arith.constant 0 : index
    %get3A_52 = arith.constant 0 : index
    %get3A_53 = vector.load %arg7[%get3A_51, %get3A_52] : memref<1x128xf32, #tpu.memory_space<vmem>>, vector<1x128xf32>
    %add3A_54 = vector.broadcast %get3A_53 : vector<1x128xf32> to vector<1000x128xf32>
    %add3A_55 = arith.addf %dot_general3A_50, %add3A_54 : vector<1000x128xf32>
    %swap3A_56 = arith.constant 0 : index
    %swap3A_57 = arith.constant 0 : index
    %swap3A_58 = vector.load %arg10[%swap3A_56, %swap3A_57] : memref<1000x128xf32, #tpu.memory_space<vmem>>, vector<1000x128xf32>
    tpu.vector_store %arg10[%swap3A_56, %swap3A_57], %add3A_55 {strides = array<i32>} : memref<1000x128xf32, #tpu.memory_space<vmem>>, vector<1000x128xf32>,
    return
  }
  func.func @transform_0(%arg0: i32) -> (i32, i32) {
    %c0_i32 = arith.constant 0 : i32
    %c0_i32_0 = arith.constant 0 : i32
    return %arg0, %c0_i32 : i32, i32
  }
  func.func @transform_1(%arg0: i32) -> (i32, i32) {
    %c0_i32 = arith.constant 0 : i32
    %c0_i32_0 = arith.constant 0 : i32
    %c0_i32_1 = arith.constant 0 : i32
    return %c0_i32, %c0_i32_0 : i32, i32
  }
  func.func @transform_2(%arg0: i32) -> (i32, i32) {
    %c0_i32 = arith.constant 0 : i32
    %c0_i32_0 = arith.constant 0 : i32
    %c0_i32_1 = arith.constant 0 : i32
    return %c0_i32, %c0_i32_0 : i32, i32
  }
  func.func @transform_3(%arg0: i32) -> (i32, i32) {
    %c0_i32 = arith.constant 0 : i32
    %c0_i32_0 = arith.constant 0 : i32
    %c0_i32_1 = arith.constant 0 : i32
    return %c0_i32, %c0_i32_0 : i32, i32
  }
  func.func @transform_4(%arg0: i32) -> (i32, i32) {
    %c0_i32 = arith.constant 0 : i32
    %c0_i32_0 = arith.constant 0 : i32
    %c0_i32_1 = arith.constant 0 : i32
    return %c0_i32, %c0_i32_0 : i32, i32
  }
  func.func @transform_5(%arg0: i32) -> (i32, i32) {
    %c0_i32 = arith.constant 0 : i32
    %c0_i32_0 = arith.constant 0 : i32
    %c0_i32_1 = arith.constant 0 : i32
    return %c0_i32, %c0_i32_0 : i32, i32
  }
  func.func @transform_6(%arg0: i32) -> (i32, i32) {
    %c0_i32 = arith.constant 0 : i32
    %c0_i32_0 = arith.constant 0 : i32
    %c0_i32_1 = arith.constant 0 : i32
    return %c0_i32, %c0_i32_0 : i32, i32
  }
  func.func @transform_7(%arg0: i32) -> (i32, i32, i32) {
    %c0_i32 = arith.constant 0 : i32
    %c0_i32_0 = arith.constant 0 : i32
    %c0_i32_1 = arith.constant 0 : i32
    return %c0_i32, %arg0, %c0_i32_0 : i32, i32, i32
  }
  func.func @transform_8(%arg0: i32) -> (i32, i32, i32) {
    %c0_i32 = arith.constant 0 : i32
    %c0_i32_0 = arith.constant 0 : i32
    %c0_i32_1 = arith.constant 0 : i32
    return %c0_i32, %arg0, %c0_i32_0 : i32, i32, i32
  }
  func.func @transform_9(%arg0: i32) -> (i32, i32) {
    %c0_i32 = arith.constant 0 : i32
    %c0_i32_0 = arith.constant 0 : i32
    return %arg0, %c0_i32 : i32, i32
  }
}

module attributes {stable_mosaic.version = 14 : i64} {
  func.func @_final_body(%arg0: i32, %arg1: memref<1000x128xf32, #tpu.memory_space<vmem>>, %arg2: memref<2x1000x64xf32, #tpu.memory_space<vmem>>, %arg3: memref<128x128xf32, #tpu.memory_space<vmem>>, %arg4: memref<1x128xf32, #tpu.memory_space<vmem>>, %arg5: memref<1000x128xf32, #tpu.memory_space<vmem>>) attributes {dimension_semantics = [#tpu.dimension_semantics<arbitrary>], iteration_bounds = array<i64: 10>, scalar_prefetch = 0 : i64, scratch_operands = 0 : i64, tpu.core_type = #tpu.core_type<tc>, window_params = [{transform_indices = @transform_0, window_bounds = array<i64: 1000, 128>}, {transform_indices = @transform_1, window_bounds = array<i64: 2, 1000, 64>}, {pipeline_mode = #tpu.pipeline_mode<synchronous>, transform_indices = @transform_2, window_bounds = array<i64: 128, 128>}, {pipeline_mode = #tpu.pipeline_mode<synchronous>, transform_indices = @transform_3, window_bounds = array<i64: 1, 128>}, {transform_indices = @transform_4, window_bounds = array<i64: 1000, 128>}]} {
    %get3A = arith.constant 0 : index
    %get3A_0 = arith.constant 0 : index
    %get3A_1 = arith.constant 0 : index
    %get3A_2 = vector.load %arg2[%get3A, %get3A_0, %get3A_1] : memref<2x1000x64xf32, #tpu.memory_space<vmem>>, vector<1x1000x64xf32>
    %get3A_3 = vector.shape_cast %get3A_2 : vector<1x1000x64xf32> to vector<1000x64xf32>
    %get3A_4 = arith.constant 1 : index
    %get3A_5 = arith.constant 0 : index
    %get3A_6 = arith.constant 0 : index
    %get3A_7 = vector.load %arg2[%get3A_4, %get3A_5, %get3A_6] : memref<2x1000x64xf32, #tpu.memory_space<vmem>>, vector<1x1000x64xf32>
    %get3A_8 = vector.shape_cast %get3A_7 : vector<1x1000x64xf32> to vector<1000x64xf32>
    %concatenate3A = tpu.concatenate %get3A_3, %get3A_8 in 1 : vector<1000x64xf32>, vector<1000x64xf32> -> vector<1000x128xf32>
    %get3A_9 = arith.constant 0 : index
    %get3A_10 = arith.constant 0 : index
    %get3A_11 = vector.load %arg3[%get3A_9, %get3A_10] : memref<128x128xf32, #tpu.memory_space<vmem>>, vector<128x128xf32>
    %dot_general3A = arith.constant dense<0.000000e+00> : vector<1000x128xf32>
    %dot_general3A_12 = tpu.matmul %concatenate3A, %get3A_11, %dot_general3A {dimension_numbers = #tpu.dot_dimension_numbers<[1], [0], [0], [1], [0, 0, 1, 1], [], []>, transpose_lhs_hint = false} : vector<1000x128xf32>, vector<128x128xf32>, vector<1000x128xf32> -> vector<1000x128xf32>
    %get3A_13 = arith.constant 0 : index
    %get3A_14 = arith.constant 0 : index
    %get3A_15 = vector.load %arg4[%get3A_13, %get3A_14] : memref<1x128xf32, #tpu.memory_space<vmem>>, vector<1x128xf32>
    %add3A = vector.broadcast %get3A_15 : vector<1x128xf32> to vector<1000x128xf32>
    %add3A_16 = arith.addf %dot_general3A_12, %add3A : vector<1000x128xf32>
    %get3A_17 = arith.constant 0 : index
    %get3A_18 = arith.constant 0 : index
    %get3A_19 = vector.load %arg1[%get3A_17, %get3A_18] : memref<1000x128xf32, #tpu.memory_space<vmem>>, vector<1000x128xf32>
    %add3A_20 = arith.addf %get3A_19, %add3A_16 : vector<1000x128xf32>
    %max3A = arith.constant 0.000000e+00 : f32
    %max3A_21 = vector.broadcast %max3A : f32 to vector<1000x128xf32>
    %max3A_22 = arith.maximumf %add3A_20, %max3A_21 : vector<1000x128xf32>
    %swap3A = arith.constant 0 : index
    %swap3A_23 = arith.constant 0 : index
    %swap3A_24 = vector.load %arg5[%swap3A, %swap3A_23] : memref<1000x128xf32, #tpu.memory_space<vmem>>, vector<1000x128xf32>
    tpu.vector_store %arg5[%swap3A, %swap3A_23], %max3A_22 {strides = array<i32>} : memref<1000x128xf32, #tpu.memory_space<vmem>>, vector<1000x128xf32>,
    return
  }
  func.func @transform_0(%arg0: i32) -> (i32, i32) {
    %c0_i32 = arith.constant 0 : i32
    %c0_i32_0 = arith.constant 0 : i32
    return %arg0, %c0_i32 : i32, i32
  }
  func.func @transform_1(%arg0: i32) -> (i32, i32, i32) {
    %c0_i32 = arith.constant 0 : i32
    %c0_i32_0 = arith.constant 0 : i32
    %c0_i32_1 = arith.constant 0 : i32
    return %c0_i32, %arg0, %c0_i32_0 : i32, i32, i32
  }
  func.func @transform_2(%arg0: i32) -> (i32, i32) {
    %c0_i32 = arith.constant 0 : i32
    %c0_i32_0 = arith.constant 0 : i32
    %c0_i32_1 = arith.constant 0 : i32
    return %c0_i32, %c0_i32_0 : i32, i32
  }
  func.func @transform_3(%arg0: i32) -> (i32, i32) {
    %c0_i32 = arith.constant 0 : i32
    %c0_i32_0 = arith.constant 0 : i32
    %c0_i32_1 = arith.constant 0 : i32
    return %c0_i32, %c0_i32_0 : i32, i32
  }
  func.func @transform_4(%arg0: i32) -> (i32, i32) {
    %c0_i32 = arith.constant 0 : i32
    %c0_i32_0 = arith.constant 0 : i32
    return %arg0, %c0_i32 : i32, i32
  }
}

</mosaic_0001>

<sc_bundles>
// kernel: kernel.5.cloned.1.call-start
scs
__scs_entry_jumppad:
0x0: {  	(pc) =	sbr.rel $0x88, $3  }
0x1: {  	(tag) =	ssettag $0x0;
	lr =	simm.s32 $0x1  }
0x2: {  	[smem:$0x3F96] =	sst lr;
	_ =	strace $0xD0000000  }
0x3: {  	_ = 	snop  }
0x4: {  	_ = 	snop  }
0x5: {  	_ = 	snop  }
0x6: {  	_ = 	snop  }
0x7: {  	_ = 	snop  }
__scs_overlays_trampoline_lowered:
0x8: {  	[smem:$0x3FA5] =	sst s0  }
0x9: {  	[smem:$0x3FA6] =	sst s1  }
0xa: {  	[smem:$0x3FA7] =	sst s2  }
0xb: {  	[smem:$0x3FA8] =	sst s3  }
0xc: {  	[smem:$0x3FA9] =	sst s4  }
0xd: {  	[smem:$0x3FAA] =	sst s5  }
0xe: {  	[smem:$0x3FAB] =	sst s6  }
0xf: {  	[smem:$0x3FAC] =	sst s7  }
0x10: {  	[smem:$0x3FAD] =	sst s8  }
0x11: {  	[smem:$0x3FAE] =	sst s9;
	s0 =	simm.s32 @!p0 $0x0  }
0x12: {  	s1 =	sld [smem:$0x3F94];
	s0 =	simm.s32 @p0 $0x1  }
0x13: {  	[smem:$0x3FAF] =	sst s0;
	s0 =	simm.s32 @!p1 $0x0  }
0x14: {  	s2 =	sld [smem:$0x3F93];
	s0 =	simm.s32 @p1 $0x1  }
0x15: {  	[smem:$0x3FB0] =	sst s0;
	s0 =	simm.s32 @!p2 $0x0  }
0x16: {  	s3 =	sld [smem:$0x3FDB];
	s0 =	simm.s32 @p2 $0x1  }
0x17: {  	s4 =	simm.s32 $0x1BF5;
	[smem:$0x3FB2] =	sst s0  }
0x18: {  	s0 =	sld [smem:$0x3F95];
	_ =	swait.ge [sflag:s4], $0x0  }
0x19: {  	s7 =	sld [smem:$0x3F96]  }
0x1a: {  	s8 =	sadd.s32 $0xFFFFE003, lr  }
0x1b: {  	s9 =	sadd.s32 $0xFFFFFEF7, lr;
	s5 =	simm.s32 $0xFFFFFFFF;
	p2 =	slt.u32 s8, $0xFFFFF086  }
0x1c: {  	p1 =	slt.u32 s9, $0xF7A;
	s5 =	simm.s32 @!p2 $0x0  }
0x1d: {  	s5 =	simm.s32 @p1 $0x1;
	p0 =	seq.s32 s7, s2  }
0x1e: {  	s7 =	smul.u32 @!p0 $0xF7A, s2;
	p2 =	seq.s32 @!p0 s5, $0x0  }
0x1f: {  	s9 =	smul.u32 $0xF7A, s1;
	s8 =	simm.s32 @!p0 $0x1BF5;
	p2 =	por !p2, p0  }
0x20: {  	[sflag:s8] =	ssyncset.s32 @!p0 $0xFFFFF086;
	s6 =	sadd.s32 @!p0 s3, s7;
	s7 =	simm.s32 @!p0 $0x108  }
0x21: {  	s3 =	sadd.s32 s3, s9;
	s6 =	sadd.s32 @!p0 $0x88, s6;
	s7 =	simm.s32 @p2 $0x1082  }
0x22: {  	[simem:s7], [sflag:s8] =	dma.local @!p0 [hbm:s6], $0xF7A  }
0x23: {  	s9 =	sor.u32 $0xD0000000, s2;
	s6 =	simm.s32 $0x108;
	_ =	swait.ge @!p0 [sflag:s8], $0x0  }
0x24: {  	s3 =	sadd.s32 $0x88, s3;
	s6 =	simm.s32 @!p1 $0x1082;
	[sflag:s4] =	ssyncset.s32 $0xFFFFF086  }
0x25: {  	[simem:s6], [sflag:s4] =	dma.local [hbm:s3], $0xF7A  }
0x26: {  	[smem:$0x3F96] =	sst s1;
	(tag) =	ssettag s2;
	_ =	strace s9  }
0x27: {  	s1 =	sld [smem:$0x3FA6]  }
0x28: {  	s2 =	sld [smem:$0x3FA7]  }
0x29: {  	s4 =	sld [smem:$0x3FA9]  }
0x2a: {  	p0 =	seq.s32 s5, $0x0;
	s5 =	sld [smem:$0x3FAA]  }
0x2b: {  	s6 =	sld [smem:$0x3FAB]  }
0x2c: {  	s7 =	sld [smem:$0x3FAC]  }
0x2d: {  	s3 =	simm.s32 $0x108;
	s8 =	sld [smem:$0x3FAD]  }
0x2e: {  	s3 =	simm.s32 @!p0 $0x1082;
	s9 =	sld [smem:$0x3FAE]  }
0x2f: {  	lr =	sadd.s32 s0, s3;
	s0 =	sld [smem:$0x3FA5]  }
0x30: {  	s3 =	sld [smem:$0x3FA8]  }
0x31: {  	[smem:$0x3FB1] =	sst s10  }
0x32: {  	s10 =	sld [smem:$0x3FAF];
	_ =	sdelay $0x3  }
0x33: {  	p0 =	seq.s32 s10, $0x1;
	s10 =	sld [smem:$0x3FB1];
	_ =	sdelay $0x3  }
0x34: {  	[smem:$0x3FB1] =	sst s10  }
0x35: {  	s10 =	sld [smem:$0x3FB0];
	_ =	sdelay $0x3  }
0x36: {  	p1 =	seq.s32 s10, $0x1;
	s10 =	sld [smem:$0x3FB1];
	_ =	sdelay $0x3  }
0x37: {  	[smem:$0x3FB1] =	sst s10  }
0x38: {  	s10 =	sld [smem:$0x3FB2]  }
0x39: {  	_ = 	snop;
	(pc) =	sbr.ind lr, $3  }
0x3a: {  	_ = 	snop  }
0x3b: {  	_ = 	snop  }
0x3c: {  	p2 =	seq.s32 s10, $0x1;
	s10 =	sld [smem:$0x3FB1]  }
0x3d: {  	_ =	shalt  }
0x3e: {  	_ =	shalt  }
0x3f: {  	_ =	shalt  }
0x40: {  	_ =	shalt  }
0x41: {  	_ =	shalt  }
0x42: {  	_ =	shalt  }
0x43: {  	_ =	shalt  }
0x44: {  	_ =	shalt  }
0x45: {  	_ =	shalt  }
0x46: {  	_ =	shalt  }
0x47: {  	_ =	shalt  }
0x48: {  	_ =	shalt  }
0x49: {  	_ =	shalt  }
0x4a: {  	_ =	shalt  }
0x4b: {  	_ =	shalt  }
0x4c: {  	_ =	shalt  }
0x4d: {  	_ =	shalt  }
0x4e: {  	_ =	shalt  }
0x4f: {  	_ =	shalt  }
0x50: {  	_ =	shalt  }
0x51: {  	_ =	shalt  }
0x52: {  	_ =	shalt  }
0x53: {  	_ =	shalt  }
0x54: {  	_ =	shalt  }
0x55: {  	_ =	shalt  }
0x56: {  	_ =	shalt  }
0x57: {  	_ =	shalt  }
0x58: {  	_ =	shalt  }
0x59: {  	_ =	shalt  }
0x5a: {  	_ =	shalt  }
0x5b: {  	_ =	shalt  }
0x5c: {  	_ =	shalt  }
0x5d: {  	_ =	shalt  }
0x5e: {  	_ =	shalt  }
0x5f: {  	_ =	shalt  }
0x60: {  	_ =	shalt  }
0x61: {  	_ =	shalt  }
0x62: {  	_ =	shalt  }
0x63: {  	_ =	shalt  }
0x64: {  	_ =	shalt  }
0x65: {  	_ =	shalt  }
0x66: {  	_ =	shalt  }
0x67: {  	_ =	shalt  }
0x68: {  	_ =	shalt  }
0x69: {  	_ =	shalt  }
0x6a: {  	_ =	shalt  }
0x6b: {  	_ =	shalt  }
0x6c: {  	_ =	shalt  }
0x6d: {  	_ =	shalt  }
0x6e: {  	_ =	shalt  }
0x6f: {  	_ =	shalt  }
0x70: {  	_ =	shalt  }
0x71: {  	_ =	shalt  }
0x72: {  	_ =	shalt  }
0x73: {  	_ =	shalt  }
0x74: {  	_ =	shalt  }
0x75: {  	_ =	shalt  }
0x76: {  	_ =	shalt  }
0x77: {  	_ =	shalt  }
0x78: {  	_ =	shalt  }
0x79: {  	_ =	shalt  }
0x7a: {  	_ =	shalt  }
0x7b: {  	_ =	shalt  }
0x7c: {  	_ =	shalt  }
0x7d: {  	_ =	shalt  }
0x7e: {  	_ =	shalt  }
0x7f: {  	_ =	shalt  }
0x80: {  	_ =	shalt  }
0x81: {  	_ =	shalt  }
0x82: {  	_ =	shalt  }
0x83: {  	_ =	shalt  }
0x84: {  	_ =	shalt  }
0x85: {  	_ =	shalt  }
0x86: {  	_ =	shalt  }
0x87: {  	_ =	shalt  }
.Lfunc_end0:
.L_simem_size_0:
called_computation_lowered:
.L_overlay_start_0:
0x88: {  	s2 =	sld [smem:$0x3FD9]  }
0x89: {  	s3 =	sld [smem:$0x3FFE];
	_ =	sdelay $0x1  }
0x8a: {  	s1 =	srdreg.scid  }
0x8b: {  	s0 =	sand.u32 $0x1, s1  }
0x8c: {  	s17 =	sshll.u32 s0, $0xA;
	s2 =	sadd.s32 s3, s2  }
0x8d: {  	s2 =	sadd.s32 s2, s17  }
0x8e: {  	[smem:$0x3FBD] =	sst s2  }
0x8f: {  	_ = 	snop  }
0x90: {  	s2 =	sld [smem:$0x3FC8]  }
0x91: {  	s18 =	sld [smem:$0x3FC7]  }
0x92: {  	s4 =	sld [smem:$0x3FD0];
	(tm) =	ssettm $0x1  }
0x93: {  	s5 =	sld [smem:$0x3FFB];
	_ =	sdelay $0x3  }
0x94: {  	_ =	strace s5  }
0x95: {  	s5 =	sld [smem:$0x3FFC];
	_ =	sdelay $0x3  }
0x96: {  	_ =	strace s5  }
0x97: {  	s5 =	sld [smem:$0x3FFD];
	_ =	sdelay $0x3  }
0x98: {  	_ =	strace s5  }
0x99: {  	_ =	strace $0x8FFFFFFF  }
0x9a: {  	s19 =	sld [smem:$0x3FDB];
	_ =	sdelay $0x1  }
0x9b: {  	s6 =	simm.s32 $_scs_section_size  }
0x9c: {  	s7 =	simm.s32 $_size__tile_overlayer_lowered;
	s8 =	simm.s32 $_tile_overlayer_lowered  }
0x9d: {  	s22 =	simm.s32 $0x1BFF;
	s21 =	sshll.u32 s8, $0x1;
	s5 =	sadd.s32 s6, s19  }
0x9e: {  	s9 =	simm.s32 $0x0;
	s20 =	sshll.u32 s7, $0x1;
	s7 =	sadd.s32 s21, s5  }
0x9f: {  	[timem:s9], [sflag:s22] =	dma.local [hbm:s7], s20  }
0xa0: {  	_ =	swait.ge [sflag:s22], s20  }
0xa1: {  	s6 =	ssub.s32 $0x0, s20;
	[sflag:s22] =	ssyncset.done $0x0  }
0xa2: {  	[sflag:s22] =	ssyncadd.s32 s6;
	_ =	sdelay $0x1  }
0xa3: {  	s23 =	simm.s32 $0x1B8B  }
0xa4: {  	_ =	swait.ge [sflag:s23], $0x1  }
0xa5: {  	[sflag:s23] =	ssyncset.done $0x0  }
0xa6: {  	s25 =	simm.s32 $0x1B8E;
	s24 =	sld [smem:$0x3FFE];
	[sflag:s23] =	ssyncadd.s32 $0xFFFFFFFF  }
0xa7: {  	s26 =	simm.s32 $execute0_lowered;
	[smem:$0x3FD2] =	sst s25  }
0xa8: {  	s7 =	sshll.u32 s26, $0x1;
	_ =	strace $0x80000046;
	[dreg:$0x1] =	wrdreg $0xFFFFFFFF  }
0xa9: {  	s28 =	simm.s32 $_size_execute0_lowered;
	s5 =	sadd.s32 s5, s7;
	[dreg:$0x0] =	wrdreg $0x0  }
0xaa: {  	s7 =	sshll.u32 s28, $0x1;
	[dreg:$0x2] =	wrdreg s5  }
0xab: {  	[dreg:$0x3] =	wrdreg s7  }
0xac: {  	[dreg:$0x4] =	wrdreg $0xC0  }
0xad: {  	_ =	task [dreg:s9], $0x5FFFF  }
0xae: {  	[dreg:$0x1] =	wrdreg $0xFFFFFFFF  }
0xaf: {  	[dreg:$0x0] =	wrdreg $0x60  }
0xb0: {  	[dreg:$0x2] =	wrdreg s4  }
0xb1: {  	[dreg:$0x3] =	wrdreg s24  }
0xb2: {  	[dreg:$0x4] =	wrdreg s2  }
0xb3: {  	[dreg:$0x5] =	wrdreg s18  }
0xb4: {  	[dreg:$0x6] =	wrdreg $0x12F200  }
0xb5: {  	[dreg:$0x7] =	wrdreg $0x9  }
0xb6: {  	_ =	task.clear_ibuf [dreg:s9], $0x8FFFF;
	_ =	strace $0x90000046  }
0xb7: {  	s29 =	simm.s32 $0x9;
	_ =	strace $0x80000048  }
0xb8: {  	_ =	swait.ge [sflag:s29], $0x1  }
0xb9: {  	[sflag:s29] =	ssyncadd.s32 $0xFFFFFFFF  }
0xba: {  	_ =	strace $0x90000048  }
0xbb: {  	_ =	sfence  }
0xbc: {  	s30 =	sld [smem:$0x0];
	_ =	sdelay $0x2  }
0xbd: {  	s31 =	sshll.u32 s1, $0xD;
	s1 =	sshrl.u32 s1, $0x2  }
0xbe: {  	s3 =	sand.u32 $0x4000, s31;
	s1 =	sadd.s32 s1, s30  }
0xbf: {  	s0 =	sor.u32 s3, s0;
	s1 =	sshll.u32 s1, $0x11  }
0xc0: {  	s0 =	sor.u32 s1, s0  }
0xc1: {  	s0 =	sadd.s32 $0x8F2B, s0  }
0xc2: {  	[sflag:s0] =	ssyncadd.remote.s32 $0x1  }
0xc3: {  	_ =	sfence.sel $0xFFFF  }
0xc4: {  	[dreg:$0x0] =	wrdreg $0xFFFFFFFF;
	(pc) =	sbr.abs _section_cstart, $3  }
0xc5: {  	[dreg:$0x1] =	wrdreg $0xFFFFFFFF  }
0xc6: {  	_ =	task.clear_ibuf [dreg:s9], $0x2FFFF;
	_ =	strace $0x9FFFFFFF  }
0xc7: {  	(tm) =	ssettm $0x7FFFFFFF  }
tec
execute0_lowered:
.L_overlay_start_1:
0x0: {  	(tag) =	ssettag $0x1  }
0x1: {  	s2 =	rddreg [dreg:$0x0]  }
0x2: {  	s0 =	srdreg.scid;
	s4 =	rddreg [dreg:$0x1];
	s1 =	simm.s32 $0x0  }
0x3: {  	s25 =	stileid.u32;
	s28 =	simm.s32 $0x2;
	s0 =	sand.u32 $0x1, s0  }
0x4: {  	s31 =	simm.s32 $0x5;
	s6 =	sor.u32 $0x10, s25;
	s5 =	smul.u32 $0x13880, s0  }
0x5: {  	s30 =	simm.s32 $0x9;
	s29 =	simm.s32 $0x280;
	s8 =	smul.u32 $0x5000, s6  }
0x6: {  	[smem:$0x7FF] =	sst s1;
	s9 =	sadd.s32 $0x28C00, s4;
	s10 =	smul.u32 $0x9C400, s0  }
0x7: {  	s12 =	sor.u32 $0x30, s25;
	s13 =	sor.u32 $0x40, s25;
	s6 =	smul.u32 $0x1400, s6  }
0x8: {  	s15 =	sor.u32 $0x50, s25;
	s16 =	sor.u32 $0x60, s25;
	s19 =	smul.u32 $0x1400, s12  }
0x9: {  	s17 =	sor.u32 $0x70, s25;
	s7 =	ssub.s32 $0x2, s0;
	s20 =	smul.u32 $0x1400, s13  }
0xa: {  	p0 =	sgt.u32 s25, $0xC;
	s12 =	smul.u32 $0x5000, s12;
	s21 =	sshrl.u32 s7, $0x1  }
0xb: {  	s3 =	sadd.s32 s5, s4;
	s0 =	ssub.s32 s7, s21;
	s4 =	smul.u32 $0x1400, s25  }
0xc: {  	s7 =	sor.u32 $0x20, s25;
	s2 =	sadd.s32 s2, s5;
	s21 =	smul.u32 $0x1400, s15  }
0xd: {  	s23 =	sadd.s32 s10, s6;
	s14 =	sadd.s32 s10, s20;
	s18 =	smul.u32 $0x1400, s7  }
0xe: {  	s5 =	sshrl.u32 s23, $0x3;
	s23 =	sshrl.u32 s14, $0x3;
	s11 =	sadd.s32 s4, s10  }
0xf: {  	s5 =	sadd.s32 s9, s5;
	s11 =	sshrl.u32 s11, $0x3;
	s24 =	sadd.s32 s10, s18  }
0x10: {  	[dreg:$0x7] =	wrdreg s5;
	s22 =	sadd.s32 s9, s11;
	s26 =	sshrl.u32 s24, $0x3  }
0x11: {  	s11 =	sadd.s32 s10, s19;
	[dreg:$0x6] =	wrdreg s22;
	s5 =	sadd.s32 s9, s26  }
0x12: {  	s26 =	sadd.s32 s10, s21;
	[dreg:$0x8] =	wrdreg s5;
	s5 =	sshrl.u32 s11, $0x3  }
0x13: {  	s22 =	smul.u32 $0x1400, s16;
	s11 =	sshrl.u32 s26, $0x3;
	s5 =	sadd.s32 s9, s5  }
0x14: {  	s24 =	smul.u32 $0x1400, s17;
	s11 =	sadd.s32 s9, s11;
	[dreg:$0x9] =	wrdreg s5  }
0x15: {  	s14 =	sadd.s32 s10, s22;
	s5 =	sadd.s32 s9, s23;
	[dreg:$0xb] =	wrdreg s11  }
0x16: {  	s14 =	sshrl.u32 s14, $0x3;
	s23 =	sadd.s32 s10, s24;
	s10 =	rddreg [dreg:$0x2]  }
0x17: {  	s8 =	sshrl.u32 s8, $0x2;
	[dreg:$0xa] =	wrdreg s5;
	s5 =	sadd.s32 s9, s14  }
0x18: {  	[dreg:$0xc] =	wrdreg s5;
	s5 =	sshrl.u32 s23, $0x3;
	s23 =	smul.u32 $0x5000, s25  }
0x19: {  	s0 =	smax.u32 s0, $0x1;
	s26 =	smul.u32 $0x5000, s7;
	s14 =	rddreg [dreg:$0x4]  }
0x1a: {  	s5 =	sadd.s32 s9, s5;
	s9 =	sshrl.u32 s23, $0x2;
	s23 =	smul.u32 $0x5000, s13  }
0x1b: {  	[dreg:$0xd] =	wrdreg s5;
	s5 =	sshrl.u32 s26, $0x2;
	s26 =	smul.u32 $0x5000, s15  }
0x1c: {  	s11 =	rddreg [dreg:$0x3];
	s8 =	sadd.s32 s8, s14;
	s13 =	smul.u32 $0x5000, s16  }
0x1d: {  	s4 =	sadd.s32 s4, s14;
	s15 =	sshrl.u32 s12, $0x2;
	s16 =	smul.u32 $0x5000, s17  }
0x1e: {  	s12 =	sadd.s32 s24, s14;
	_ =	strace $0x80000047;
	[dreg:$0xf] =	wrdreg s8  }
0x1f: {  	s7 =	sadd.s32 s9, s14;
	s5 =	sadd.s32 s5, s14;
	[dreg:$0x16] =	wrdreg s0  }
0x20: {  	s8 =	sadd.s32 s15, s14;
	s9 =	sadd.s32 s21, s14;
	[dreg:$0xe] =	wrdreg s7  }
0x21: {  	s15 =	sshrl.u32 s4, $0x3;
	s4 =	simm.s32 $0xE;
	[dreg:$0x10] =	wrdreg s5  }
0x22: {  	s7 =	sshrl.u32 s23, $0x2;
	[dreg:$0x11] =	wrdreg s8;
	s17 =	sshrl.u32 s26, $0x2  }
0x23: {  	s5 =	sshrl.u32 s13, $0x2;
	[dreg:$0x17] =	wrdreg s15;
	s21 =	sshrl.u32 s9, $0x3  }
0x24: {  	s23 =	sshrl.u32 s16, $0x2;
	s7 =	sadd.s32 s7, s14;
	[dreg:$0x1d] =	wrdreg s21  }
0x25: {  	s8 =	sadd.s32 s20, s14;
	s5 =	sadd.s32 s5, s14;
	[dreg:$0x12] =	wrdreg s7  }
0x26: {  	s13 =	sadd.s32 s22, s14;
	s26 =	sadd.s32 s23, s14;
	[dreg:$0x14] =	wrdreg s5  }
0x27: {  	s15 =	simm.s32 $0x50;
	s20 =	sshrl.u32 s8, $0x3;
	[dreg:$0x15] =	wrdreg s26  }
0x28: {  	s9 =	simm.s32 $0xD;
	s22 =	sshrl.u32 s13, $0x3;
	[dreg:$0x1c] =	wrdreg s20  }
0x29: {  	s23 =	sadd.s32 $0x1A00, s3;
	s3 =	sshrl.u32 @!p0 s12, $0x3;
	[dreg:$0x1e] =	wrdreg s22  }
0x2a: {  	s7 =	sadd.s32 s17, s14;
	s5 =	sadd.s32 s6, s14;
	[dreg:$0x1f] =	wrdreg s3  }
0x2b: {  	s6 =	sadd.s32 s18, s14;
	[dreg:$0x13] =	wrdreg s7;
	s16 =	sshrl.u32 s5, $0x3  }
0x2c: {  	s7 =	sadd.s32 s19, s14;
	s17 =	sshrl.u32 s6, $0x3;
	[dreg:$0x18] =	wrdreg s16  }
0x2d: {  	s19 =	smul.u32 $0x4E20, s25;
	[dreg:$0x19] =	wrdreg s17;
	s18 =	sshrl.u32 s7, $0x3  }
0x2e: {  	s12 =	simm.s32 $0x3;
	s8 =	simm.s32 $0x8;
	[dreg:$0x1a] =	wrdreg s18  }
0x2f: {  	s3 =	simm.s32 $0xC;
	s24 =	sadd.s32 $0x50, s19;
	[dreg:$0x1b] =	wrdreg s19  }
0x30: {  	s22 =	simm.s32 $0x190;
	s25 =	sadd.s32 $0xA0, s19;
	[smem:$0x7FA] =	sst s24  }
0x31: {  	s5 =	simm.s32 $0xA;
	s26 =	sadd.s32 $0xF0, s19;
	[smem:$0x7FB] =	sst s25  }
0x32: {  	s6 =	simm.s32 $0xF;
	s0 =	sadd.s32 $0x140, s19;
	[smem:$0x7FC] =	sst s26  }
0x33: {  	s18 =	simm.s32 $0x15;
	[smem:$0x7FD] =	sst s0;
	s24 =	simm.s32 $0x1  }
0x34: {  	v0 =	vimm.f32 $0.0e+00;
	s25 =	simm.s32 $0x4;
	s0 =	simm.s32 $0x0;
	s26 =	simm.s32 $0xF0  }
.LBB2_1:
0x35: {  	s13 =	simm.s32 $0x100;
	s7 =	simm.s32 $0x0  }
.LBB2_2:
0x36: {  	p1 =	sne.s32 s13, $0x4F00;
	[tilespmem:s7+$0xCB50] =	vst v0;
	s16 =	smov.u32 s13;
	s13 =	sadd.s32 $0x100, s13  }
.Ltmp0:
0x37: {  	[tilespmem:s7+$0xCB40] =	vst v0;
	(pc) =	sbr.rel @p1 .LBB2_2-.Ltmp0, $3  }
0x38: {  	[tilespmem:s7+$0xCB20] =	vst v0  }
0x39: {  	[tilespmem:s7+$0xCB30] =	vst v0;
	_ =	sdelay $0x1  }
0x3a: {  	s7 =	sshra.s32 s16, $0x2  }
0x3b: {  	[tilespmem:s7+$0xCB50] =	vst v0  }
0x3c: {  	[tilespmem:s7+$0xCB40] =	vst v0  }
0x3d: {  	[smem:$0x7F9] =	sst s0;
	[tilespmem:s7+$0xCB20] =	vst v0  }
0x3e: {  	[tilespmem:s7+$0xCB30] =	vst v0;
	s21 =	rddreg [dreg:$0xe];
	s13 =	simm.s32 $0xCB20  }
0x3f: {  	[spmem:s21] =	stream.linear.scatter [tilespmem:s13], [sflag:$0x15], $0x1400, $0x38;
	[tilespmem:$0x1CB60] =	vst v63  }
0x40: {  	_ =	swait.ge [sflag:s18], $0x1400  }
0x41: {  	[sflag:s18] =	ssyncset.done $0x0  }
0x42: {  	s0 =	rddreg [dreg:$0xf];
	[sflag:s18] =	ssyncadd.s32 $0xFFFFEC00  }
0x43: {  	[spmem:s0] =	stream.linear.scatter [tilespmem:s13], [sflag:$0x15], $0x1400, $0x38;
	[tilespmem:$0x1CB60] =	vst v63  }
0x44: {  	_ =	swait.ge [sflag:s18], $0x1400  }
0x45: {  	[sflag:s18] =	ssyncset.done $0x0  }
0x46: {  	s16 =	rddreg [dreg:$0x10];
	[sflag:s18] =	ssyncadd.s32 $0xFFFFEC00  }
0x47: {  	[spmem:s16] =	stream.linear.scatter [tilespmem:s13], [sflag:$0x15], $0x1400, $0x38;
	[tilespmem:$0x1CB60] =	vst v63  }
0x48: {  	_ =	swait.ge [sflag:s18], $0x1400  }
0x49: {  	[sflag:s18] =	ssyncset.done $0x0  }
0x4a: {  	s17 =	rddreg [dreg:$0x11];
	[sflag:s18] =	ssyncadd.s32 $0xFFFFEC00  }
0x4b: {  	[spmem:s17] =	stream.linear.scatter [tilespmem:s13], [sflag:$0x15], $0x1400, $0x38;
	[tilespmem:$0x1CB60] =	vst v63  }
0x4c: {  	_ =	swait.ge [sflag:s18], $0x1400  }
0x4d: {  	[sflag:s18] =	ssyncset.done $0x0  }
0x4e: {  	s19 =	rddreg [dreg:$0x12];
	[sflag:s18] =	ssyncadd.s32 $0xFFFFEC00  }
0x4f: {  	[spmem:s19] =	stream.linear.scatter [tilespmem:s13], [sflag:$0x15], $0x1400, $0x38;
	[tilespmem:$0x1CB60] =	vst v63  }
0x50: {  	_ =	swait.ge [sflag:s18], $0x1400  }
0x51: {  	[sflag:s18] =	ssyncset.done $0x0  }
0x52: {  	s20 =	rddreg [dreg:$0x13];
	[sflag:s18] =	ssyncadd.s32 $0xFFFFEC00  }
0x53: {  	[spmem:s20] =	stream.linear.scatter [tilespmem:s13], [sflag:$0x15], $0x1400, $0x38;
	[tilespmem:$0x1CB60] =	vst v63  }
0x54: {  	_ =	swait.ge [sflag:s18], $0x1400  }
0x55: {  	[sflag:s18] =	ssyncset.done $0x0  }
0x56: {  	s21 =	rddreg [dreg:$0x14];
	[sflag:s18] =	ssyncadd.s32 $0xFFFFEC00  }
0x57: {  	[spmem:s21] =	stream.linear.scatter [tilespmem:s13], [sflag:$0x15], $0x1400, $0x38;
	[tilespmem:$0x1CB60] =	vst v63  }
0x58: {  	_ =	swait.ge [sflag:s18], $0x1400  }
0x59: {  	[sflag:s18] =	ssyncset.done $0x0  }
0x5a: {  	s7 =	simm.s32 @!p0 $0xCB20;
	s13 =	rddreg [dreg:$0x15];
	[sflag:s18] =	ssyncadd.s32 $0xFFFFEC00  }
0x5b: {  	[spmem:s13] =	stream.linear.scatter @!p0 [tilespmem:s7], [sflag:$0x15], $0x1400, $0x38;
	[tilespmem:$0x1CB60] =	vst v63  }
0x5c: {  	s7 =	simm.s32 @!p0 $0x15  }
0x5d: {  	_ =	swait.ge @!p0 [sflag:s7], $0x1400  }
0x5e: {  	[sflag:s7] =	ssyncset.done @!p0 $0x0  }
0x5f: {  	[sflag:s7] =	ssyncadd.s32 @!p0 $0xFFFFEC00  }
0x60: {  	s13 =	simm.s32 $0x0;
	s7 =	simm.s32 $0x0;
	[bflag:$0x0] =	sbarrier.arrive $0xFFFF  }
.LBB2_4:
0x61: {  	s16 =	smul.u32 $0x190, s13;
	p1 =	seq.s32 s13, $0x0  }
0x62: {  	s20 =	rddreg [dreg:$0x1b];
	s18 =	simm.s32 @!p1 $0x10  }
0x63: {  	s20 =	sadd.s32 s20, s16;
	_ =	swait.ge @!p1 [sflag:s18], $0x1400  }
0x64: {  	[sflag:s18] =	ssyncset.done @!p1 $0x0;
	s20 =	sshrl.u32 s20, $0x3  }
0x65: {  	s17 =	sld [smem:$0x7FA];
	[sflag:s18] =	ssyncadd.s32 @!p1 $0xFFFFEC00;
	s21 =	sadd.s32 s10, s20  }
0x66: {  	[tilespmem:s1], [sflag:$0x1] =	stream.linear.gather [hbm4b:s21+s1], $0x50, $0x38;
	[tilespmem:$0x1CB60] =	vst v63  }
0x67: {  	s0 =	sadd.s32 s11, s20;
	s18 =	simm.s32 @!p1 $0x11  }
0x68: {  	[tilespmem:s22], [sflag:$0x1] =	stream.linear.gather [hbm4b:s0+s1], $0x50, $0x38;
	[tilespmem:$0x1CB60] =	vst v63  }
0x69: {  	s20 =	sadd.s32 s17, s16;
	_ =	swait.ge @!p1 [sflag:s18], $0x1400  }
0x6a: {  	s20 =	sshrl.u32 s20, $0x3;
	[sflag:s18] =	ssyncset.done @!p1 $0x0  }
0x6b: {  	s19 =	sadd.s32 s10, s20;
	s21 =	sld [smem:$0x7FB];
	[sflag:s18] =	ssyncadd.s32 @!p1 $0xFFFFEC00  }
0x6c: {  	[tilespmem:s15], [sflag:$0x2] =	stream.linear.gather [hbm4b:s19+s1], $0x50, $0x38;
	[tilespmem:$0x1CB60] =	vst v63  }
0x6d: {  	s17 =	simm.s32 $0x1E0;
	s20 =	sadd.s32 s11, s20;
	s18 =	simm.s32 @!p1 $0x12  }
0x6e: {  	[tilespmem:s17], [sflag:$0x2] =	stream.linear.gather [hbm4b:s20+s1], $0x50, $0x38;
	[tilespmem:$0x1CB60] =	vst v63  }
0x6f: {  	s20 =	sadd.s32 s21, s16;
	_ =	swait.ge @!p1 [sflag:s18], $0x1400  }
0x70: {  	s20 =	sshrl.u32 s20, $0x3;
	[sflag:s18] =	ssyncset.done @!p1 $0x0  }
0x71: {  	s19 =	simm.s32 $0xA0;
	s0 =	sadd.s32 s10, s20;
	[sflag:s18] =	ssyncadd.s32 @!p1 $0xFFFFEC00  }
0x72: {  	[tilespmem:s19], [sflag:$0x3] =	stream.linear.gather [hbm4b:s0+s1], $0x50, $0x38;
	[tilespmem:$0x1CB60] =	vst v63  }
0x73: {  	s21 =	simm.s32 $0x230;
	s20 =	sadd.s32 s11, s20  }
0x74: {  	[tilespmem:s21], [sflag:$0x3] =	stream.linear.gather [hbm4b:s20+s1], $0x50, $0x38;
	[tilespmem:$0x1CB60] =	vst v63  }
0x75: {  	s20 =	sld [smem:$0x7FC];
	_ =	sdelay $0x1  }
0x76: {  	s18 =	simm.s32 @!p1 $0x13  }
0x77: {  	_ =	swait.ge @!p1 [sflag:s18], $0x1400;
	s20 =	sadd.s32 s20, s16  }
0x78: {  	[sflag:s18] =	ssyncset.done @!p1 $0x0;
	s20 =	sshrl.u32 s20, $0x3  }
0x79: {  	[sflag:s18] =	ssyncadd.s32 @!p1 $0xFFFFEC00;
	s18 =	sadd.s32 s10, s20  }
0x7a: {  	[tilespmem:s26], [sflag:$0x4] =	stream.linear.gather [hbm4b:s18+s1], $0x50, $0x38;
	[tilespmem:$0x1CB60] =	vst v63  }
0x7b: {  	s20 =	sadd.s32 s11, s20  }
0x7c: {  	[tilespmem:s29], [sflag:$0x4] =	stream.linear.gather [hbm4b:s20+s1], $0x50, $0x38;
	[tilespmem:$0x1CB60] =	vst v63  }
0x7d: {  	s20 =	sld [smem:$0x7FD];
	_ =	sdelay $0x1  }
0x7e: {  	s18 =	simm.s32 @!p1 $0x14  }
0x7f: {  	_ =	swait.ge @!p1 [sflag:s18], $0x1400;
	s16 =	sadd.s32 s20, s16  }
0x80: {  	[sflag:s18] =	ssyncset.done @!p1 $0x0;
	s16 =	sshrl.u32 s16, $0x3  }
0x81: {  	s0 =	simm.s32 $0x140;
	[sflag:s18] =	ssyncadd.s32 @!p1 $0xFFFFEC00;
	s20 =	sadd.s32 s10, s16  }
0x82: {  	[tilespmem:s0], [sflag:$0x5] =	stream.linear.gather [hbm4b:s20+s7], $0x50, $0x38;
	[tilespmem:$0x1CB60] =	vst v63  }
0x83: {  	s16 =	sadd.s32 s11, s16;
	s0 =	simm.s32 $0x2D0  }
0x84: {  	[tilespmem:s0], [sflag:$0x5] =	stream.linear.gather [hbm4b:s16+s7], $0x50, $0x38;
	[tilespmem:$0x1CB60] =	vst v63  }
0x85: {  	_ =	swait.ge [sflag:s24], $0x50  }
0x86: {  	[sflag:s24] =	ssyncset.done $0x0  }
0x87: {  	[sflag:s24] =	ssyncadd.s32 $0xFFFFFFB0  }
0x88: {  	_ =	swait.ge [sflag:s24], $0x50  }
0x89: {  	[sflag:s24] =	ssyncset.done $0x0  }
0x8a: {  	s18 =	simm.s32 $0x320;
	[sflag:s24] =	ssyncadd.s32 $0xFFFFFFB0  }
0x8b: {  	[tilespmem:s18], [sflag:$0x6] =	stream.indirect.gather [hbm4b:s2+s15], $0x40, s7, s15, $0xb8;
	[tilespmem:$0x1CB60] =	vst v63  }
0x8c: {  	s20 =	simm.s32 $0x6720  }
0x8d: {  	[tilespmem:s20], [sflag:$0xB] =	stream.indirect.gather [hbm4b:s23+s15], $0x40, s22, s15, $0xb8;
	[tilespmem:$0x1CB60] =	vst v63  }
0x8e: {  	_ =	swait.ge [sflag:s28], $0x50  }
0x8f: {  	[sflag:s28] =	ssyncset.done $0x0  }
0x90: {  	[sflag:s28] =	ssyncadd.s32 $0xFFFFFFB0  }
0x91: {  	_ =	swait.ge [sflag:s28], $0x50  }
0x92: {  	[sflag:s28] =	ssyncset.done $0x0  }
0x93: {  	s18 =	simm.s32 $0x1720;
	[sflag:s28] =	ssyncadd.s32 $0xFFFFFFB0  }
0x94: {  	[tilespmem:s18], [sflag:$0x7] =	stream.indirect.gather [hbm4b:s2+s15], $0x40, s15, s15, $0xb8;
	[tilespmem:$0x1CB60] =	vst v63  }
0x95: {  	s20 =	simm.s32 $0x7B20  }
0x96: {  	[tilespmem:s20], [sflag:$0xC] =	stream.indirect.gather [hbm4b:s23+s15], $0x40, s17, s15, $0xb8;
	[tilespmem:$0x1CB60] =	vst v63  }
0x97: {  	_ =	swait.ge [sflag:s12], $0x50  }
0x98: {  	[sflag:s12] =	ssyncset.done $0x0  }
0x99: {  	[sflag:s12] =	ssyncadd.s32 $0xFFFFFFB0  }
0x9a: {  	_ =	swait.ge [sflag:s12], $0x50  }
0x9b: {  	[sflag:s12] =	ssyncset.done $0x0  }
0x9c: {  	s18 =	simm.s32 $0x2B20;
	[sflag:s12] =	ssyncadd.s32 $0xFFFFFFB0  }
0x9d: {  	[tilespmem:s18], [sflag:$0x8] =	stream.indirect.gather [hbm4b:s2+s15], $0x40, s19, s15, $0xb8;
	[tilespmem:$0x1CB60] =	vst v63  }
0x9e: {  	s20 =	simm.s32 $0x8F20  }
0x9f: {  	[tilespmem:s20], [sflag:$0xD] =	stream.indirect.gather [hbm4b:s23+s15], $0x40, s21, s15, $0xb8;
	[tilespmem:$0x1CB60] =	vst v63  }
0xa0: {  	_ =	swait.ge [sflag:s25], $0x50  }
0xa1: {  	[sflag:s25] =	ssyncset.done $0x0  }
0xa2: {  	[sflag:s25] =	ssyncadd.s32 $0xFFFFFFB0  }
0xa3: {  	_ =	swait.ge [sflag:s25], $0x50  }
0xa4: {  	[sflag:s25] =	ssyncset.done $0x0  }
0xa5: {  	s18 =	simm.s32 $0x3F20;
	[sflag:s25] =	ssyncadd.s32 $0xFFFFFFB0  }
0xa6: {  	[tilespmem:s18], [sflag:$0x9] =	stream.indirect.gather [hbm4b:s2+s15], $0x40, s26, s15, $0xb8;
	[tilespmem:$0x1CB60] =	vst v63  }
0xa7: {  	s20 =	simm.s32 $0xA320  }
0xa8: {  	[tilespmem:s20], [sflag:$0xE] =	stream.indirect.gather [hbm4b:s23+s15], $0x40, s29, s15, $0xb8;
	[tilespmem:$0x1CB60] =	vst v63  }
0xa9: {  	_ =	swait.ge [sflag:s31], $0x50  }
0xaa: {  	[sflag:s31] =	ssyncset.done $0x0  }
0xab: {  	[sflag:s31] =	ssyncadd.s32 $0xFFFFFFB0  }
0xac: {  	_ =	swait.ge [sflag:s31], $0x50  }
0xad: {  	[sflag:s31] =	ssyncset.done $0x0  }
0xae: {  	s21 =	simm.s32 $0x140;
	s18 =	simm.s32 $0x5320;
	[sflag:s31] =	ssyncadd.s32 $0xFFFFFFB0  }
0xaf: {  	[tilespmem:s18], [sflag:$0xA] =	stream.indirect.gather [hbm4b:s2+s15], $0x40, s21, s15, $0xb8;
	[tilespmem:$0x1CB60] =	vst v63  }
0xb0: {  	s20 =	simm.s32 $0xB720;
	s18 =	simm.s32 $0x6  }
0xb1: {  	[tilespmem:s20], [sflag:$0xF] =	stream.indirect.gather [hbm4b:s23+s15], $0x40, s0, s15, $0xb8;
	[tilespmem:$0x1CB60] =	vst v63  }
0xb2: {  	_ =	swait.ge [sflag:s18], $0x1400  }
0xb3: {  	[sflag:s18] =	ssyncset.done $0x0  }
0xb4: {  	s20 =	simm.s32 $0xB;
	[sflag:s18] =	ssyncadd.s32 $0xFFFFEC00  }
0xb5: {  	_ =	swait.ge [sflag:s20], $0x1400  }
0xb6: {  	[sflag:s20] =	ssyncset.done $0x0  }
0xb7: {  	s18 =	simm.s32 $0x0;
	[sflag:s20] =	ssyncadd.s32 $0xFFFFEC00  }
0xb8: {  	v3 =	vld [tilespmem:s18+$0x350]  }
0xb9: {  	v4 =	vld [tilespmem:s18+$0x6750]  }
0xba: {  	v6 =	vld [tilespmem:s18+$0x320]  }
0xbb: {  	v7 =	vld [tilespmem:s18+$0x6720]  }
0xbc: {  	v2 =	vld [tilespmem:s18+$0x330]  }
0xbd: {  	v5 =	vld [tilespmem:s18+$0x6730]  }
0xbe: {  	v1 =	vld [tilespmem:s18+$0x340];
	v8 =	vadd.f32 v4, v3  }
0xbf: {  	s16 =	simm.s32 $0x40;
	v4 =	vld [tilespmem:s18+$0x6740]  }
0xc0: {  	s17 =	simm.s32 $0xA0;
	s19 =	simm.s32 $0xF0;
	s20 =	simm.s32 $0x200;
	v3 =	vld [tilespmem:s16+$0x350];
	v6 =	vadd.f32 v7, v6;
	v7 =	vmax.f32 v8, $0.0e+00  }
.LBB2_5:
0xc1: {  	p1 =	sne.s32 s20, $0x4F00;
	v8 =	vld [tilespmem:s16+$0x6750];
	[tilespmem:s18+$0xCB50] =	vst v7  }
0xc2: {  	v7 =	vld [tilespmem:s16+$0x320];
	v6 =	vmax.f32 v6, $0.0e+00;
	v5 =	vadd.f32 v5, v2  }
0xc3: {  	v9 =	vld [tilespmem:s16+$0x6720];
	[tilespmem:s18+$0xCB20] =	vst v6  }
.Ltmp1:
0xc4: {  	v2 =	vld [tilespmem:s16+$0x330];
	v6 =	vmax.f32 v5, $0.0e+00;
	v4 =	vadd.f32 v4, v1;
	(pc) =	sbr.rel @p1 .LBB2_5-.Ltmp1, $4  }
0xc5: {  	v5 =	vld [tilespmem:s16+$0x6730];
	[tilespmem:s18+$0xCB30] =	vst v6  }
0xc6: {  	v1 =	vld [tilespmem:s16+$0x340];
	v8 =	vadd.f32 v8, v3;
	v3 =	vmax.f32 v4, $0.0e+00  }
0xc7: {  	v4 =	vld [tilespmem:s16+$0x6740];
	[tilespmem:s18+$0xCB40] =	vst v3;
	s18 =	smov.u32 s16;
	s16 =	sshra.s32 s20, $0x2  }
0xc8: {  	s20 =	sadd.s32 $0x100, s20;
	v3 =	vld [tilespmem:s16+$0x350];
	v6 =	vadd.f32 v9, v7;
	v7 =	vmax.f32 v8, $0.0e+00  }
0xc9: {  	v8 =	vld [tilespmem:s16+$0x6750];
	[tilespmem:s18+$0xCB50] =	vst v7  }
0xca: {  	v7 =	vld [tilespmem:s16+$0x320];
	v6 =	vmax.f32 v6, $0.0e+00;
	v2 =	vadd.f32 v5, v2  }
0xcb: {  	v9 =	vld [tilespmem:s16+$0x6720];
	[tilespmem:s18+$0xCB20] =	vst v6  }
0xcc: {  	v5 =	vld [tilespmem:s16+$0x330];
	v2 =	vmax.f32 v2, $0.0e+00  }
0xcd: {  	v6 =	vld [tilespmem:s16+$0x6730];
	[tilespmem:s18+$0xCB30] =	vst v2  }
0xce: {  	v2 =	vld [tilespmem:s16+$0x340]  }
0xcf: {  	v10 =	vld [tilespmem:s16+$0x6740]  }
0xd0: {  	v1 =	vadd.f32 v4, v1  }
0xd1: {  	v3 =	vadd.f32 v8, v3  }
0xd2: {  	v1 =	vmax.f32 v1, $0.0e+00;
	v4 =	vadd.f32 v9, v7  }
0xd3: {  	[tilespmem:s18+$0xCB40] =	vst v1;
	v1 =	vmax.f32 v3, $0.0e+00;
	v3 =	vadd.f32 v6, v5  }
0xd4: {  	[tilespmem:s16+$0xCB50] =	vst v1;
	v1 =	vmax.f32 v4, $0.0e+00;
	v2 =	vadd.f32 v10, v2  }
0xd5: {  	[tilespmem:s16+$0xCB20] =	vst v1;
	v1 =	vmax.f32 v3, $0.0e+00  }
0xd6: {  	[tilespmem:s16+$0xCB30] =	vst v1;
	v1 =	vmax.f32 v2, $0.0e+00  }
0xd7: {  	s20 =	simm.s32 $0xCB20;
	s0 =	simm.s32 $0x7;
	s18 =	simm.s32 $0x0;
	[tilespmem:s16+$0xCB40] =	vst v1  }
0xd8: {  	[spmem:s14] =	stream.indirect.scatter.add.f32 [tilespmem:s20], [sflag:$0x10], $0x40, s18, s15, $0xb8;
	[tilespmem:$0x1CB60] =	vst v63  }
0xd9: {  	_ =	swait.ge [sflag:s0], $0x1400  }
0xda: {  	[sflag:s0] =	ssyncset.done $0x0  }
0xdb: {  	[sflag:s0] =	ssyncadd.s32 $0xFFFFEC00  }
0xdc: {  	_ =	swait.ge [sflag:s3], $0x1400  }
0xdd: {  	[sflag:s3] =	ssyncset.done $0x0  }
0xde: {  	s18 =	simm.s32 $0x0;
	[sflag:s3] =	ssyncadd.s32 $0xFFFFEC00  }
0xdf: {  	v3 =	vld [tilespmem:s18+$0x1750]  }
0xe0: {  	v4 =	vld [tilespmem:s18+$0x7B50]  }
0xe1: {  	v6 =	vld [tilespmem:s18+$0x1720]  }
0xe2: {  	v7 =	vld [tilespmem:s18+$0x7B20]  }
0xe3: {  	v2 =	vld [tilespmem:s18+$0x1730]  }
0xe4: {  	v5 =	vld [tilespmem:s18+$0x7B30]  }
0xe5: {  	v1 =	vld [tilespmem:s18+$0x1740];
	v8 =	vadd.f32 v4, v3  }
0xe6: {  	s16 =	simm.s32 $0x40;
	v4 =	vld [tilespmem:s18+$0x7B40]  }
0xe7: {  	s20 =	simm.s32 $0x200;
	v3 =	vld [tilespmem:s16+$0x1750];
	v6 =	vadd.f32 v7, v6;
	v7 =	vmax.f32 v8, $0.0e+00  }
.LBB2_7:
0xe8: {  	p1 =	sne.s32 s20, $0x4F00;
	v8 =	vld [tilespmem:s16+$0x7B50];
	[tilespmem:s18+$0xDF50] =	vst v7  }
0xe9: {  	v7 =	vld [tilespmem:s16+$0x1720];
	v6 =	vmax.f32 v6, $0.0e+00;
	v5 =	vadd.f32 v5, v2  }
0xea: {  	v9 =	vld [tilespmem:s16+$0x7B20];
	[tilespmem:s18+$0xDF20] =	vst v6  }
.Ltmp2:
0xeb: {  	v2 =	vld [tilespmem:s16+$0x1730];
	v6 =	vmax.f32 v5, $0.0e+00;
	v4 =	vadd.f32 v4, v1;
	(pc) =	sbr.rel @p1 .LBB2_7-.Ltmp2, $4  }
0xec: {  	v5 =	vld [tilespmem:s16+$0x7B30];
	[tilespmem:s18+$0xDF30] =	vst v6  }
0xed: {  	v1 =	vld [tilespmem:s16+$0x1740];
	v8 =	vadd.f32 v8, v3;
	v3 =	vmax.f32 v4, $0.0e+00  }
0xee: {  	v4 =	vld [tilespmem:s16+$0x7B40];
	[tilespmem:s18+$0xDF40] =	vst v3;
	s18 =	smov.u32 s16;
	s16 =	sshra.s32 s20, $0x2  }
0xef: {  	s20 =	sadd.s32 $0x100, s20;
	v3 =	vld [tilespmem:s16+$0x1750];
	v6 =	vadd.f32 v9, v7;
	v7 =	vmax.f32 v8, $0.0e+00  }
0xf0: {  	v8 =	vld [tilespmem:s16+$0x7B50];
	[tilespmem:s18+$0xDF50] =	vst v7  }
0xf1: {  	v7 =	vld [tilespmem:s16+$0x1720];
	v6 =	vmax.f32 v6, $0.0e+00;
	v2 =	vadd.f32 v5, v2  }
0xf2: {  	v9 =	vld [tilespmem:s16+$0x7B20];
	[tilespmem:s18+$0xDF20] =	vst v6  }
0xf3: {  	v5 =	vld [tilespmem:s16+$0x1730];
	v2 =	vmax.f32 v2, $0.0e+00  }
0xf4: {  	v6 =	vld [tilespmem:s16+$0x7B30];
	[tilespmem:s18+$0xDF30] =	vst v2  }
0xf5: {  	v2 =	vld [tilespmem:s16+$0x1740]  }
0xf6: {  	v10 =	vld [tilespmem:s16+$0x7B40]  }
0xf7: {  	v1 =	vadd.f32 v4, v1  }
0xf8: {  	v3 =	vadd.f32 v8, v3  }
0xf9: {  	v1 =	vmax.f32 v1, $0.0e+00;
	v4 =	vadd.f32 v9, v7  }
0xfa: {  	[tilespmem:s18+$0xDF40] =	vst v1;
	v1 =	vmax.f32 v3, $0.0e+00;
	v3 =	vadd.f32 v6, v5  }
0xfb: {  	[tilespmem:s16+$0xDF50] =	vst v1;
	v1 =	vmax.f32 v4, $0.0e+00;
	v2 =	vadd.f32 v10, v2  }
0xfc: {  	[tilespmem:s16+$0xDF20] =	vst v1;
	v1 =	vmax.f32 v3, $0.0e+00  }
0xfd: {  	[tilespmem:s16+$0xDF30] =	vst v1;
	v1 =	vmax.f32 v2, $0.0e+00  }
0xfe: {  	s0 =	simm.s32 $0xDF20;
	[tilespmem:s16+$0xDF40] =	vst v1  }
0xff: {  	[spmem:s14] =	stream.indirect.scatter.add.f32 [tilespmem:s0], [sflag:$0x11], $0x40, s15, s15, $0xb8;
	[tilespmem:$0x1CB60] =	vst v63  }
0x100: {  	_ =	swait.ge [sflag:s8], $0x1400  }
0x101: {  	[sflag:s8] =	ssyncset.done $0x0  }
0x102: {  	[sflag:s8] =	ssyncadd.s32 $0xFFFFEC00  }
0x103: {  	_ =	swait.ge [sflag:s9], $0x1400  }
0x104: {  	[sflag:s9] =	ssyncset.done $0x0  }
0x105: {  	s18 =	simm.s32 $0x0;
	[sflag:s9] =	ssyncadd.s32 $0xFFFFEC00  }
0x106: {  	v3 =	vld [tilespmem:s18+$0x2B50]  }
0x107: {  	v4 =	vld [tilespmem:s18+$0x8F50]  }
0x108: {  	v6 =	vld [tilespmem:s18+$0x2B20]  }
0x109: {  	v7 =	vld [tilespmem:s18+$0x8F20]  }
0x10a: {  	v2 =	vld [tilespmem:s18+$0x2B30]  }
0x10b: {  	v5 =	vld [tilespmem:s18+$0x8F30]  }
0x10c: {  	v1 =	vld [tilespmem:s18+$0x2B40];
	v8 =	vadd.f32 v4, v3  }
0x10d: {  	s16 =	simm.s32 $0x40;
	v4 =	vld [tilespmem:s18+$0x8F40]  }
0x10e: {  	s20 =	simm.s32 $0x200;
	v3 =	vld [tilespmem:s16+$0x2B50];
	v6 =	vadd.f32 v7, v6;
	v7 =	vmax.f32 v8, $0.0e+00  }
.LBB2_9:
0x10f: {  	p1 =	sne.s32 s20, $0x4F00;
	v8 =	vld [tilespmem:s16+$0x8F50];
	[tilespmem:s18+$0xF350] =	vst v7  }
0x110: {  	v7 =	vld [tilespmem:s16+$0x2B20];
	v6 =	vmax.f32 v6, $0.0e+00;
	v5 =	vadd.f32 v5, v2  }
0x111: {  	v9 =	vld [tilespmem:s16+$0x8F20];
	[tilespmem:s18+$0xF320] =	vst v6  }
.Ltmp3:
0x112: {  	v2 =	vld [tilespmem:s16+$0x2B30];
	v6 =	vmax.f32 v5, $0.0e+00;
	v4 =	vadd.f32 v4, v1;
	(pc) =	sbr.rel @p1 .LBB2_9-.Ltmp3, $4  }
0x113: {  	v5 =	vld [tilespmem:s16+$0x8F30];
	[tilespmem:s18+$0xF330] =	vst v6  }
0x114: {  	v1 =	vld [tilespmem:s16+$0x2B40];
	v8 =	vadd.f32 v8, v3;
	v3 =	vmax.f32 v4, $0.0e+00  }
0x115: {  	v4 =	vld [tilespmem:s16+$0x8F40];
	[tilespmem:s18+$0xF340] =	vst v3;
	s18 =	smov.u32 s16;
	s16 =	sshra.s32 s20, $0x2  }
0x116: {  	s20 =	sadd.s32 $0x100, s20;
	v3 =	vld [tilespmem:s16+$0x2B50];
	v6 =	vadd.f32 v9, v7;
	v7 =	vmax.f32 v8, $0.0e+00  }
0x117: {  	v8 =	vld [tilespmem:s16+$0x8F50];
	[tilespmem:s18+$0xF350] =	vst v7  }
0x118: {  	v7 =	vld [tilespmem:s16+$0x2B20];
	v6 =	vmax.f32 v6, $0.0e+00;
	v2 =	vadd.f32 v5, v2  }
0x119: {  	v9 =	vld [tilespmem:s16+$0x8F20];
	[tilespmem:s18+$0xF320] =	vst v6  }
0x11a: {  	v5 =	vld [tilespmem:s16+$0x2B30];
	v2 =	vmax.f32 v2, $0.0e+00  }
0x11b: {  	v6 =	vld [tilespmem:s16+$0x8F30];
	[tilespmem:s18+$0xF330] =	vst v2  }
0x11c: {  	v2 =	vld [tilespmem:s16+$0x2B40]  }
0x11d: {  	v10 =	vld [tilespmem:s16+$0x8F40]  }
0x11e: {  	v1 =	vadd.f32 v4, v1  }
0x11f: {  	v3 =	vadd.f32 v8, v3  }
0x120: {  	v1 =	vmax.f32 v1, $0.0e+00;
	v4 =	vadd.f32 v9, v7  }
0x121: {  	[tilespmem:s18+$0xF340] =	vst v1;
	v1 =	vmax.f32 v3, $0.0e+00;
	v3 =	vadd.f32 v6, v5  }
0x122: {  	[tilespmem:s16+$0xF350] =	vst v1;
	v1 =	vmax.f32 v4, $0.0e+00;
	v2 =	vadd.f32 v10, v2  }
0x123: {  	[tilespmem:s16+$0xF320] =	vst v1;
	v1 =	vmax.f32 v3, $0.0e+00  }
0x124: {  	[tilespmem:s16+$0xF330] =	vst v1;
	v1 =	vmax.f32 v2, $0.0e+00  }
0x125: {  	s0 =	simm.s32 $0xF320;
	[tilespmem:s16+$0xF340] =	vst v1  }
0x126: {  	[spmem:s14] =	stream.indirect.scatter.add.f32 [tilespmem:s0], [sflag:$0x12], $0x40, s17, s15, $0xb8;
	[tilespmem:$0x1CB60] =	vst v63  }
0x127: {  	_ =	swait.ge [sflag:s30], $0x1400  }
0x128: {  	[sflag:s30] =	ssyncset.done $0x0  }
0x129: {  	[sflag:s30] =	ssyncadd.s32 $0xFFFFEC00  }
0x12a: {  	_ =	swait.ge [sflag:s4], $0x1400  }
0x12b: {  	[sflag:s4] =	ssyncset.done $0x0  }
0x12c: {  	s18 =	simm.s32 $0x0;
	[sflag:s4] =	ssyncadd.s32 $0xFFFFEC00  }
0x12d: {  	v3 =	vld [tilespmem:s18+$0x3F50]  }
0x12e: {  	v4 =	vld [tilespmem:s18+$0xA350]  }
0x12f: {  	v6 =	vld [tilespmem:s18+$0x3F20]  }
0x130: {  	v7 =	vld [tilespmem:s18+$0xA320]  }
0x131: {  	v2 =	vld [tilespmem:s18+$0x3F30]  }
0x132: {  	v5 =	vld [tilespmem:s18+$0xA330]  }
0x133: {  	v1 =	vld [tilespmem:s18+$0x3F40];
	v8 =	vadd.f32 v4, v3  }
0x134: {  	s16 =	simm.s32 $0x40;
	v4 =	vld [tilespmem:s18+$0xA340]  }
0x135: {  	s20 =	simm.s32 $0x200;
	v3 =	vld [tilespmem:s16+$0x3F50];
	v6 =	vadd.f32 v7, v6;
	v7 =	vmax.f32 v8, $0.0e+00  }
.LBB2_11:
0x136: {  	p1 =	sne.s32 s20, $0x4F00;
	v8 =	vld [tilespmem:s16+$0xA350];
	[tilespmem:s18+$0x10750] =	vst v7  }
0x137: {  	v7 =	vld [tilespmem:s16+$0x3F20];
	v6 =	vmax.f32 v6, $0.0e+00;
	v5 =	vadd.f32 v5, v2  }
0x138: {  	v9 =	vld [tilespmem:s16+$0xA320];
	[tilespmem:s18+$0x10720] =	vst v6  }
.Ltmp4:
0x139: {  	v2 =	vld [tilespmem:s16+$0x3F30];
	v6 =	vmax.f32 v5, $0.0e+00;
	v4 =	vadd.f32 v4, v1;
	(pc) =	sbr.rel @p1 .LBB2_11-.Ltmp4, $4  }
0x13a: {  	v5 =	vld [tilespmem:s16+$0xA330];
	[tilespmem:s18+$0x10730] =	vst v6  }
0x13b: {  	v1 =	vld [tilespmem:s16+$0x3F40];
	v8 =	vadd.f32 v8, v3;
	v3 =	vmax.f32 v4, $0.0e+00  }
0x13c: {  	v4 =	vld [tilespmem:s16+$0xA340];
	[tilespmem:s18+$0x10740] =	vst v3;
	s18 =	smov.u32 s16;
	s16 =	sshra.s32 s20, $0x2  }
0x13d: {  	s20 =	sadd.s32 $0x100, s20;
	v3 =	vld [tilespmem:s16+$0x3F50];
	v6 =	vadd.f32 v9, v7;
	v7 =	vmax.f32 v8, $0.0e+00  }
0x13e: {  	v8 =	vld [tilespmem:s16+$0xA350];
	[tilespmem:s18+$0x10750] =	vst v7  }
0x13f: {  	v7 =	vld [tilespmem:s16+$0x3F20];
	v6 =	vmax.f32 v6, $0.0e+00;
	v2 =	vadd.f32 v5, v2  }
0x140: {  	v9 =	vld [tilespmem:s16+$0xA320];
	[tilespmem:s18+$0x10720] =	vst v6  }
0x141: {  	v5 =	vld [tilespmem:s16+$0x3F30];
	v2 =	vmax.f32 v2, $0.0e+00  }
0x142: {  	v6 =	vld [tilespmem:s16+$0xA330];
	[tilespmem:s18+$0x10730] =	vst v2  }
0x143: {  	v2 =	vld [tilespmem:s16+$0x3F40]  }
0x144: {  	v10 =	vld [tilespmem:s16+$0xA340]  }
0x145: {  	v1 =	vadd.f32 v4, v1  }
0x146: {  	v3 =	vadd.f32 v8, v3  }
0x147: {  	v1 =	vmax.f32 v1, $0.0e+00;
	v4 =	vadd.f32 v9, v7  }
0x148: {  	[tilespmem:s18+$0x10740] =	vst v1;
	v1 =	vmax.f32 v3, $0.0e+00;
	v3 =	vadd.f32 v6, v5  }
0x149: {  	[tilespmem:s16+$0x10750] =	vst v1;
	v1 =	vmax.f32 v4, $0.0e+00;
	v2 =	vadd.f32 v10, v2  }
0x14a: {  	[tilespmem:s16+$0x10720] =	vst v1;
	v1 =	vmax.f32 v3, $0.0e+00  }
0x14b: {  	[tilespmem:s16+$0x10730] =	vst v1;
	v1 =	vmax.f32 v2, $0.0e+00  }
0x14c: {  	s0 =	simm.s32 $0x10720;
	[tilespmem:s16+$0x10740] =	vst v1  }
0x14d: {  	[spmem:s14] =	stream.indirect.scatter.add.f32 [tilespmem:s0], [sflag:$0x13], $0x40, s19, s15, $0xb8;
	[tilespmem:$0x1CB60] =	vst v63  }
0x14e: {  	_ =	swait.ge [sflag:s5], $0x1400  }
0x14f: {  	[sflag:s5] =	ssyncset.done $0x0  }
0x150: {  	[sflag:s5] =	ssyncadd.s32 $0xFFFFEC00  }
0x151: {  	_ =	swait.ge [sflag:s6], $0x1400  }
0x152: {  	[sflag:s6] =	ssyncset.done $0x0  }
0x153: {  	s18 =	simm.s32 $0x0;
	[sflag:s6] =	ssyncadd.s32 $0xFFFFEC00  }
0x154: {  	v3 =	vld [tilespmem:s18+$0x5350]  }
0x155: {  	v4 =	vld [tilespmem:s18+$0xB750]  }
0x156: {  	v6 =	vld [tilespmem:s18+$0x5320]  }
0x157: {  	v7 =	vld [tilespmem:s18+$0xB720]  }
0x158: {  	v2 =	vld [tilespmem:s18+$0x5330]  }
0x159: {  	v5 =	vld [tilespmem:s18+$0xB730]  }
0x15a: {  	v1 =	vld [tilespmem:s18+$0x5340];
	v8 =	vadd.f32 v4, v3  }
0x15b: {  	s16 =	simm.s32 $0x40;
	v4 =	vld [tilespmem:s18+$0xB740]  }
0x15c: {  	s20 =	simm.s32 $0x200;
	v3 =	vld [tilespmem:s16+$0x5350];
	v6 =	vadd.f32 v7, v6;
	v7 =	vmax.f32 v8, $0.0e+00  }
.LBB2_13:
0x15d: {  	p1 =	sne.s32 s20, $0x4F00;
	v8 =	vld [tilespmem:s16+$0xB750];
	[tilespmem:s18+$0x11B50] =	vst v7  }
0x15e: {  	v7 =	vld [tilespmem:s16+$0x5320];
	v6 =	vmax.f32 v6, $0.0e+00;
	v5 =	vadd.f32 v5, v2  }
0x15f: {  	v9 =	vld [tilespmem:s16+$0xB720];
	[tilespmem:s18+$0x11B20] =	vst v6  }
.Ltmp5:
0x160: {  	v2 =	vld [tilespmem:s16+$0x5330];
	v6 =	vmax.f32 v5, $0.0e+00;
	v4 =	vadd.f32 v4, v1;
	(pc) =	sbr.rel @p1 .LBB2_13-.Ltmp5, $4  }
0x161: {  	v5 =	vld [tilespmem:s16+$0xB730];
	[tilespmem:s18+$0x11B30] =	vst v6  }
0x162: {  	v1 =	vld [tilespmem:s16+$0x5340];
	v8 =	vadd.f32 v8, v3;
	v3 =	vmax.f32 v4, $0.0e+00  }
0x163: {  	v4 =	vld [tilespmem:s16+$0xB740];
	[tilespmem:s18+$0x11B40] =	vst v3;
	s18 =	smov.u32 s16;
	s16 =	sshra.s32 s20, $0x2  }
0x164: {  	s20 =	sadd.s32 $0x100, s20;
	v3 =	vld [tilespmem:s16+$0x5350];
	v6 =	vadd.f32 v9, v7;
	v7 =	vmax.f32 v8, $0.0e+00  }
0x165: {  	v8 =	vld [tilespmem:s16+$0xB750];
	[tilespmem:s18+$0x11B50] =	vst v7  }
0x166: {  	v7 =	vld [tilespmem:s16+$0x5320];
	v6 =	vmax.f32 v6, $0.0e+00;
	v2 =	vadd.f32 v5, v2  }
0x167: {  	v9 =	vld [tilespmem:s16+$0xB720];
	[tilespmem:s18+$0x11B20] =	vst v6  }
0x168: {  	v62 =	vld [tilespmem:s16+$0x5330];
	v2 =	vmax.f32 v2, $0.0e+00  }
0x169: {  	v6 =	vld [tilespmem:s16+$0xB730];
	[tilespmem:s18+$0x11B30] =	vst v2  }
0x16a: {  	v2 =	vld [tilespmem:s16+$0x5340]  }
0x16b: {  	v10 =	vld [tilespmem:s16+$0xB740]  }
0x16c: {  	v1 =	vadd.f32 v4, v1  }
0x16d: {  	v3 =	vadd.f32 v8, v3  }
0x16e: {  	s13 =	sadd.s32 $0x1, s13;
	v1 =	vmax.f32 v1, $0.0e+00;
	v63 =	vadd.f32 v9, v7  }
0x16f: {  	p1 =	sne.s32 s13, $0x32;
	[tilespmem:s18+$0x11B40] =	vst v1;
	v1 =	vmax.f32 v3, $0.0e+00;
	v3 =	vadd.f32 v6, v62  }
.Ltmp6:
0x170: {  	[tilespmem:s16+$0x11B50] =	vst v1;
	v1 =	vmax.f32 v63, $0.0e+00;
	v2 =	vadd.f32 v10, v2;
	(pc) =	sbr.rel @p1 .LBB2_4-.Ltmp6, $4  }
0x171: {  	[tilespmem:s16+$0x11B20] =	vst v1;
	v1 =	vmax.f32 v3, $0.0e+00  }
0x172: {  	[tilespmem:s16+$0x11B30] =	vst v1;
	v1 =	vmax.f32 v2, $0.0e+00  }
0x173: {  	s0 =	simm.s32 $0x11B20;
	[tilespmem:s16+$0x11B40] =	vst v1  }
0x174: {  	[spmem:s14] =	stream.indirect.scatter.add.f32 [tilespmem:s0], [sflag:$0x14], $0x40, s21, s15, $0xb8;
	[tilespmem:$0x1CB60] =	vst v63  }
0x175: {  	s0 =	simm.s32 $0x10  }
0x176: {  	_ =	swait.ge [sflag:s0], $0x1400  }
0x177: {  	[sflag:s0] =	ssyncset.done $0x0  }
0x178: {  	s13 =	simm.s32 $0x11;
	[sflag:s0] =	ssyncadd.s32 $0xFFFFEC00  }
0x179: {  	_ =	swait.ge [sflag:s13], $0x1400  }
0x17a: {  	[sflag:s13] =	ssyncset.done $0x0  }
0x17b: {  	s16 =	simm.s32 $0x12;
	[sflag:s13] =	ssyncadd.s32 $0xFFFFEC00  }
0x17c: {  	_ =	swait.ge [sflag:s16], $0x1400  }
0x17d: {  	[sflag:s16] =	ssyncset.done $0x0  }
0x17e: {  	s17 =	simm.s32 $0x13;
	[sflag:s16] =	ssyncadd.s32 $0xFFFFEC00  }
0x17f: {  	_ =	swait.ge [sflag:s17], $0x1400  }
0x180: {  	[sflag:s17] =	ssyncset.done $0x0  }
0x181: {  	s18 =	simm.s32 $0x14;
	[sflag:s17] =	ssyncadd.s32 $0xFFFFEC00  }
0x182: {  	_ =	swait.ge [sflag:s18], $0x1400  }
0x183: {  	[sflag:s18] =	ssyncset.done $0x0  }
0x184: {  	[sflag:s18] =	ssyncadd.s32 $0xFFFFEC00  }
0x185: {  	s7 =	stileid.u32;
	[bflag:$0x0] =	sbarrier.arrive $0xFFFF  }
0x186: {  	s7 =	sshll.u32 s7, $0x6;
	s13 =	rddreg [dreg:$0x6]  }
0x187: {  	s7 =	sor.u32 $0x1C15, s7;
	s18 =	simm.s32 $0x15;
	s16 =	rddreg [dreg:$0x17]  }
0x188: {  	[hbm:s13], [sflag:s7] =	dma.local [spmem:s16], $0x280  }
0x189: {  	_ =	swait.ge [sflag:s18], $0x280  }
0x18a: {  	[sflag:s18] =	ssyncset.done $0x0;
	s19 =	rddreg [dreg:$0x7]  }
0x18b: {  	s20 =	rddreg [dreg:$0x18];
	[sflag:s18] =	ssyncadd.s32 $0xFFFFFD80  }
0x18c: {  	[hbm:s19], [sflag:s7] =	dma.local [spmem:s20], $0x280  }
0x18d: {  	_ =	swait.ge [sflag:s18], $0x280  }
0x18e: {  	[sflag:s18] =	ssyncset.done $0x0;
	s21 =	rddreg [dreg:$0x8]  }
0x18f: {  	s0 =	rddreg [dreg:$0x19];
	[sflag:s18] =	ssyncadd.s32 $0xFFFFFD80  }
0x190: {  	[hbm:s21], [sflag:s7] =	dma.local [spmem:s0], $0x280  }
0x191: {  	_ =	swait.ge [sflag:s18], $0x280  }
0x192: {  	[sflag:s18] =	ssyncset.done $0x0;
	s16 =	rddreg [dreg:$0x9]  }
0x193: {  	s17 =	rddreg [dreg:$0x1a];
	[sflag:s18] =	ssyncadd.s32 $0xFFFFFD80  }
0x194: {  	[hbm:s16], [sflag:s7] =	dma.local [spmem:s17], $0x280  }
0x195: {  	_ =	swait.ge [sflag:s18], $0x280  }
0x196: {  	[sflag:s18] =	ssyncset.done $0x0;
	s19 =	rddreg [dreg:$0xa]  }
0x197: {  	s20 =	rddreg [dreg:$0x1c];
	[sflag:s18] =	ssyncadd.s32 $0xFFFFFD80  }
0x198: {  	[hbm:s19], [sflag:s7] =	dma.local [spmem:s20], $0x280  }
0x199: {  	_ =	swait.ge [sflag:s18], $0x280  }
0x19a: {  	[sflag:s18] =	ssyncset.done $0x0;
	s21 =	rddreg [dreg:$0xb]  }
0x19b: {  	s0 =	rddreg [dreg:$0x1d];
	[sflag:s18] =	ssyncadd.s32 $0xFFFFFD80  }
0x19c: {  	[hbm:s21], [sflag:s7] =	dma.local [spmem:s0], $0x280  }
0x19d: {  	_ =	swait.ge [sflag:s18], $0x280  }
0x19e: {  	[sflag:s18] =	ssyncset.done $0x0;
	s17 =	rddreg [dreg:$0xc]  }
0x19f: {  	s19 =	rddreg [dreg:$0x1e];
	[sflag:s18] =	ssyncadd.s32 $0xFFFFFD80  }
0x1a0: {  	[hbm:s17], [sflag:s7] =	dma.local [spmem:s19], $0x280  }
0x1a1: {  	_ =	swait.ge [sflag:s18], $0x280  }
0x1a2: {  	[sflag:s18] =	ssyncset.done $0x0;
	s13 =	rddreg [dreg:$0xd]  }
0x1a3: {  	s16 =	rddreg [dreg:$0x1f];
	[sflag:s18] =	ssyncadd.s32 $0xFFFFFD80  }
0x1a4: {  	[hbm:s13], [sflag:s7] =	dma.local @!p0 [spmem:s16], $0x280  }
0x1a5: {  	s7 =	simm.s32 @!p0 $0x15  }
0x1a6: {  	_ =	swait.ge @!p0 [sflag:s7], $0x280  }
0x1a7: {  	s20 =	sld [smem:$0x7F9];
	_ =	sdelay $0x2  }
0x1a8: {  	s21 =	rddreg [dreg:$0x16];
	s0 =	sadd.s32 $0x1, s20  }
0x1a9: {  	p1 =	sne.s32 s0, s21  }
.Ltmp7:
0x1aa: {  	_ = 	snop;
	(pc) =	sbr.rel @p1 .LBB2_1-.Ltmp7, $3  }
0x1ab: {  	_ =	sdelay $0x1  }
0x1ac: {  	[sflag:s7] =	ssyncset.done @!p0 $0x0  }
0x1ad: {  	[sflag:s7] =	ssyncadd.s32 @!p0 $0xFFFFFD80  }
0x1ae: {  	_ =	sfence.sel $0x180000  }
0x1af: {  	[bflag:$0x0] =	sbarrier.arrive $0xFFFF  }
0x1b0: {  	_ =	strace $0x90000047  }
0x1b1: {  	s0 =	stileid.u32;
	[bflag:$0x2] =	sbarrier.arrive $0xFFFF  }
0x1b2: {  	p0 =	sne.s32 s0, $0x0;
	s0 =	rddreg [dreg:$0x5]  }
0x1b3: {  	s0 =	sadd.s32 @!p0 $0x100000, s0  }
0x1b4: {  	[sflag:s0] =	ssyncadd.tile.s32 @!p0 $0x1;
	_ =	shalt  }
.Lfunc_end2:
_tile_overlayer_lowered:
.L_overlay_start_2:
0x1b5: {  	(tag) =	ssettag $0x2  }
0x1b6: {  	s0 =	rddreg [dreg:$0x0];
	s2 =	stileid.u32  }
0x1b7: {  	s1 =	rddreg [dreg:$0x1];
	p0 =	sne.s32 s2, $0x0  }
0x1b8: {  	s3 =	rddreg [dreg:$0x2];
	[bflag:$0x3] =	sbarrier.arrive $0xFFFF;
	s2 =	simm.s32 @!p0 $0x1C15  }
0x1b9: {  	[timem:s3], [sflag:s2] =	dma.local @!p0 [hbm:s0], s1  }
0x1ba: {  	s0 =	simm.s32 @!p0 $0x15  }
0x1bb: {  	_ =	swait.ge @!p0 [sflag:s0], s1  }
0x1bc: {  	s1 =	ssub.s32 @!p0 $0x0, s1;
	[sflag:s0] =	ssyncset.done @!p0 $0x0  }
0x1bd: {  	[sflag:s0] =	ssyncadd.s32 @!p0 s1  }
0x1be: {  	[bflag:$0x3] =	sbarrier.arrive $0xFFFF  }
0x1bf: {  	_ =	shalt  }

</sc_bundles>
